<compile_context>
chip_gen: v7x
topology: tpu7x:2x2x1
jax: 0.10.2.dev20260603
libtpu: 0.0.44.dev20260713+nightly
codegen_flags: <defaults>
</compile_context>

<pallas_src>
import functools

import jax
import jax.numpy as jnp
from jax import lax
from jax.experimental import pallas as pl
from jax.experimental.pallas import tpu as pltpu
from jax.experimental.pallas import tpu_sc as plsc

B = 8
NPER = 2826
K = 10
N = B * NPER
E = N * K
EDIL = E // 4
NPAD = 2944
TM = 368
NCT = NPAD // TM
TN = 1256
NBLK = N // TN
EPS = 1e-5
NEG = -1e30
FPOS = 8
FX = 32

SC_CHUNK = 128
EPAD = 229376



def _knn_body(pts_ref, ptsT_ref, out_ref):
    p = pts_ref[0]
    pt = ptsT_ref[0]
    sqi = jnp.sum(p * p, axis=1, keepdims=True)
    sqj = jnp.sum(pt * pt, axis=0, keepdims=True)
    dot = jax.lax.dot_general(p, pt, (((1,), (0,)), ((), ())),
                              preferred_element_type=jnp.float32, precision=lax.Precision.HIGHEST)
    d2 = sqi + sqj - 2.0 * dot
    colid = lax.broadcasted_iota(jnp.int32, (TM, NPAD), 1)
    d2 = jnp.where(colid < NPER, d2, jnp.float32(-NEG))
    b = pl.program_id(0)
    lane = lax.broadcasted_iota(jnp.int32, (TM, 16), 1)
    acc = jnp.zeros((TM, 16), jnp.int32)
    d = d2
    for t in range(K):
        mval = jnp.min(d, axis=1, keepdims=True)
        cand = jnp.where(d == mval, colid, jnp.int32(2**30))
        it = jnp.min(cand, axis=1, keepdims=True)
        acc = jnp.where(lane == t, it + b * NPER, acc)
        d = jnp.where(colid == it, jnp.float32(-NEG), d)
    out_ref[0] = acc


def _knn(pts):
    F = pts.shape[-1]
    ptsT = jnp.swapaxes(pts, 1, 2)
    return pl.pallas_call(
        _knn_body,
        grid=(B, NCT),
        in_specs=[
            pl.BlockSpec((1, TM, F), lambda b, i: (b, i, 0)),
            pl.BlockSpec((1, F, NPAD), lambda b, i: (b, 0, 0)),
        ],
        out_specs=pl.BlockSpec((1, TM, 16), lambda b, i: (b, i, 0)),
        out_shape=jax.ShapeDtypeStruct((B, NPAD, 16), jnp.int32),
    )(pts, ptsT)



def _sc_gather(tpos, ipos, tx, ix):
    info = plsc.get_sparse_core_info()
    nw = info.num_cores * info.num_subcores
    per_w = EPAD // nw
    nch = per_w // SC_CHUNK
    mesh = plsc.VectorSubcoreMesh(core_axis_name="c", subcore_axis_name="s")

    nbuf = 4
    @functools.partial(
        pl.kernel,
        out_type=(jax.ShapeDtypeStruct((EPAD, FPOS), jnp.float32),
                  jax.ShapeDtypeStruct((EPAD, FX), jnp.float32)),
        mesh=mesh,
        scratch_types=[
            pltpu.VMEM((per_w,), jnp.int32),
            pltpu.VMEM((per_w,), jnp.int32),
            pltpu.VMEM((nbuf * SC_CHUNK, FPOS), jnp.float32),
            pltpu.VMEM((nbuf * SC_CHUNK, FX), jnp.float32),
            pltpu.SemaphoreType.DMA,
            pltpu.SemaphoreType.DMA,
        ],
        compiler_params=pltpu.CompilerParams(use_tc_tiling_on_sc=False),
    )
    def k(tpos_h, ipos_h, tx_h, ix_h, opos_h, ox_h,
          ip_all, ix_all, rp_v, rx_v, semp, semx):
        wid = lax.axis_index("s") * info.num_cores + lax.axis_index("c")
        base0 = wid * per_w
        pltpu.sync_copy(ipos_h.at[pl.ds(base0, per_w)], ip_all)
        pltpu.sync_copy(ix_h.at[pl.ds(base0, per_w)], ix_all)

        def body(o, carry):
            ob = o * (nbuf * SC_CHUNK)
            cps = []
            for b in range(nbuf):
                lo = ob + b * SC_CHUNK
                dst = pl.ds(b * SC_CHUNK, SC_CHUNK)
                cps.append(pltpu.async_copy(
                    tpos_h.at[ip_all.at[pl.ds(lo, SC_CHUNK)]],
                    rp_v.at[dst], semp))
                cps.append(pltpu.async_copy(
                    tx_h.at[ix_all.at[pl.ds(lo, SC_CHUNK)]],
                    rx_v.at[dst], semx))
            for cp in cps:
                cp.wait()
            pltpu.sync_copy(rp_v, opos_h.at[pl.ds(base0 + ob, nbuf * SC_CHUNK)])
            pltpu.sync_copy(rx_v, ox_h.at[pl.ds(base0 + ob, nbuf * SC_CHUNK)])
            return carry

        lax.fori_loop(0, nch // nbuf, body, 0)

    return k(tpos, ipos, tx, ix)



FCAT = 40


def _conv_p1_body(scat_ref, fcat_ref, wt_ref, wb_ref, b1_ref,
                  stf_ref, stm_ref):
    i = pl.program_id(0)

    @pl.when(i == 0)
    def _():
        stf_ref[...] = jnp.zeros_like(stf_ref)
        stm_ref[...] = jnp.zeros_like(stm_ref)

    tcat = jnp.dot(fcat_ref[...], wt_ref[...], preferred_element_type=jnp.float32,
                   precision=lax.Precision.HIGHEST) + b1_ref[...]
    rid = lax.broadcasted_iota(jnp.int32, (TN, 1), 0)
    even = (rid % 2) == 0
    ci = lax.broadcasted_iota(jnp.int32, (1, 256), 1)
    colb = jnp.logical_or(jnp.logical_and(ci >= 64, ci < 128), ci >= 192)
    sf = jnp.zeros((1, 256), jnp.float32)
    qf = jnp.zeros((1, 256), jnp.float32)
    sm = jnp.zeros((1, 256), jnp.float32)
    qm = jnp.zeros((1, 256), jnp.float32)
    for j in range(K):
        y1 = jnp.maximum(
            jnp.dot(scat_ref[j], wb_ref[...], preferred_element_type=jnp.float32,
                    precision=lax.Precision.HIGHEST) + tcat, 0.0)
        sf = sf + jnp.sum(y1, axis=0, keepdims=True)
        qf = qf + jnp.sum(y1 * y1, axis=0, keepdims=True)
        if j % 2 == 0:
            par = even if j in (0, 4, 8) else jnp.logical_not(even)
            w = jnp.where(jnp.logical_and(colb, par), y1, 0.0)
            sm = sm + jnp.sum(w, axis=0, keepdims=True)
            qm = qm + jnp.sum(w * w, axis=0, keepdims=True)
    stf_ref[0:1, :] += sf
    stf_ref[1:2, :] += qf
    stm_ref[0:1, :] += sm
    stm_ref[1:2, :] += qm


def _conv_p2_body(scat_ref, fcat_ref, wt_ref, wb_ref, b1_ref,
                  w2_ref, b2_ref, m_ref, stf_ref, stm_ref):
    i = pl.program_id(0)

    @pl.when(i == 0)
    def _():
        stf_ref[...] = jnp.zeros_like(stf_ref)
        stm_ref[...] = jnp.zeros_like(stm_ref)

    tcat = jnp.dot(fcat_ref[...], wt_ref[...], preferred_element_type=jnp.float32,
                   precision=lax.Precision.HIGHEST) + b1_ref[...]
    rid = lax.broadcasted_iota(jnp.int32, (TN, 1), 0)
    even = (rid % 2) == 0
    ci = lax.broadcasted_iota(jnp.int32, (1, 256), 1)
    colb = jnp.logical_or(jnp.logical_and(ci >= 64, ci < 128), ci >= 192)
    cola = jnp.logical_not(colb)
    m = jnp.full((TN, 256), NEG, jnp.float32)
    sf = jnp.zeros((1, 256), jnp.float32)
    qf = jnp.zeros((1, 256), jnp.float32)
    sm = jnp.zeros((1, 256), jnp.float32)
    qm = jnp.zeros((1, 256), jnp.float32)
    for j in range(K):
        y1 = jnp.maximum(
            jnp.dot(scat_ref[j], wb_ref[...], preferred_element_type=jnp.float32,
                    precision=lax.Precision.HIGHEST) + tcat, 0.0)
        y2 = jnp.maximum(
            jnp.dot(y1, w2_ref[...], preferred_element_type=jnp.float32,
                    precision=lax.Precision.HIGHEST) + b2_ref[...], 0.0)
        sf = sf + jnp.sum(y2, axis=0, keepdims=True)
        qf = qf + jnp.sum(y2 * y2, axis=0, keepdims=True)
        if j % 2 == 0:
            par = even if j in (0, 4, 8) else jnp.logical_not(even)
            allowed = jnp.logical_or(cola, par)
            m = jnp.maximum(m, jnp.where(allowed, y2, NEG))
            w = jnp.where(jnp.logical_and(colb, par), y2, 0.0)
            sm = sm + jnp.sum(w, axis=0, keepdims=True)
            qm = qm + jnp.sum(w * w, axis=0, keepdims=True)
        else:
            m = jnp.maximum(m, jnp.where(cola, y2, NEG))
    m_ref[...] = m
    stf_ref[0:1, :] += sf
    stf_ref[1:2, :] += qf
    stm_ref[0:1, :] += sm
    stm_ref[1:2, :] += qm


def _w_spec(shape):
    return pl.BlockSpec(shape, lambda i: tuple(0 for _ in shape))


def _conv_p1(scat, fcat, wt, wb, b1):
    return pl.pallas_call(
        _conv_p1_body,
        grid=(NBLK,),
        in_specs=[
            pl.BlockSpec((K, TN, FCAT), lambda i: (0, i, 0)),
            pl.BlockSpec((TN, FCAT), lambda i: (i, 0)),
            _w_spec(wt.shape), _w_spec(wb.shape), _w_spec(b1.shape),
        ],
        out_specs=[
            pl.BlockSpec((2, 256), lambda i: (0, 0)),
            pl.BlockSpec((2, 256), lambda i: (0, 0)),
        ],
        out_shape=[
            jax.ShapeDtypeStruct((2, 256), jnp.float32),
            jax.ShapeDtypeStruct((2, 256), jnp.float32),
        ],
    )(scat, fcat, wt, wb, b1)


def _conv_p2(scat, fcat, wt, wb, b1, w2, b2):
    return pl.pallas_call(
        _conv_p2_body,
        grid=(NBLK,),
        in_specs=[
            pl.BlockSpec((K, TN, FCAT), lambda i: (0, i, 0)),
            pl.BlockSpec((TN, FCAT), lambda i: (i, 0)),
            _w_spec(wt.shape), _w_spec(wb.shape), _w_spec(b1.shape),
            _w_spec(w2.shape), _w_spec(b2.shape),
        ],
        out_specs=[
            pl.BlockSpec((TN, 256), lambda i: (i, 0)),
            pl.BlockSpec((2, 256), lambda i: (0, 0)),
            pl.BlockSpec((2, 256), lambda i: (0, 0)),
        ],
        out_shape=[
            jax.ShapeDtypeStruct((N, 256), jnp.float32),
            jax.ShapeDtypeStruct((2, 256), jnp.float32),
            jax.ShapeDtypeStruct((2, 256), jnp.float32),
        ],
    )(scat, fcat, wt, wb, b1, w2, b2)



def _lin1p2_body(y1_ref, w_ref, b_ref, y_ref, st_ref):
    i = pl.program_id(0)

    @pl.when(i == 0)
    def _():
        st_ref[...] = jnp.zeros_like(st_ref)

    y = jnp.maximum(
        jnp.dot(y1_ref[...], w_ref[...], preferred_element_type=jnp.float32, precision=lax.Precision.HIGHEST)
        + b_ref[...], 0.0)
    y_ref[...] = y
    st_ref[0:1, :] += jnp.sum(y, axis=0, keepdims=True)
    st_ref[1:2, :] += jnp.sum(y * y, axis=0, keepdims=True)


def _hand_gmax_body(y2_ref, a_ref, c_ref, hand_ref, gmax_ref):
    i = pl.program_id(0)

    @pl.when(i == 0)
    def _():
        gmax_ref[...] = jnp.full_like(gmax_ref, NEG)

    z = a_ref[...] * y2_ref[...] + c_ref[...]
    hand_ref[0, 0, :] = jnp.max(z, axis=1)
    start = i * TN
    rid = lax.broadcasted_iota(jnp.int32, (TN, 1), 0) + start
    sid = rid // NPER
    s0 = start // NPER
    s1 = (start + TN - 1) // NPER
    for sv in (s0, s1):
        msk = sid == sv
        ms = jnp.max(jnp.where(msk, z, NEG), axis=0, keepdims=True)
        cur = gmax_ref[pl.ds(sv, 1), :]
        gmax_ref[pl.ds(sv, 1), :] = jnp.maximum(cur, ms)


def _head_body(gnorm_ref, hand_ref, wg_ref, bg_ref,
               mw1_ref, mb1_ref, mw2_ref, mb2_ref, mw3_ref, mb3_ref,
               mwo_ref, mbo_ref, gterm_ref, mano_ref):
    g = gnorm_ref[...]
    gterm_ref[...] = (
        jnp.dot(g, wg_ref[...], preferred_element_type=jnp.float32, precision=lax.Precision.HIGHEST) + bg_ref[...])
    h = hand_ref[...]
    for w_ref, b_ref in ((mw1_ref, mb1_ref), (mw2_ref, mb2_ref),
                         (mw3_ref, mb3_ref)):
        h = jnp.maximum(
            jnp.dot(h, w_ref[...], preferred_element_type=jnp.float32, precision=lax.Precision.HIGHEST)
            + b_ref[...], 0.0)
        mu = jnp.mean(h, axis=0, keepdims=True)
        var = jnp.mean(h * h, axis=0, keepdims=True) - mu * mu
        h = (h - mu) * lax.rsqrt(var + EPS)
    mano_ref[...] = (
        jnp.dot(h, mwo_ref[...], preferred_element_type=jnp.float32, precision=lax.Precision.HIGHEST) + mbo_ref[...])


def _mlp1_body(m_ref, oh_ref, wf_ref, woh_ref, gterm_ref, y_ref, st_ref):
    i = pl.program_id(0)

    @pl.when(i == 0)
    def _():
        st_ref[...] = jnp.zeros_like(st_ref)

    acc = jnp.dot(m_ref[...], wf_ref[...], preferred_element_type=jnp.float32, precision=lax.Precision.HIGHEST)
    acc = acc + jnp.dot(oh_ref[...], woh_ref[...], preferred_element_type=jnp.float32, precision=lax.Precision.HIGHEST)
    start = i * TN
    rid = lax.broadcasted_iota(jnp.int32, (TN, 1), 0) + start
    sid = rid // NPER
    s0 = start // NPER
    s1 = (start + TN - 1) // NPER
    row0 = gterm_ref[pl.ds(s0, 1), :]
    acc = acc + jnp.where(sid == s0, 1.0, 0.0) * row0
    row1 = gterm_ref[pl.ds(s1, 1), :]
    acc = acc + jnp.where(jnp.logical_and(sid == s1, s1 > s0), 1.0, 0.0) * row1
    y = jnp.maximum(acc, 0.0)
    y_ref[...] = y
    st_ref[0:1, :] += jnp.sum(y, axis=0, keepdims=True)
    st_ref[1:2, :] += jnp.sum(y * y, axis=0, keepdims=True)


def _out_body(y2_ref, w_ref, b_ref, o_ref):
    o = jnp.dot(y2_ref[...], w_ref[...], preferred_element_type=jnp.float32, precision=lax.Precision.HIGHEST) + b_ref[...]
    mx = jnp.max(o, axis=1, keepdims=True)
    lse = mx + jnp.log(jnp.sum(jnp.exp(o - mx), axis=1, keepdims=True))
    o_ref[...] = o - lse


def _row_call(body, ins, in_specs, out_specs, out_shape):
    return pl.pallas_call(
        body, grid=(NBLK,), in_specs=in_specs, out_specs=out_specs,
        out_shape=out_shape)(*ins)



def _bn_affine(st, n, g, be):
    mu = st[0] / n
    var = st[1] / n - mu * mu
    a = g * lax.rsqrt(var + EPS)
    c = be - mu * a
    return a, c


def _row(v):
    return v.reshape(1, -1)


def kernel(x, pos, onehot, batch, params):
    del batch
    x = x.astype(jnp.float32)
    pos = pos.astype(jnp.float32)
    onehot = onehot.astype(jnp.float32)

    posr = jnp.pad(pos.reshape(B, NPER, 3), ((0, 0), (0, NPAD - NPER), (0, FPOS - 3)))
    xr = jnp.pad(x.reshape(B, NPER, 25), ((0, 0), (0, NPAD - NPER), (0, FX - 25)))
    idxp = _knn(posr)[:, :NPER, :K]
    idxx = _knn(xr)[:, :NPER, :K]

    srcp = jnp.transpose(idxp, (2, 0, 1)).reshape(-1)
    srcx = jnp.transpose(idxx, (2, 0, 1)).reshape(-1)
    srcp = jnp.pad(srcp, (0, EPAD - E))
    srcx = jnp.pad(srcx, (0, EPAD - E))

    tpos = jnp.pad(pos, ((0, 0), (0, FPOS - 3)))
    tx = jnp.pad(x, ((0, 0), (0, FX - 25)))
    sp, sx = _sc_gather(tpos, srcp, tx, srcx)
    scat = jnp.concatenate([sp[:E].reshape(K, N, FPOS),
                            sx[:E].reshape(K, N, FX)], axis=2)
    fcat = jnp.concatenate([tpos, tx], axis=1)

    convs = [params["conv1"], params["conv2"], params["conv3"], params["conv4"]]
    f0s = [3, 3, 25, 25]
    r0s = [0, 0, FPOS, FPOS]
    wt_bd = jnp.zeros((FCAT, 256), jnp.float32)
    wb_bd = jnp.zeros((FCAT, 256), jnp.float32)
    b1cat = jnp.zeros((1, 256), jnp.float32)
    for c, (ps, f0, r0) in enumerate(zip(convs, f0s, r0s)):
        w1 = ps[0]["W"]
        wt_bd = wt_bd.at[r0:r0 + f0, 64 * c:64 * c + 64].set(w1[:f0] - w1[f0:])
        wb_bd = wb_bd.at[r0:r0 + f0, 64 * c:64 * c + 64].set(w1[f0:])
        b1cat = b1cat.at[0, 64 * c:64 * c + 64].set(ps[0]["b"])

    stf1, stm1 = _conv_p1(scat, fcat, wt_bd, wb_bd, b1cat)

    w2_bd = jnp.zeros((256, 256), jnp.float32)
    b2cat = jnp.zeros((1, 256), jnp.float32)
    for c, ps in enumerate(convs):
        st = (stf1 if c in (0, 2) else stm1)[:, 64 * c:64 * c + 64]
        n = E if c in (0, 2) else EDIL
        a, cc = _bn_affine(st, n, ps[0]["g"], ps[0]["be"])
        w2_bd = w2_bd.at[64 * c:64 * c + 64, 64 * c:64 * c + 64].set(
            a[:, None] * ps[1]["W"])
        b2cat = b2cat.at[0, 64 * c:64 * c + 64].set(cc @ ps[1]["W"] + ps[1]["b"])

    mcat, stf2, stm2 = _conv_p2(scat, fcat, wt_bd, wb_bd, b1cat, w2_bd, b2cat)

    afs, cfs = [], []
    for c, ps in enumerate(convs):
        st = (stf2 if c in (0, 2) else stm2)[:, 64 * c:64 * c + 64]
        n = E if c in (0, 2) else EDIL
        a, cc = _bn_affine(st, n, ps[1]["g"], ps[1]["be"])
        afs.append(a)
        cfs.append(cc)
    a_f = jnp.concatenate(afs)
    c_f = jnp.concatenate(cfs)

    l1a, l1b = params["lin1"][0], params["lin1"][1]
    wl1 = a_f[:, None] * l1a["W"]
    bl1 = _row(c_f @ l1a["W"] + l1a["b"])
    y1l, st1l = _row_call(
        _lin1p2_body,
        (mcat, wl1, bl1),
        [pl.BlockSpec((TN, 256), lambda i: (i, 0)),
         _w_spec((256, 256)), _w_spec((1, 256))],
        [pl.BlockSpec((TN, 256), lambda i: (i, 0)),
         pl.BlockSpec((2, 256), lambda i: (0, 0))],
        [jax.ShapeDtypeStruct((N, 256), jnp.float32),
         jax.ShapeDtypeStruct((2, 256), jnp.float32)],
    )
    a1l, c1l = _bn_affine(st1l, N, l1a["g"], l1a["be"])
    wl2 = a1l[:, None] * l1b["W"]
    bl2 = _row(c1l @ l1b["W"] + l1b["b"])
    y2l, st2l = _row_call(
        _lin1p2_body,
        (y1l, wl2, bl2),
        [pl.BlockSpec((TN, 256), lambda i: (i, 0)),
         _w_spec((256, 1024)), _w_spec((1, 1024))],
        [pl.BlockSpec((TN, 1024), lambda i: (i, 0)),
         pl.BlockSpec((2, 1024), lambda i: (0, 0))],
        [jax.ShapeDtypeStruct((N, 1024), jnp.float32),
         jax.ShapeDtypeStruct((2, 1024), jnp.float32)],
    )
    a2l, c2l = _bn_affine(st2l, N, l1b["g"], l1b["be"])

    hand3, graw = _row_call(
        _hand_gmax_body,
        (y2l, _row(a2l), _row(c2l)),
        [pl.BlockSpec((TN, 1024), lambda i: (i, 0)),
         _w_spec((1, 1024)), _w_spec((1, 1024))],
        [pl.BlockSpec((1, 1, TN), lambda i: (i, 0, 0)),
         pl.BlockSpec((8, 1024), lambda i: (0, 0))],
        [jax.ShapeDtypeStruct((NBLK, 1, TN), jnp.float32),
         jax.ShapeDtypeStruct((8, 1024), jnp.float32)],
    )
    hand = hand3.reshape(B, NPER)[:, :778]
    hand_p = jnp.pad(hand, ((0, 0), (0, 896 - 778)))

    w1m = params["mlp1"][0]
    wg = w1m["W"][:1024]
    woh = w1m["W"][1024:1052]
    wfm = a_f[:, None] * w1m["W"][1052:1308]
    bg = _row(c_f @ w1m["W"][1052:1308] + w1m["b"])
    mn1, mn2, mn3 = params["mano1"][0], params["mano2"][0], params["mano3"][0]
    mw1 = jnp.pad(mn1["W"], ((0, 896 - 778), (0, 0)))
    gterm, mano = pl.pallas_call(
        _head_body,
        out_shape=[jax.ShapeDtypeStruct((8, 256), jnp.float32),
                   jax.ShapeDtypeStruct((8, 15), jnp.float32)],
    )(graw, hand_p, wg, bg,
      mw1, _row(mn1["b"]), mn2["W"], _row(mn2["b"]), mn3["W"], _row(mn3["b"]),
      params["mano_out_W"], _row(params["mano_out_b"]))

    y1m, st1m = _row_call(
        _mlp1_body,
        (mcat, onehot, a_f[:, None] * w1m["W"][1052:1308], woh, gterm),
        [pl.BlockSpec((TN, 256), lambda i: (i, 0)),
         pl.BlockSpec((TN, 28), lambda i: (i, 0)),
         _w_spec((256, 256)), _w_spec((28, 256)), _w_spec((8, 256))],
        [pl.BlockSpec((TN, 256), lambda i: (i, 0)),
         pl.BlockSpec((2, 256), lambda i: (0, 0))],
        [jax.ShapeDtypeStruct((N, 256), jnp.float32),
         jax.ShapeDtypeStruct((2, 256), jnp.float32)],
    )
    m1p = params["mlp1"][0]
    a1m, c1m = _bn_affine(st1m, N, m1p["g"], m1p["be"])

    m2p = params["mlp2"][0]
    wm2 = a1m[:, None] * m2p["W"]
    bm2 = _row(c1m @ m2p["W"] + m2p["b"])
    y2m, st2m = _row_call(
        _lin1p2_body,
        (y1m, wm2, bm2),
        [pl.BlockSpec((TN, 256), lambda i: (i, 0)),
         _w_spec((256, 128)), _w_spec((1, 128))],
        [pl.BlockSpec((TN, 128), lambda i: (i, 0)),
         pl.BlockSpec((2, 128), lambda i: (0, 0))],
        [jax.ShapeDtypeStruct((N, 128), jnp.float32),
         jax.ShapeDtypeStruct((2, 128), jnp.float32)],
    )
    a2m, c2m = _bn_affine(st2m, N, m2p["g"], m2p["be"])

    wo = a2m[:, None] * params["mlp_out_W"]
    bo = _row(c2m @ params["mlp_out_W"] + params["mlp_out_b"])
    logits = _row_call(
        _out_body,
        (y2m, wo, bo),
        [pl.BlockSpec((TN, 128), lambda i: (i, 0)),
         _w_spec((128, 10)), _w_spec((1, 10))],
        pl.BlockSpec((TN, 10), lambda i: (i, 0)),
        jax.ShapeDtypeStruct((N, 10), jnp.float32),
    )
    return (logits, mano)

# --- scband reference (transcript-rebuilt; emitter-appended) ---
"""Pipeline reference for scband-net-73229192397025 (READ-ONLY COPY).

The authoritative reference and input builder live on the scoring server;
editing this copy changes nothing except your own understanding.
"""

import jax, jax.numpy as jnp
import numpy as np

N_PER = 2826
K = 10
DIL = 4

def mlp_params(key, channels):
    ps = []
    for i in range(1, len(channels)):
        key, k1 = jax.random.split(key)
        W = jax.random.normal(k1, (channels[i - 1], channels[i]), dtype=jnp.float32) / np.sqrt(channels[i - 1])
        ps.append({"W": W, "b": jnp.zeros((channels[i],), jnp.float32), "g": jnp.ones((channels[i],), jnp.float32), "be": jnp.zeros((channels[i],), jnp.float32)})
    return ps

def mlp_apply(ps, x):
    # Seq(Linear, ReLU, BatchNorm1d) blocks; BN uses batch statistics (training-mode forward)
    for p in ps:
        x = x @ p["W"] + p["b"]
        x = jax.nn.relu(x)
        mu = jnp.mean(x, axis=0)
        var = jnp.var(x, axis=0)
        x = p["g"] * (x - mu) / jnp.sqrt(var + 1e-5) + p["be"]
    return x

def knn_edges(points, n_per, k):
    # knn_graph(loop=True, flow='source_to_target'): edge_index[0]=neighbor(src), edge_index[1]=query(tgt)
    N = points.shape[0]
    B = N // n_per
    pts = points.reshape(B, n_per, -1)
    def per_sample(p):
        sq = jnp.sum(p * p, axis=1)
        d2 = sq[:, None] + sq[None, :] - 2.0 * (p @ p.T)
        _, idx = jax.lax.top_k(-d2, k)
        return idx
    idx = jax.lax.map(per_sample, pts)
    offs = (jnp.arange(B) * n_per)[:, None, None]
    src = (idx + offs).reshape(-1)
    tgt = jnp.repeat(jnp.arange(N), k)
    return jnp.stack([src, tgt]).astype(jnp.int64)

def edge_conv(ps, feats, edge_index):
    # EdgeConv: nn(cat[x_i, x_j - x_i]) aggregated with max over target nodes
    src = edge_index[0]
    tgt = edge_index[1]
    h = jnp.concatenate([feats[tgt], feats[src] - feats[tgt]], axis=1)
    m = mlp_apply(ps, h)
    return jax.ops.segment_max(m, tgt, num_segments=feats.shape[0])

def init_params(key):
    ks = jax.random.split(key, 12)
    return {
        "conv1": mlp_params(ks[0], [6, 64, 64]),
        "conv2": mlp_params(ks[1], [6, 64, 64]),
        "conv3": mlp_params(ks[2], [50, 64, 64]),
        "conv4": mlp_params(ks[3], [50, 64, 64]),
        "lin1": mlp_params(ks[4], [256, 256, 1024]),
        "mlp1": mlp_params(ks[5], [1308, 256]),
        "mlp2": mlp_params(ks[6], [256, 128]),
        "mlp_out_W": jax.random.normal(ks[7], (128, 10), jnp.float32) / np.sqrt(128.0),
        "mlp_out_b": jnp.zeros((10,), jnp.float32),
        "mano1": mlp_params(ks[8], [778, 256]),
        "mano2": mlp_params(ks[9], [256, 128]),
        "mano3": mlp_params(ks[10], [128, 64]),
        "mano_out_W": jax.random.normal(ks[11], (64, 15), jnp.float32) / np.sqrt(64.0),
        "mano_out_b": jnp.zeros((15,), jnp.float32),
    }

def setup_inputs(seed: int = 0):
    key = jax.random.key(seed)
    B = 8
    N = B * N_PER
    k1, k2, k3, k4 = jax.random.split(key, 4)
    x = jax.random.normal(k1, (N, 25), dtype=jnp.float32)
    pos = jax.random.normal(k2, (N, 3), dtype=jnp.float32)
    onehot = jax.random.uniform(k3, (N, 28), dtype=jnp.float32)
    batch = jnp.repeat(jnp.arange(B), N_PER).astype(jnp.int64)
    params = init_params(k4)
    return {"x": x, "pos": pos, "onehot": onehot, "batch": batch, "params": params}

def forward(x, pos, onehot, params):
    N = x.shape[0]
    B = N // N_PER
    ei_pos = knn_edges(pos, N_PER, K)
    ei_x = knn_edges(x, N_PER, K)
    x1 = edge_conv(params["conv1"], pos, ei_pos)
    x2 = edge_conv(params["conv2"], pos, ei_pos[:, ::DIL])
    x3 = edge_conv(params["conv3"], x, ei_x)
    x4 = edge_conv(params["conv4"], x, ei_x[:, ::DIL])
    feat = jnp.concatenate([x1, x2, x3, x4], axis=1)
    out = mlp_apply(params["lin1"], feat)
    gf = out.reshape(B, N_PER, 1024)
    hand = jnp.max(gf, axis=2)[:, :778]
    h = mlp_apply(params["mano1"], hand)
    h = mlp_apply(params["mano2"], h)
    h = mlp_apply(params["mano3"], h)
    mano = h @ params["mano_out_W"] + params["mano_out_b"]
    gmax = jnp.max(gf, axis=1, keepdims=True)
    gmax = jnp.broadcast_to(gmax, (B, N_PER, 1024))
    feat3 = feat.reshape(B, N_PER, 256)
    oh = onehot.reshape(B, N_PER, 28)
    o = jnp.concatenate([gmax, oh, feat3], axis=2).reshape(-1, 1308)
    o = mlp_apply(params["mlp1"], o)
    o = mlp_apply(params["mlp2"], o)
    o = o @ params["mlp_out_W"] + params["mlp_out_b"]
    return (jax.nn.log_softmax(o, axis=1), mano)

def reference(x, pos, onehot, batch, params):
    # batch is block-structured (B samples x 2826 nodes); knn is computed per block
    return forward(x, pos, onehot, params)

if __name__ == "__main__":
    import jax
    _d = setup_inputs()
    print(jax.jit(kernel)(*tuple(_d.values())))

</pallas_src>

<mosaic_0001>
#map = affine_map<(d0, d1) -> (0, 0)>
#map1 = affine_map<(d0, d1) -> (0)>
module attributes {stable_mosaic.version = 14 : i64} {
  func.func @k(%arg0: i32, %arg1: i32, %arg2: memref<22608x8xf32, #tpu.memory_space<hbm>>, %arg3: memref<229376xi32, #tpu.memory_space<hbm>>, %arg4: memref<22608x32xf32, #tpu.memory_space<hbm>>, %arg5: memref<229376xi32, #tpu.memory_space<hbm>>, %arg6: memref<229376x8xf32, #tpu.memory_space<hbm>>, %arg7: memref<229376x32xf32, #tpu.memory_space<hbm>>, %arg8: memref<7168xi32, #tpu.memory_space<vmem>>, %arg9: memref<7168xi32, #tpu.memory_space<vmem>>, %arg10: memref<512x8xf32, #tpu.memory_space<vmem>>, %arg11: memref<512x32xf32, #tpu.memory_space<vmem>>, %arg12: memref<!tpu.dma_semaphore, #tpu.memory_space<semaphore_mem>>, %arg13: memref<!tpu.dma_semaphore, #tpu.memory_space<semaphore_mem>>) attributes {dimension_semantics = [#tpu.dimension_semantics<core_parallel>, #tpu.dimension_semantics<subcore_parallel>], iteration_bounds = array<i64: 2, 16>, scalar_prefetch = 0 : i64, scratch_operands = 6 : i64, tpu.core_type = #tpu.core_type<sc_vector_subcore>, window_params = [{transform_indices = #map}, {transform_indices = #map1}, {transform_indices = #map}, {transform_indices = #map1}, {transform_indices = #map}, {transform_indices = #map}]} {
    %mul3A = arith.constant 2 : i32
    %mul3A_0 = arith.muli %arg1, %mul3A : i32
    %add3A = arith.addi %mul3A_0, %arg0 : i32
    %mul3A_1 = arith.constant 7168 : i32
    %mul3A_2 = arith.muli %add3A, %mul3A_1 : i32
    "tpu.region"() ({
      %run_scoped3A = tpu.sem_alloc : memref<!tpu.dma_semaphore, #tpu.memory_space<semaphore_mem>>
      %dma_start3A = tpu.memref_slice %arg3[%mul3A_2] : memref<229376xi32, #tpu.memory_space<hbm>> -> memref<7168xi32, #tpu.memory_space<hbm>>
      %dma_start3A_8 = tpu.memref_slice %arg3[%mul3A_2] : memref<229376xi32, #tpu.memory_space<hbm>> -> memref<7168xi32, #tpu.memory_space<hbm>>
      tpu.enqueue_dma source(%dma_start3A_8 : memref<7168xi32, #tpu.memory_space<hbm>>) target(%arg8 : memref<7168xi32, #tpu.memory_space<vmem>>) target_semaphore(%run_scoped3A : memref<!tpu.dma_semaphore, #tpu.memory_space<semaphore_mem>>)
      %dma_wait3A = tpu.memref_slice %arg3[%mul3A_2] : memref<229376xi32, #tpu.memory_space<hbm>> -> memref<7168xi32, #tpu.memory_space<hbm>>
      %dma_wait3A_9 = tpu.memref_slice %arg3[%mul3A_2] : memref<229376xi32, #tpu.memory_space<hbm>> -> memref<7168xi32, #tpu.memory_space<hbm>>
      tpu.wait_dma2 semaphore(%run_scoped3A : memref<!tpu.dma_semaphore, #tpu.memory_space<semaphore_mem>>) src(%dma_wait3A_9 : memref<7168xi32, #tpu.memory_space<hbm>>) dst(%arg8 : memref<7168xi32, #tpu.memory_space<vmem>>)
      tpu.yield
    }) : () -> ()
    "tpu.region"() ({
      %run_scoped3A = tpu.sem_alloc : memref<!tpu.dma_semaphore, #tpu.memory_space<semaphore_mem>>
      %dma_start3A = tpu.memref_slice %arg5[%mul3A_2] : memref<229376xi32, #tpu.memory_space<hbm>> -> memref<7168xi32, #tpu.memory_space<hbm>>
      %dma_start3A_8 = tpu.memref_slice %arg5[%mul3A_2] : memref<229376xi32, #tpu.memory_space<hbm>> -> memref<7168xi32, #tpu.memory_space<hbm>>
      tpu.enqueue_dma source(%dma_start3A_8 : memref<7168xi32, #tpu.memory_space<hbm>>) target(%arg9 : memref<7168xi32, #tpu.memory_space<vmem>>) target_semaphore(%run_scoped3A : memref<!tpu.dma_semaphore, #tpu.memory_space<semaphore_mem>>)
      %dma_wait3A = tpu.memref_slice %arg5[%mul3A_2] : memref<229376xi32, #tpu.memory_space<hbm>> -> memref<7168xi32, #tpu.memory_space<hbm>>
      %dma_wait3A_9 = tpu.memref_slice %arg5[%mul3A_2] : memref<229376xi32, #tpu.memory_space<hbm>> -> memref<7168xi32, #tpu.memory_space<hbm>>
      tpu.wait_dma2 semaphore(%run_scoped3A : memref<!tpu.dma_semaphore, #tpu.memory_space<semaphore_mem>>) src(%dma_wait3A_9 : memref<7168xi32, #tpu.memory_space<hbm>>) dst(%arg9 : memref<7168xi32, #tpu.memory_space<vmem>>)
      tpu.yield
    }) : () -> ()
    %scan3A = arith.constant 0 : i32
    %scan3A_3 = arith.constant 0 : i32
    %scan3A_4 = arith.constant 14 : i32
    %scan3A_5 = arith.addi %scan3A_3, %scan3A_4 : i32
    %scan3A_6 = arith.constant 1 : i32
    scf.for %scan3A_8 = %scan3A_3 to %scan3A_5 step %scan3A_6  : i32 {
      %mul3A_9 = arith.constant 512 : i32
      %mul3A_10 = arith.muli %scan3A_8, %mul3A_9 : i32
      %add3A_11 = arith.constant 0 : i32
      %add3A_12 = arith.addi %mul3A_10, %add3A_11 : i32
      %dma_start3A = arith.constant 0 : i32
      %dma_start3A_13 = arith.constant 0 : i32
      %dma_start3A_14 = tpu.memref_slice %arg10[%dma_start3A, %dma_start3A_13] : memref<512x8xf32, #tpu.memory_space<vmem>> -> memref<128x8xf32, #tpu.memory_space<vmem>>
      %dma_start3A_15 = tpu.memref_slice %arg8[%add3A_12] : memref<7168xi32, #tpu.memory_space<vmem>> -> memref<128xi32, #tpu.memory_space<vmem>>
      %dma_start3A_16 = arith.constant 0 : i32
      %dma_start3A_17 = arith.constant 0 : i32
      %dma_start3A_18 = tpu.memref_slice %arg2[%dma_start3A_16, %dma_start3A_17] : memref<22608x8xf32, #tpu.memory_space<hbm>> -> memref<22608x8xf32, #tpu.memory_space<hbm>>
      tpu.enqueue_indirect_dma source(%dma_start3A_18 : memref<22608x8xf32, #tpu.memory_space<hbm>>) target(%dma_start3A_14 : memref<128x8xf32, #tpu.memory_space<vmem>>) offsets(%dma_start3A_15 : memref<128xi32, #tpu.memory_space<vmem>>) semaphore(%arg12 : memref<!tpu.dma_semaphore, #tpu.memory_space<semaphore_mem>>)
      %dma_start3A_19 = arith.constant 0 : i32
      %dma_start3A_20 = arith.constant 0 : i32
      %dma_start3A_21 = tpu.memref_slice %arg11[%dma_start3A_19, %dma_start3A_20] : memref<512x32xf32, #tpu.memory_space<vmem>> -> memref<128x32xf32, #tpu.memory_space<vmem>>
      %dma_start3A_22 = tpu.memref_slice %arg9[%add3A_12] : memref<7168xi32, #tpu.memory_space<vmem>> -> memref<128xi32, #tpu.memory_space<vmem>>
      %dma_start3A_23 = arith.constant 0 : i32
      %dma_start3A_24 = arith.constant 0 : i32
      %dma_start3A_25 = tpu.memref_slice %arg4[%dma_start3A_23, %dma_start3A_24] : memref<22608x32xf32, #tpu.memory_space<hbm>> -> memref<22608x32xf32, #tpu.memory_space<hbm>>
      tpu.enqueue_indirect_dma source(%dma_start3A_25 : memref<22608x32xf32, #tpu.memory_space<hbm>>) target(%dma_start3A_21 : memref<128x32xf32, #tpu.memory_space<vmem>>) offsets(%dma_start3A_22 : memref<128xi32, #tpu.memory_space<vmem>>) semaphore(%arg13 : memref<!tpu.dma_semaphore, #tpu.memory_space<semaphore_mem>>)
      %add3A_26 = arith.constant 128 : i32
      %add3A_27 = arith.addi %mul3A_10, %add3A_26 : i32
      %dma_start3A_28 = arith.constant 128 : i32
      %dma_start3A_29 = arith.constant 0 : i32
      %dma_start3A_30 = tpu.memref_slice %arg10[%dma_start3A_28, %dma_start3A_29] : memref<512x8xf32, #tpu.memory_space<vmem>> -> memref<128x8xf32, #tpu.memory_space<vmem>>
      %dma_start3A_31 = tpu.memref_slice %arg8[%add3A_27] : memref<7168xi32, #tpu.memory_space<vmem>> -> memref<128xi32, #tpu.memory_space<vmem>>
      %dma_start3A_32 = arith.constant 0 : i32
      %dma_start3A_33 = arith.constant 0 : i32
      %dma_start3A_34 = tpu.memref_slice %arg2[%dma_start3A_32, %dma_start3A_33] : memref<22608x8xf32, #tpu.memory_space<hbm>> -> memref<22608x8xf32, #tpu.memory_space<hbm>>
      tpu.enqueue_indirect_dma source(%dma_start3A_34 : memref<22608x8xf32, #tpu.memory_space<hbm>>) target(%dma_start3A_30 : memref<128x8xf32, #tpu.memory_space<vmem>>) offsets(%dma_start3A_31 : memref<128xi32, #tpu.memory_space<vmem>>) semaphore(%arg12 : memref<!tpu.dma_semaphore, #tpu.memory_space<semaphore_mem>>)
      %dma_start3A_35 = arith.constant 128 : i32
      %dma_start3A_36 = arith.constant 0 : i32
      %dma_start3A_37 = tpu.memref_slice %arg11[%dma_start3A_35, %dma_start3A_36] : memref<512x32xf32, #tpu.memory_space<vmem>> -> memref<128x32xf32, #tpu.memory_space<vmem>>
      %dma_start3A_38 = tpu.memref_slice %arg9[%add3A_27] : memref<7168xi32, #tpu.memory_space<vmem>> -> memref<128xi32, #tpu.memory_space<vmem>>
      %dma_start3A_39 = arith.constant 0 : i32
      %dma_start3A_40 = arith.constant 0 : i32
      %dma_start3A_41 = tpu.memref_slice %arg4[%dma_start3A_39, %dma_start3A_40] : memref<22608x32xf32, #tpu.memory_space<hbm>> -> memref<22608x32xf32, #tpu.memory_space<hbm>>
      tpu.enqueue_indirect_dma source(%dma_start3A_41 : memref<22608x32xf32, #tpu.memory_space<hbm>>) target(%dma_start3A_37 : memref<128x32xf32, #tpu.memory_space<vmem>>) offsets(%dma_start3A_38 : memref<128xi32, #tpu.memory_space<vmem>>) semaphore(%arg13 : memref<!tpu.dma_semaphore, #tpu.memory_space<semaphore_mem>>)
      %add3A_42 = arith.constant 256 : i32
      %add3A_43 = arith.addi %mul3A_10, %add3A_42 : i32
      %dma_start3A_44 = arith.constant 256 : i32
      %dma_start3A_45 = arith.constant 0 : i32
      %dma_start3A_46 = tpu.memref_slice %arg10[%dma_start3A_44, %dma_start3A_45] : memref<512x8xf32, #tpu.memory_space<vmem>> -> memref<128x8xf32, #tpu.memory_space<vmem>>
      %dma_start3A_47 = tpu.memref_slice %arg8[%add3A_43] : memref<7168xi32, #tpu.memory_space<vmem>> -> memref<128xi32, #tpu.memory_space<vmem>>
      %dma_start3A_48 = arith.constant 0 : i32
      %dma_start3A_49 = arith.constant 0 : i32
      %dma_start3A_50 = tpu.memref_slice %arg2[%dma_start3A_48, %dma_start3A_49] : memref<22608x8xf32, #tpu.memory_space<hbm>> -> memref<22608x8xf32, #tpu.memory_space<hbm>>
      tpu.enqueue_indirect_dma source(%dma_start3A_50 : memref<22608x8xf32, #tpu.memory_space<hbm>>) target(%dma_start3A_46 : memref<128x8xf32, #tpu.memory_space<vmem>>) offsets(%dma_start3A_47 : memref<128xi32, #tpu.memory_space<vmem>>) semaphore(%arg12 : memref<!tpu.dma_semaphore, #tpu.memory_space<semaphore_mem>>)
      %dma_start3A_51 = arith.constant 256 : i32
      %dma_start3A_52 = arith.constant 0 : i32
      %dma_start3A_53 = tpu.memref_slice %arg11[%dma_start3A_51, %dma_start3A_52] : memref<512x32xf32, #tpu.memory_space<vmem>> -> memref<128x32xf32, #tpu.memory_space<vmem>>
      %dma_start3A_54 = tpu.memref_slice %arg9[%add3A_43] : memref<7168xi32, #tpu.memory_space<vmem>> -> memref<128xi32, #tpu.memory_space<vmem>>
      %dma_start3A_55 = arith.constant 0 : i32
      %dma_start3A_56 = arith.constant 0 : i32
      %dma_start3A_57 = tpu.memref_slice %arg4[%dma_start3A_55, %dma_start3A_56] : memref<22608x32xf32, #tpu.memory_space<hbm>> -> memref<22608x32xf32, #tpu.memory_space<hbm>>
      tpu.enqueue_indirect_dma source(%dma_start3A_57 : memref<22608x32xf32, #tpu.memory_space<hbm>>) target(%dma_start3A_53 : memref<128x32xf32, #tpu.memory_space<vmem>>) offsets(%dma_start3A_54 : memref<128xi32, #tpu.memory_space<vmem>>) semaphore(%arg13 : memref<!tpu.dma_semaphore, #tpu.memory_space<semaphore_mem>>)
      %add3A_58 = arith.constant 384 : i32
      %add3A_59 = arith.addi %mul3A_10, %add3A_58 : i32
      %dma_start3A_60 = arith.constant 384 : i32
      %dma_start3A_61 = arith.constant 0 : i32
      %dma_start3A_62 = tpu.memref_slice %arg10[%dma_start3A_60, %dma_start3A_61] : memref<512x8xf32, #tpu.memory_space<vmem>> -> memref<128x8xf32, #tpu.memory_space<vmem>>
      %dma_start3A_63 = tpu.memref_slice %arg8[%add3A_59] : memref<7168xi32, #tpu.memory_space<vmem>> -> memref<128xi32, #tpu.memory_space<vmem>>
      %dma_start3A_64 = arith.constant 0 : i32
      %dma_start3A_65 = arith.constant 0 : i32
      %dma_start3A_66 = tpu.memref_slice %arg2[%dma_start3A_64, %dma_start3A_65] : memref<22608x8xf32, #tpu.memory_space<hbm>> -> memref<22608x8xf32, #tpu.memory_space<hbm>>
      tpu.enqueue_indirect_dma source(%dma_start3A_66 : memref<22608x8xf32, #tpu.memory_space<hbm>>) target(%dma_start3A_62 : memref<128x8xf32, #tpu.memory_space<vmem>>) offsets(%dma_start3A_63 : memref<128xi32, #tpu.memory_space<vmem>>) semaphore(%arg12 : memref<!tpu.dma_semaphore, #tpu.memory_space<semaphore_mem>>)
      %dma_start3A_67 = arith.constant 384 : i32
      %dma_start3A_68 = arith.constant 0 : i32
      %dma_start3A_69 = tpu.memref_slice %arg11[%dma_start3A_67, %dma_start3A_68] : memref<512x32xf32, #tpu.memory_space<vmem>> -> memref<128x32xf32, #tpu.memory_space<vmem>>
      %dma_start3A_70 = tpu.memref_slice %arg9[%add3A_59] : memref<7168xi32, #tpu.memory_space<vmem>> -> memref<128xi32, #tpu.memory_space<vmem>>
      %dma_start3A_71 = arith.constant 0 : i32
      %dma_start3A_72 = arith.constant 0 : i32
      %dma_start3A_73 = tpu.memref_slice %arg4[%dma_start3A_71, %dma_start3A_72] : memref<22608x32xf32, #tpu.memory_space<hbm>> -> memref<22608x32xf32, #tpu.memory_space<hbm>>
      tpu.enqueue_indirect_dma source(%dma_start3A_73 : memref<22608x32xf32, #tpu.memory_space<hbm>>) target(%dma_start3A_69 : memref<128x32xf32, #tpu.memory_space<vmem>>) offsets(%dma_start3A_70 : memref<128xi32, #tpu.memory_space<vmem>>) semaphore(%arg13 : memref<!tpu.dma_semaphore, #tpu.memory_space<semaphore_mem>>)
      %dma_wait3A = arith.constant 0 : i32
      %dma_wait3A_74 = arith.constant 0 : i32
      %dma_wait3A_75 = tpu.memref_slice %arg10[%dma_wait3A, %dma_wait3A_74] : memref<512x8xf32, #tpu.memory_space<vmem>> -> memref<128x8xf32, #tpu.memory_space<vmem>>
      %dma_wait3A_76 = tpu.memref_slice %arg8[%add3A_12] : memref<7168xi32, #tpu.memory_space<vmem>> -> memref<128xi32, #tpu.memory_space<vmem>>
      %dma_wait3A_77 = arith.constant 0 : i32
      %dma_wait3A_78 = arith.constant 0 : i32
      %dma_wait3A_79 = tpu.memref_slice %arg2[%dma_wait3A_77, %dma_wait3A_78] : memref<22608x8xf32, #tpu.memory_space<hbm>> -> memref<22608x8xf32, #tpu.memory_space<hbm>>
      tpu.wait_indirect_dma semaphore(%arg12 : memref<!tpu.dma_semaphore, #tpu.memory_space<semaphore_mem>>) src(%dma_wait3A_79 : memref<22608x8xf32, #tpu.memory_space<hbm>>) dst(%dma_wait3A_75 : memref<128x8xf32, #tpu.memory_space<vmem>>)
      %dma_wait3A_80 = arith.constant 0 : i32
      %dma_wait3A_81 = arith.constant 0 : i32
      %dma_wait3A_82 = tpu.memref_slice %arg11[%dma_wait3A_80, %dma_wait3A_81] : memref<512x32xf32, #tpu.memory_space<vmem>> -> memref<128x32xf32, #tpu.memory_space<vmem>>
      %dma_wait3A_83 = tpu.memref_slice %arg9[%add3A_12] : memref<7168xi32, #tpu.memory_space<vmem>> -> memref<128xi32, #tpu.memory_space<vmem>>
      %dma_wait3A_84 = arith.constant 0 : i32
      %dma_wait3A_85 = arith.constant 0 : i32
      %dma_wait3A_86 = tpu.memref_slice %arg4[%dma_wait3A_84, %dma_wait3A_85] : memref<22608x32xf32, #tpu.memory_space<hbm>> -> memref<22608x32xf32, #tpu.memory_space<hbm>>
      tpu.wait_indirect_dma semaphore(%arg13 : memref<!tpu.dma_semaphore, #tpu.memory_space<semaphore_mem>>) src(%dma_wait3A_86 : memref<22608x32xf32, #tpu.memory_space<hbm>>) dst(%dma_wait3A_82 : memref<128x32xf32, #tpu.memory_space<vmem>>)
      %dma_wait3A_87 = arith.constant 128 : i32
      %dma_wait3A_88 = arith.constant 0 : i32
      %dma_wait3A_89 = tpu.memref_slice %arg10[%dma_wait3A_87, %dma_wait3A_88] : memref<512x8xf32, #tpu.memory_space<vmem>> -> memref<128x8xf32, #tpu.memory_space<vmem>>
      %dma_wait3A_90 = tpu.memref_slice %arg8[%add3A_27] : memref<7168xi32, #tpu.memory_space<vmem>> -> memref<128xi32, #tpu.memory_space<vmem>>
      %dma_wait3A_91 = arith.constant 0 : i32
      %dma_wait3A_92 = arith.constant 0 : i32
      %dma_wait3A_93 = tpu.memref_slice %arg2[%dma_wait3A_91, %dma_wait3A_92] : memref<22608x8xf32, #tpu.memory_space<hbm>> -> memref<22608x8xf32, #tpu.memory_space<hbm>>
      tpu.wait_indirect_dma semaphore(%arg12 : memref<!tpu.dma_semaphore, #tpu.memory_space<semaphore_mem>>) src(%dma_wait3A_93 : memref<22608x8xf32, #tpu.memory_space<hbm>>) dst(%dma_wait3A_89 : memref<128x8xf32, #tpu.memory_space<vmem>>)
      %dma_wait3A_94 = arith.constant 128 : i32
      %dma_wait3A_95 = arith.constant 0 : i32
      %dma_wait3A_96 = tpu.memref_slice %arg11[%dma_wait3A_94, %dma_wait3A_95] : memref<512x32xf32, #tpu.memory_space<vmem>> -> memref<128x32xf32, #tpu.memory_space<vmem>>
      %dma_wait3A_97 = tpu.memref_slice %arg9[%add3A_27] : memref<7168xi32, #tpu.memory_space<vmem>> -> memref<128xi32, #tpu.memory_space<vmem>>
      %dma_wait3A_98 = arith.constant 0 : i32
      %dma_wait3A_99 = arith.constant 0 : i32
      %dma_wait3A_100 = tpu.memref_slice %arg4[%dma_wait3A_98, %dma_wait3A_99] : memref<22608x32xf32, #tpu.memory_space<hbm>> -> memref<22608x32xf32, #tpu.memory_space<hbm>>
      tpu.wait_indirect_dma semaphore(%arg13 : memref<!tpu.dma_semaphore, #tpu.memory_space<semaphore_mem>>) src(%dma_wait3A_100 : memref<22608x32xf32, #tpu.memory_space<hbm>>) dst(%dma_wait3A_96 : memref<128x32xf32, #tpu.memory_space<vmem>>)
      %dma_wait3A_101 = arith.constant 256 : i32
      %dma_wait3A_102 = arith.constant 0 : i32
      %dma_wait3A_103 = tpu.memref_slice %arg10[%dma_wait3A_101, %dma_wait3A_102] : memref<512x8xf32, #tpu.memory_space<vmem>> -> memref<128x8xf32, #tpu.memory_space<vmem>>
      %dma_wait3A_104 = tpu.memref_slice %arg8[%add3A_43] : memref<7168xi32, #tpu.memory_space<vmem>> -> memref<128xi32, #tpu.memory_space<vmem>>
      %dma_wait3A_105 = arith.constant 0 : i32
      %dma_wait3A_106 = arith.constant 0 : i32
      %dma_wait3A_107 = tpu.memref_slice %arg2[%dma_wait3A_105, %dma_wait3A_106] : memref<22608x8xf32, #tpu.memory_space<hbm>> -> memref<22608x8xf32, #tpu.memory_space<hbm>>
      tpu.wait_indirect_dma semaphore(%arg12 : memref<!tpu.dma_semaphore, #tpu.memory_space<semaphore_mem>>) src(%dma_wait3A_107 : memref<22608x8xf32, #tpu.memory_space<hbm>>) dst(%dma_wait3A_103 : memref<128x8xf32, #tpu.memory_space<vmem>>)
      %dma_wait3A_108 = arith.constant 256 : i32
      %dma_wait3A_109 = arith.constant 0 : i32
      %dma_wait3A_110 = tpu.memref_slice %arg11[%dma_wait3A_108, %dma_wait3A_109] : memref<512x32xf32, #tpu.memory_space<vmem>> -> memref<128x32xf32, #tpu.memory_space<vmem>>
      %dma_wait3A_111 = tpu.memref_slice %arg9[%add3A_43] : memref<7168xi32, #tpu.memory_space<vmem>> -> memref<128xi32, #tpu.memory_space<vmem>>
      %dma_wait3A_112 = arith.constant 0 : i32
      %dma_wait3A_113 = arith.constant 0 : i32
      %dma_wait3A_114 = tpu.memref_slice %arg4[%dma_wait3A_112, %dma_wait3A_113] : memref<22608x32xf32, #tpu.memory_space<hbm>> -> memref<22608x32xf32, #tpu.memory_space<hbm>>
      tpu.wait_indirect_dma semaphore(%arg13 : memref<!tpu.dma_semaphore, #tpu.memory_space<semaphore_mem>>) src(%dma_wait3A_114 : memref<22608x32xf32, #tpu.memory_space<hbm>>) dst(%dma_wait3A_110 : memref<128x32xf32, #tpu.memory_space<vmem>>)
      %dma_wait3A_115 = arith.constant 384 : i32
      %dma_wait3A_116 = arith.constant 0 : i32
      %dma_wait3A_117 = tpu.memref_slice %arg10[%dma_wait3A_115, %dma_wait3A_116] : memref<512x8xf32, #tpu.memory_space<vmem>> -> memref<128x8xf32, #tpu.memory_space<vmem>>
      %dma_wait3A_118 = tpu.memref_slice %arg8[%add3A_59] : memref<7168xi32, #tpu.memory_space<vmem>> -> memref<128xi32, #tpu.memory_space<vmem>>
      %dma_wait3A_119 = arith.constant 0 : i32
      %dma_wait3A_120 = arith.constant 0 : i32
      %dma_wait3A_121 = tpu.memref_slice %arg2[%dma_wait3A_119, %dma_wait3A_120] : memref<22608x8xf32, #tpu.memory_space<hbm>> -> memref<22608x8xf32, #tpu.memory_space<hbm>>
      tpu.wait_indirect_dma semaphore(%arg12 : memref<!tpu.dma_semaphore, #tpu.memory_space<semaphore_mem>>) src(%dma_wait3A_121 : memref<22608x8xf32, #tpu.memory_space<hbm>>) dst(%dma_wait3A_117 : memref<128x8xf32, #tpu.memory_space<vmem>>)
      %dma_wait3A_122 = arith.constant 384 : i32
      %dma_wait3A_123 = arith.constant 0 : i32
      %dma_wait3A_124 = tpu.memref_slice %arg11[%dma_wait3A_122, %dma_wait3A_123] : memref<512x32xf32, #tpu.memory_space<vmem>> -> memref<128x32xf32, #tpu.memory_space<vmem>>
      %dma_wait3A_125 = tpu.memref_slice %arg9[%add3A_59] : memref<7168xi32, #tpu.memory_space<vmem>> -> memref<128xi32, #tpu.memory_space<vmem>>
      %dma_wait3A_126 = arith.constant 0 : i32
      %dma_wait3A_127 = arith.constant 0 : i32
      %dma_wait3A_128 = tpu.memref_slice %arg4[%dma_wait3A_126, %dma_wait3A_127] : memref<22608x32xf32, #tpu.memory_space<hbm>> -> memref<22608x32xf32, #tpu.memory_space<hbm>>
      tpu.wait_indirect_dma semaphore(%arg13 : memref<!tpu.dma_semaphore, #tpu.memory_space<semaphore_mem>>) src(%dma_wait3A_128 : memref<22608x32xf32, #tpu.memory_space<hbm>>) dst(%dma_wait3A_124 : memref<128x32xf32, #tpu.memory_space<vmem>>)
      %add3A_129 = arith.addi %mul3A_2, %mul3A_10 : i32
      "tpu.region"() ({
        %run_scoped3A = tpu.sem_alloc : memref<!tpu.dma_semaphore, #tpu.memory_space<semaphore_mem>>
        %dma_start3A_131 = arith.constant 0 : i32
        %dma_start3A_132 = tpu.memref_slice %arg6[%add3A_129, %dma_start3A_131] : memref<229376x8xf32, #tpu.memory_space<hbm>> -> memref<512x8xf32, #tpu.memory_space<hbm>>
        %dma_start3A_133 = arith.constant 0 : i32
        %dma_start3A_134 = tpu.memref_slice %arg6[%add3A_129, %dma_start3A_133] : memref<229376x8xf32, #tpu.memory_space<hbm>> -> memref<512x8xf32, #tpu.memory_space<hbm>>
        tpu.enqueue_dma source(%arg10 : memref<512x8xf32, #tpu.memory_space<vmem>>) target(%dma_start3A_134 : memref<512x8xf32, #tpu.memory_space<hbm>>) target_semaphore(%run_scoped3A : memref<!tpu.dma_semaphore, #tpu.memory_space<semaphore_mem>>)
        %dma_wait3A_135 = arith.constant 0 : i32
        %dma_wait3A_136 = tpu.memref_slice %arg6[%add3A_129, %dma_wait3A_135] : memref<229376x8xf32, #tpu.memory_space<hbm>> -> memref<512x8xf32, #tpu.memory_space<hbm>>
        %dma_wait3A_137 = arith.constant 0 : i32
        %dma_wait3A_138 = tpu.memref_slice %arg6[%add3A_129, %dma_wait3A_137] : memref<229376x8xf32, #tpu.memory_space<hbm>> -> memref<512x8xf32, #tpu.memory_space<hbm>>
        tpu.wait_dma2 semaphore(%run_scoped3A : memref<!tpu.dma_semaphore, #tpu.memory_space<semaphore_mem>>) src(%arg10 : memref<512x8xf32, #tpu.memory_space<vmem>>) dst(%dma_wait3A_138 : memref<512x8xf32, #tpu.memory_space<hbm>>)
        tpu.yield
      }) : () -> ()
      %add3A_130 = arith.addi %mul3A_2, %mul3A_10 : i32
      "tpu.region"() ({
        %run_scoped3A = tpu.sem_alloc : memref<!tpu.dma_semaphore, #tpu.memory_space<semaphore_mem>>
        %dma_start3A_131 = arith.constant 0 : i32
        %dma_start3A_132 = tpu.memref_slice %arg7[%add3A_130, %dma_start3A_131] : memref<229376x32xf32, #tpu.memory_space<hbm>> -> memref<512x32xf32, #tpu.memory_space<hbm>>
        %dma_start3A_133 = arith.constant 0 : i32
        %dma_start3A_134 = tpu.memref_slice %arg7[%add3A_130, %dma_start3A_133] : memref<229376x32xf32, #tpu.memory_space<hbm>> -> memref<512x32xf32, #tpu.memory_space<hbm>>
        tpu.enqueue_dma source(%arg11 : memref<512x32xf32, #tpu.memory_space<vmem>>) target(%dma_start3A_134 : memref<512x32xf32, #tpu.memory_space<hbm>>) target_semaphore(%run_scoped3A : memref<!tpu.dma_semaphore, #tpu.memory_space<semaphore_mem>>)
        %dma_wait3A_135 = arith.constant 0 : i32
        %dma_wait3A_136 = tpu.memref_slice %arg7[%add3A_130, %dma_wait3A_135] : memref<229376x32xf32, #tpu.memory_space<hbm>> -> memref<512x32xf32, #tpu.memory_space<hbm>>
        %dma_wait3A_137 = arith.constant 0 : i32
        %dma_wait3A_138 = tpu.memref_slice %arg7[%add3A_130, %dma_wait3A_137] : memref<229376x32xf32, #tpu.memory_space<hbm>> -> memref<512x32xf32, #tpu.memory_space<hbm>>
        tpu.wait_dma2 semaphore(%run_scoped3A : memref<!tpu.dma_semaphore, #tpu.memory_space<semaphore_mem>>) src(%arg11 : memref<512x32xf32, #tpu.memory_space<vmem>>) dst(%dma_wait3A_138 : memref<512x32xf32, #tpu.memory_space<hbm>>)
        tpu.yield
      }) : () -> ()
    }
    %scan3A_7 = arith.constant 14 : i32
    return
  }
}

module attributes {stable_mosaic.version = 14 : i64} {
  func.func @_knn_body(%arg0: i32, %arg1: i32, %arg2: memref<1x368x8xf32, #tpu.memory_space<vmem>>, %arg3: memref<1x8x2944xf32, #tpu.memory_space<vmem>>, %arg4: memref<1x368x16xi32, #tpu.memory_space<vmem>>) attributes {dimension_semantics = [#tpu.dimension_semantics<arbitrary>, #tpu.dimension_semantics<arbitrary>], iteration_bounds = array<i64: 8, 8>, scalar_prefetch = 0 : i64, scratch_operands = 0 : i64, tpu.core_type = #tpu.core_type<tc>, window_params = [{transform_indices = @transform_0, window_bounds = array<i64: 1, 368, 8>}, {transform_indices = @transform_1, window_bounds = array<i64: 1, 8, 2944>}, {transform_indices = @transform_2, window_bounds = array<i64: 1, 368, 16>}]} {
    %get3A = arith.constant 0 : index
    %get3A_0 = arith.constant 0 : index
    %get3A_1 = arith.constant 0 : index
    %get3A_2 = vector.load %arg2[%get3A, %get3A_0, %get3A_1] : memref<1x368x8xf32, #tpu.memory_space<vmem>>, vector<1x368x8xf32>
    %get3A_3 = vector.shape_cast %get3A_2 : vector<1x368x8xf32> to vector<368x8xf32>
    %get3A_4 = arith.constant 0 : index
    %get3A_5 = arith.constant 0 : index
    %get3A_6 = arith.constant 0 : index
    %get3A_7 = vector.load %arg3[%get3A_4, %get3A_5, %get3A_6] : memref<1x8x2944xf32, #tpu.memory_space<vmem>>, vector<1x8x2944xf32>
    %get3A_8 = vector.shape_cast %get3A_7 : vector<1x8x2944xf32> to vector<8x2944xf32>
    %mul3A = arith.mulf %get3A_3, %get3A_3 : vector<368x8xf32>
    %reduce_sum3A = arith.constant dense<0.000000e+00> : vector<368xf32>
    %reduce_sum3A_9 = vector.multi_reduction <add>, %mul3A, %reduce_sum3A [1] : vector<368x8xf32> to vector<368xf32>
    %broadcast_in_dim3A = vector.shape_cast %reduce_sum3A_9 : vector<368xf32> to vector<368x1xf32>
    %mul3A_10 = arith.mulf %get3A_8, %get3A_8 : vector<8x2944xf32>
    %reduce_sum3A_11 = arith.constant dense<0.000000e+00> : vector<2944xf32>
    %reduce_sum3A_12 = vector.multi_reduction <add>, %mul3A_10, %reduce_sum3A_11 [0] : vector<8x2944xf32> to vector<2944xf32>
    %broadcast_in_dim3A_13 = vector.shape_cast %reduce_sum3A_12 : vector<2944xf32> to vector<1x2944xf32>
    %dot_general3A = arith.constant dense<0.000000e+00> : vector<368x2944xf32>
    %dot_general3A_14 = tpu.matmul %get3A_3, %get3A_8, %dot_general3A {dimension_numbers = #tpu.dot_dimension_numbers<[1], [0], [0], [1], [0, 0, 1, 1], [], []>, precision = #tpu.contract_precision<fp32>, transpose_lhs_hint = false} : vector<368x8xf32>, vector<8x2944xf32>, vector<368x2944xf32> -> vector<368x2944xf32>
    %add3A = vector.broadcast %broadcast_in_dim3A : vector<368x1xf32> to vector<368x2944xf32>
    %add3A_15 = vector.broadcast %broadcast_in_dim3A_13 : vector<1x2944xf32> to vector<368x2944xf32>
    %add3A_16 = arith.addf %add3A, %add3A_15 : vector<368x2944xf32>
    %mul3A_17 = arith.constant 2.000000e+00 : f32
    %mul3A_18 = vector.broadcast %mul3A_17 : f32 to vector<368x2944xf32>
    %mul3A_19 = arith.mulf %mul3A_18, %dot_general3A_14 : vector<368x2944xf32>
    %sub3A = arith.subf %add3A_16, %mul3A_19 : vector<368x2944xf32>
    %iota3A = tpu.iota {dimensions = array<i32: 1>} : vector<368x2944xi32>
    %lt3A = arith.constant 2826 : i32
    %lt3A_20 = vector.broadcast %lt3A : i32 to vector<368x2944xi32>
    %lt3A_21 = arith.cmpi slt, %iota3A, %lt3A_20 : vector<368x2944xi32>
    %jit3A = arith.constant 1.000000e+30 : f32
    %broadcast_in_dim3A_22 = vector.broadcast %jit3A : f32 to vector<368x2944xf32>
    %select_n3A = arith.select %lt3A_21, %sub3A, %broadcast_in_dim3A_22 : vector<368x2944xi1>, vector<368x2944xf32>
    %iota3A_23 = tpu.iota {dimensions = array<i32: 1>} : vector<368x16xi32>
    %broadcast_in_dim3A_24 = arith.constant 0 : i32
    %broadcast_in_dim3A_25 = vector.broadcast %broadcast_in_dim3A_24 : i32 to vector<368x16xi32>
    %reduce_min3A = arith.constant dense<0x7F800000> : vector<368xf32>
    %reduce_min3A_26 = vector.multi_reduction <minimumf>, %select_n3A, %reduce_min3A [1] : vector<368x2944xf32> to vector<368xf32>
    %broadcast_in_dim3A_27 = vector.shape_cast %reduce_min3A_26 : vector<368xf32> to vector<368x1xf32>
    %eq3A = vector.broadcast %broadcast_in_dim3A_27 : vector<368x1xf32> to vector<368x2944xf32>
    %eq3A_28 = arith.cmpf oeq, %select_n3A, %eq3A : vector<368x2944xf32>
    %jit3A_29 = arith.constant 1073741824 : i32
    %broadcast_in_dim3A_30 = vector.broadcast %jit3A_29 : i32 to vector<368x2944xi32>
    %select_n3A_31 = arith.select %eq3A_28, %iota3A, %broadcast_in_dim3A_30 : vector<368x2944xi1>, vector<368x2944xi32>
    %reduce_min3A_32 = arith.constant dense<2147483647> : vector<368xi32>
    %reduce_min3A_33 = vector.multi_reduction <minsi>, %select_n3A_31, %reduce_min3A_32 [1] : vector<368x2944xi32> to vector<368xi32>
    %broadcast_in_dim3A_34 = vector.shape_cast %reduce_min3A_33 : vector<368xi32> to vector<368x1xi32>
    %eq3A_35 = arith.constant 0 : i32
    %eq3A_36 = vector.broadcast %eq3A_35 : i32 to vector<368x16xi32>
    %eq3A_37 = arith.cmpi eq, %iota3A_23, %eq3A_36 : vector<368x16xi32>
    %mul3A_38 = arith.constant 2826 : i32
    %mul3A_39 = arith.muli %arg0, %mul3A_38 : i32
    %add3A_40 = vector.broadcast %mul3A_39 : i32 to vector<368x1xi32>
    %add3A_41 = arith.addi %broadcast_in_dim3A_34, %add3A_40 : vector<368x1xi32>
    %broadcast_in_dim3A_42 = vector.shape_cast %add3A_41 : vector<368x1xi32> to vector<368x1xi32>
    %broadcast_in_dim3A_43 = vector.broadcast %broadcast_in_dim3A_42 : vector<368x1xi32> to vector<368x16xi32>
    %select_n3A_44 = arith.select %eq3A_37, %broadcast_in_dim3A_43, %broadcast_in_dim3A_25 : vector<368x16xi1>, vector<368x16xi32>
    %eq3A_45 = vector.broadcast %broadcast_in_dim3A_34 : vector<368x1xi32> to vector<368x2944xi32>
    %eq3A_46 = arith.cmpi eq, %iota3A, %eq3A_45 : vector<368x2944xi32>
    %jit3A_47 = arith.constant 1.000000e+30 : f32
    %broadcast_in_dim3A_48 = vector.broadcast %jit3A_47 : f32 to vector<368x2944xf32>
    %select_n3A_49 = arith.select %eq3A_46, %broadcast_in_dim3A_48, %select_n3A : vector<368x2944xi1>, vector<368x2944xf32>
    %reduce_min3A_50 = arith.constant dense<0x7F800000> : vector<368xf32>
    %reduce_min3A_51 = vector.multi_reduction <minimumf>, %select_n3A_49, %reduce_min3A_50 [1] : vector<368x2944xf32> to vector<368xf32>
    %broadcast_in_dim3A_52 = vector.shape_cast %reduce_min3A_51 : vector<368xf32> to vector<368x1xf32>
    %eq3A_53 = vector.broadcast %broadcast_in_dim3A_52 : vector<368x1xf32> to vector<368x2944xf32>
    %eq3A_54 = arith.cmpf oeq, %select_n3A_49, %eq3A_53 : vector<368x2944xf32>
    %jit3A_55 = arith.constant 1073741824 : i32
    %broadcast_in_dim3A_56 = vector.broadcast %jit3A_55 : i32 to vector<368x2944xi32>
    %select_n3A_57 = arith.select %eq3A_54, %iota3A, %broadcast_in_dim3A_56 : vector<368x2944xi1>, vector<368x2944xi32>
    %reduce_min3A_58 = arith.constant dense<2147483647> : vector<368xi32>
    %reduce_min3A_59 = vector.multi_reduction <minsi>, %select_n3A_57, %reduce_min3A_58 [1] : vector<368x2944xi32> to vector<368xi32>
    %broadcast_in_dim3A_60 = vector.shape_cast %reduce_min3A_59 : vector<368xi32> to vector<368x1xi32>
    %eq3A_61 = arith.constant 1 : i32
    %eq3A_62 = vector.broadcast %eq3A_61 : i32 to vector<368x16xi32>
    %eq3A_63 = arith.cmpi eq, %iota3A_23, %eq3A_62 : vector<368x16xi32>
    %mul3A_64 = arith.constant 2826 : i32
    %mul3A_65 = arith.muli %arg0, %mul3A_64 : i32
    %add3A_66 = vector.broadcast %mul3A_65 : i32 to vector<368x1xi32>
    %add3A_67 = arith.addi %broadcast_in_dim3A_60, %add3A_66 : vector<368x1xi32>
    %broadcast_in_dim3A_68 = vector.shape_cast %add3A_67 : vector<368x1xi32> to vector<368x1xi32>
    %broadcast_in_dim3A_69 = vector.broadcast %broadcast_in_dim3A_68 : vector<368x1xi32> to vector<368x16xi32>
    %select_n3A_70 = arith.select %eq3A_63, %broadcast_in_dim3A_69, %select_n3A_44 : vector<368x16xi1>, vector<368x16xi32>
    %eq3A_71 = vector.broadcast %broadcast_in_dim3A_60 : vector<368x1xi32> to vector<368x2944xi32>
    %eq3A_72 = arith.cmpi eq, %iota3A, %eq3A_71 : vector<368x2944xi32>
    %jit3A_73 = arith.constant 1.000000e+30 : f32
    %broadcast_in_dim3A_74 = vector.broadcast %jit3A_73 : f32 to vector<368x2944xf32>
    %select_n3A_75 = arith.select %eq3A_72, %broadcast_in_dim3A_74, %select_n3A_49 : vector<368x2944xi1>, vector<368x2944xf32>
    %reduce_min3A_76 = arith.constant dense<0x7F800000> : vector<368xf32>
    %reduce_min3A_77 = vector.multi_reduction <minimumf>, %select_n3A_75, %reduce_min3A_76 [1] : vector<368x2944xf32> to vector<368xf32>
    %broadcast_in_dim3A_78 = vector.shape_cast %reduce_min3A_77 : vector<368xf32> to vector<368x1xf32>
    %eq3A_79 = vector.broadcast %broadcast_in_dim3A_78 : vector<368x1xf32> to vector<368x2944xf32>
    %eq3A_80 = arith.cmpf oeq, %select_n3A_75, %eq3A_79 : vector<368x2944xf32>
    %jit3A_81 = arith.constant 1073741824 : i32
    %broadcast_in_dim3A_82 = vector.broadcast %jit3A_81 : i32 to vector<368x2944xi32>
    %select_n3A_83 = arith.select %eq3A_80, %iota3A, %broadcast_in_dim3A_82 : vector<368x2944xi1>, vector<368x2944xi32>
    %reduce_min3A_84 = arith.constant dense<2147483647> : vector<368xi32>
    %reduce_min3A_85 = vector.multi_reduction <minsi>, %select_n3A_83, %reduce_min3A_84 [1] : vector<368x2944xi32> to vector<368xi32>
    %broadcast_in_dim3A_86 = vector.shape_cast %reduce_min3A_85 : vector<368xi32> to vector<368x1xi32>
    %eq3A_87 = arith.constant 2 : i32
    %eq3A_88 = vector.broadcast %eq3A_87 : i32 to vector<368x16xi32>
    %eq3A_89 = arith.cmpi eq, %iota3A_23, %eq3A_88 : vector<368x16xi32>
    %mul3A_90 = arith.constant 2826 : i32
    %mul3A_91 = arith.muli %arg0, %mul3A_90 : i32
    %add3A_92 = vector.broadcast %mul3A_91 : i32 to vector<368x1xi32>
    %add3A_93 = arith.addi %broadcast_in_dim3A_86, %add3A_92 : vector<368x1xi32>
    %broadcast_in_dim3A_94 = vector.shape_cast %add3A_93 : vector<368x1xi32> to vector<368x1xi32>
    %broadcast_in_dim3A_95 = vector.broadcast %broadcast_in_dim3A_94 : vector<368x1xi32> to vector<368x16xi32>
    %select_n3A_96 = arith.select %eq3A_89, %broadcast_in_dim3A_95, %select_n3A_70 : vector<368x16xi1>, vector<368x16xi32>
    %eq3A_97 = vector.broadcast %broadcast_in_dim3A_86 : vector<368x1xi32> to vector<368x2944xi32>
    %eq3A_98 = arith.cmpi eq, %iota3A, %eq3A_97 : vector<368x2944xi32>
    %jit3A_99 = arith.constant 1.000000e+30 : f32
    %broadcast_in_dim3A_100 = vector.broadcast %jit3A_99 : f32 to vector<368x2944xf32>
    %select_n3A_101 = arith.select %eq3A_98, %broadcast_in_dim3A_100, %select_n3A_75 : vector<368x2944xi1>, vector<368x2944xf32>
    %reduce_min3A_102 = arith.constant dense<0x7F800000> : vector<368xf32>
    %reduce_min3A_103 = vector.multi_reduction <minimumf>, %select_n3A_101, %reduce_min3A_102 [1] : vector<368x2944xf32> to vector<368xf32>
    %broadcast_in_dim3A_104 = vector.shape_cast %reduce_min3A_103 : vector<368xf32> to vector<368x1xf32>
    %eq3A_105 = vector.broadcast %broadcast_in_dim3A_104 : vector<368x1xf32> to vector<368x2944xf32>
    %eq3A_106 = arith.cmpf oeq, %select_n3A_101, %eq3A_105 : vector<368x2944xf32>
    %jit3A_107 = arith.constant 1073741824 : i32
    %broadcast_in_dim3A_108 = vector.broadcast %jit3A_107 : i32 to vector<368x2944xi32>
    %select_n3A_109 = arith.select %eq3A_106, %iota3A, %broadcast_in_dim3A_108 : vector<368x2944xi1>, vector<368x2944xi32>
    %reduce_min3A_110 = arith.constant dense<2147483647> : vector<368xi32>
    %reduce_min3A_111 = vector.multi_reduction <minsi>, %select_n3A_109, %reduce_min3A_110 [1] : vector<368x2944xi32> to vector<368xi32>
    %broadcast_in_dim3A_112 = vector.shape_cast %reduce_min3A_111 : vector<368xi32> to vector<368x1xi32>
    %eq3A_113 = arith.constant 3 : i32
    %eq3A_114 = vector.broadcast %eq3A_113 : i32 to vector<368x16xi32>
    %eq3A_115 = arith.cmpi eq, %iota3A_23, %eq3A_114 : vector<368x16xi32>
    %mul3A_116 = arith.constant 2826 : i32
    %mul3A_117 = arith.muli %arg0, %mul3A_116 : i32
    %add3A_118 = vector.broadcast %mul3A_117 : i32 to vector<368x1xi32>
    %add3A_119 = arith.addi %broadcast_in_dim3A_112, %add3A_118 : vector<368x1xi32>
    %broadcast_in_dim3A_120 = vector.shape_cast %add3A_119 : vector<368x1xi32> to vector<368x1xi32>
    %broadcast_in_dim3A_121 = vector.broadcast %broadcast_in_dim3A_120 : vector<368x1xi32> to vector<368x16xi32>
    %select_n3A_122 = arith.select %eq3A_115, %broadcast_in_dim3A_121, %select_n3A_96 : vector<368x16xi1>, vector<368x16xi32>
    %eq3A_123 = vector.broadcast %broadcast_in_dim3A_112 : vector<368x1xi32> to vector<368x2944xi32>
    %eq3A_124 = arith.cmpi eq, %iota3A, %eq3A_123 : vector<368x2944xi32>
    %jit3A_125 = arith.constant 1.000000e+30 : f32
    %broadcast_in_dim3A_126 = vector.broadcast %jit3A_125 : f32 to vector<368x2944xf32>
    %select_n3A_127 = arith.select %eq3A_124, %broadcast_in_dim3A_126, %select_n3A_101 : vector<368x2944xi1>, vector<368x2944xf32>
    %reduce_min3A_128 = arith.constant dense<0x7F800000> : vector<368xf32>
    %reduce_min3A_129 = vector.multi_reduction <minimumf>, %select_n3A_127, %reduce_min3A_128 [1] : vector<368x2944xf32> to vector<368xf32>
    %broadcast_in_dim3A_130 = vector.shape_cast %reduce_min3A_129 : vector<368xf32> to vector<368x1xf32>
    %eq3A_131 = vector.broadcast %broadcast_in_dim3A_130 : vector<368x1xf32> to vector<368x2944xf32>
    %eq3A_132 = arith.cmpf oeq, %select_n3A_127, %eq3A_131 : vector<368x2944xf32>
    %jit3A_133 = arith.constant 1073741824 : i32
    %broadcast_in_dim3A_134 = vector.broadcast %jit3A_133 : i32 to vector<368x2944xi32>
    %select_n3A_135 = arith.select %eq3A_132, %iota3A, %broadcast_in_dim3A_134 : vector<368x2944xi1>, vector<368x2944xi32>
    %reduce_min3A_136 = arith.constant dense<2147483647> : vector<368xi32>
    %reduce_min3A_137 = vector.multi_reduction <minsi>, %select_n3A_135, %reduce_min3A_136 [1] : vector<368x2944xi32> to vector<368xi32>
    %broadcast_in_dim3A_138 = vector.shape_cast %reduce_min3A_137 : vector<368xi32> to vector<368x1xi32>
    %eq3A_139 = arith.constant 4 : i32
    %eq3A_140 = vector.broadcast %eq3A_139 : i32 to vector<368x16xi32>
    %eq3A_141 = arith.cmpi eq, %iota3A_23, %eq3A_140 : vector<368x16xi32>
    %mul3A_142 = arith.constant 2826 : i32
    %mul3A_143 = arith.muli %arg0, %mul3A_142 : i32
    %add3A_144 = vector.broadcast %mul3A_143 : i32 to vector<368x1xi32>
    %add3A_145 = arith.addi %broadcast_in_dim3A_138, %add3A_144 : vector<368x1xi32>
    %broadcast_in_dim3A_146 = vector.shape_cast %add3A_145 : vector<368x1xi32> to vector<368x1xi32>
    %broadcast_in_dim3A_147 = vector.broadcast %broadcast_in_dim3A_146 : vector<368x1xi32> to vector<368x16xi32>
    %select_n3A_148 = arith.select %eq3A_141, %broadcast_in_dim3A_147, %select_n3A_122 : vector<368x16xi1>, vector<368x16xi32>
    %eq3A_149 = vector.broadcast %broadcast_in_dim3A_138 : vector<368x1xi32> to vector<368x2944xi32>
    %eq3A_150 = arith.cmpi eq, %iota3A, %eq3A_149 : vector<368x2944xi32>
    %jit3A_151 = arith.constant 1.000000e+30 : f32
    %broadcast_in_dim3A_152 = vector.broadcast %jit3A_151 : f32 to vector<368x2944xf32>
    %select_n3A_153 = arith.select %eq3A_150, %broadcast_in_dim3A_152, %select_n3A_127 : vector<368x2944xi1>, vector<368x2944xf32>
    %reduce_min3A_154 = arith.constant dense<0x7F800000> : vector<368xf32>
    %reduce_min3A_155 = vector.multi_reduction <minimumf>, %select_n3A_153, %reduce_min3A_154 [1] : vector<368x2944xf32> to vector<368xf32>
    %broadcast_in_dim3A_156 = vector.shape_cast %reduce_min3A_155 : vector<368xf32> to vector<368x1xf32>
    %eq3A_157 = vector.broadcast %broadcast_in_dim3A_156 : vector<368x1xf32> to vector<368x2944xf32>
    %eq3A_158 = arith.cmpf oeq, %select_n3A_153, %eq3A_157 : vector<368x2944xf32>
    %jit3A_159 = arith.constant 1073741824 : i32
    %broadcast_in_dim3A_160 = vector.broadcast %jit3A_159 : i32 to vector<368x2944xi32>
    %select_n3A_161 = arith.select %eq3A_158, %iota3A, %broadcast_in_dim3A_160 : vector<368x2944xi1>, vector<368x2944xi32>
    %reduce_min3A_162 = arith.constant dense<2147483647> : vector<368xi32>
    %reduce_min3A_163 = vector.multi_reduction <minsi>, %select_n3A_161, %reduce_min3A_162 [1] : vector<368x2944xi32> to vector<368xi32>
    %broadcast_in_dim3A_164 = vector.shape_cast %reduce_min3A_163 : vector<368xi32> to vector<368x1xi32>
    %eq3A_165 = arith.constant 5 : i32
    %eq3A_166 = vector.broadcast %eq3A_165 : i32 to vector<368x16xi32>
    %eq3A_167 = arith.cmpi eq, %iota3A_23, %eq3A_166 : vector<368x16xi32>
    %mul3A_168 = arith.constant 2826 : i32
    %mul3A_169 = arith.muli %arg0, %mul3A_168 : i32
    %add3A_170 = vector.broadcast %mul3A_169 : i32 to vector<368x1xi32>
    %add3A_171 = arith.addi %broadcast_in_dim3A_164, %add3A_170 : vector<368x1xi32>
    %broadcast_in_dim3A_172 = vector.shape_cast %add3A_171 : vector<368x1xi32> to vector<368x1xi32>
    %broadcast_in_dim3A_173 = vector.broadcast %broadcast_in_dim3A_172 : vector<368x1xi32> to vector<368x16xi32>
    %select_n3A_174 = arith.select %eq3A_167, %broadcast_in_dim3A_173, %select_n3A_148 : vector<368x16xi1>, vector<368x16xi32>
    %eq3A_175 = vector.broadcast %broadcast_in_dim3A_164 : vector<368x1xi32> to vector<368x2944xi32>
    %eq3A_176 = arith.cmpi eq, %iota3A, %eq3A_175 : vector<368x2944xi32>
    %jit3A_177 = arith.constant 1.000000e+30 : f32
    %broadcast_in_dim3A_178 = vector.broadcast %jit3A_177 : f32 to vector<368x2944xf32>
    %select_n3A_179 = arith.select %eq3A_176, %broadcast_in_dim3A_178, %select_n3A_153 : vector<368x2944xi1>, vector<368x2944xf32>
    %reduce_min3A_180 = arith.constant dense<0x7F800000> : vector<368xf32>
    %reduce_min3A_181 = vector.multi_reduction <minimumf>, %select_n3A_179, %reduce_min3A_180 [1] : vector<368x2944xf32> to vector<368xf32>
    %broadcast_in_dim3A_182 = vector.shape_cast %reduce_min3A_181 : vector<368xf32> to vector<368x1xf32>
    %eq3A_183 = vector.broadcast %broadcast_in_dim3A_182 : vector<368x1xf32> to vector<368x2944xf32>
    %eq3A_184 = arith.cmpf oeq, %select_n3A_179, %eq3A_183 : vector<368x2944xf32>
    %jit3A_185 = arith.constant 1073741824 : i32
    %broadcast_in_dim3A_186 = vector.broadcast %jit3A_185 : i32 to vector<368x2944xi32>
    %select_n3A_187 = arith.select %eq3A_184, %iota3A, %broadcast_in_dim3A_186 : vector<368x2944xi1>, vector<368x2944xi32>
    %reduce_min3A_188 = arith.constant dense<2147483647> : vector<368xi32>
    %reduce_min3A_189 = vector.multi_reduction <minsi>, %select_n3A_187, %reduce_min3A_188 [1] : vector<368x2944xi32> to vector<368xi32>
    %broadcast_in_dim3A_190 = vector.shape_cast %reduce_min3A_189 : vector<368xi32> to vector<368x1xi32>
    %eq3A_191 = arith.constant 6 : i32
    %eq3A_192 = vector.broadcast %eq3A_191 : i32 to vector<368x16xi32>
    %eq3A_193 = arith.cmpi eq, %iota3A_23, %eq3A_192 : vector<368x16xi32>
    %mul3A_194 = arith.constant 2826 : i32
    %mul3A_195 = arith.muli %arg0, %mul3A_194 : i32
    %add3A_196 = vector.broadcast %mul3A_195 : i32 to vector<368x1xi32>
    %add3A_197 = arith.addi %broadcast_in_dim3A_190, %add3A_196 : vector<368x1xi32>
    %broadcast_in_dim3A_198 = vector.shape_cast %add3A_197 : vector<368x1xi32> to vector<368x1xi32>
    %broadcast_in_dim3A_199 = vector.broadcast %broadcast_in_dim3A_198 : vector<368x1xi32> to vector<368x16xi32>
    %select_n3A_200 = arith.select %eq3A_193, %broadcast_in_dim3A_199, %select_n3A_174 : vector<368x16xi1>, vector<368x16xi32>
    %eq3A_201 = vector.broadcast %broadcast_in_dim3A_190 : vector<368x1xi32> to vector<368x2944xi32>
    %eq3A_202 = arith.cmpi eq, %iota3A, %eq3A_201 : vector<368x2944xi32>
    %jit3A_203 = arith.constant 1.000000e+30 : f32
    %broadcast_in_dim3A_204 = vector.broadcast %jit3A_203 : f32 to vector<368x2944xf32>
    %select_n3A_205 = arith.select %eq3A_202, %broadcast_in_dim3A_204, %select_n3A_179 : vector<368x2944xi1>, vector<368x2944xf32>
    %reduce_min3A_206 = arith.constant dense<0x7F800000> : vector<368xf32>
    %reduce_min3A_207 = vector.multi_reduction <minimumf>, %select_n3A_205, %reduce_min3A_206 [1] : vector<368x2944xf32> to vector<368xf32>
    %broadcast_in_dim3A_208 = vector.shape_cast %reduce_min3A_207 : vector<368xf32> to vector<368x1xf32>
    %eq3A_209 = vector.broadcast %broadcast_in_dim3A_208 : vector<368x1xf32> to vector<368x2944xf32>
    %eq3A_210 = arith.cmpf oeq, %select_n3A_205, %eq3A_209 : vector<368x2944xf32>
    %jit3A_211 = arith.constant 1073741824 : i32
    %broadcast_in_dim3A_212 = vector.broadcast %jit3A_211 : i32 to vector<368x2944xi32>
    %select_n3A_213 = arith.select %eq3A_210, %iota3A, %broadcast_in_dim3A_212 : vector<368x2944xi1>, vector<368x2944xi32>
    %reduce_min3A_214 = arith.constant dense<2147483647> : vector<368xi32>
    %reduce_min3A_215 = vector.multi_reduction <minsi>, %select_n3A_213, %reduce_min3A_214 [1] : vector<368x2944xi32> to vector<368xi32>
    %broadcast_in_dim3A_216 = vector.shape_cast %reduce_min3A_215 : vector<368xi32> to vector<368x1xi32>
    %eq3A_217 = arith.constant 7 : i32
    %eq3A_218 = vector.broadcast %eq3A_217 : i32 to vector<368x16xi32>
    %eq3A_219 = arith.cmpi eq, %iota3A_23, %eq3A_218 : vector<368x16xi32>
    %mul3A_220 = arith.constant 2826 : i32
    %mul3A_221 = arith.muli %arg0, %mul3A_220 : i32
    %add3A_222 = vector.broadcast %mul3A_221 : i32 to vector<368x1xi32>
    %add3A_223 = arith.addi %broadcast_in_dim3A_216, %add3A_222 : vector<368x1xi32>
    %broadcast_in_dim3A_224 = vector.shape_cast %add3A_223 : vector<368x1xi32> to vector<368x1xi32>
    %broadcast_in_dim3A_225 = vector.broadcast %broadcast_in_dim3A_224 : vector<368x1xi32> to vector<368x16xi32>
    %select_n3A_226 = arith.select %eq3A_219, %broadcast_in_dim3A_225, %select_n3A_200 : vector<368x16xi1>, vector<368x16xi32>
    %eq3A_227 = vector.broadcast %broadcast_in_dim3A_216 : vector<368x1xi32> to vector<368x2944xi32>
    %eq3A_228 = arith.cmpi eq, %iota3A, %eq3A_227 : vector<368x2944xi32>
    %jit3A_229 = arith.constant 1.000000e+30 : f32
    %broadcast_in_dim3A_230 = vector.broadcast %jit3A_229 : f32 to vector<368x2944xf32>
    %select_n3A_231 = arith.select %eq3A_228, %broadcast_in_dim3A_230, %select_n3A_205 : vector<368x2944xi1>, vector<368x2944xf32>
    %reduce_min3A_232 = arith.constant dense<0x7F800000> : vector<368xf32>
    %reduce_min3A_233 = vector.multi_reduction <minimumf>, %select_n3A_231, %reduce_min3A_232 [1] : vector<368x2944xf32> to vector<368xf32>
    %broadcast_in_dim3A_234 = vector.shape_cast %reduce_min3A_233 : vector<368xf32> to vector<368x1xf32>
    %eq3A_235 = vector.broadcast %broadcast_in_dim3A_234 : vector<368x1xf32> to vector<368x2944xf32>
    %eq3A_236 = arith.cmpf oeq, %select_n3A_231, %eq3A_235 : vector<368x2944xf32>
    %jit3A_237 = arith.constant 1073741824 : i32
    %broadcast_in_dim3A_238 = vector.broadcast %jit3A_237 : i32 to vector<368x2944xi32>
    %select_n3A_239 = arith.select %eq3A_236, %iota3A, %broadcast_in_dim3A_238 : vector<368x2944xi1>, vector<368x2944xi32>
    %reduce_min3A_240 = arith.constant dense<2147483647> : vector<368xi32>
    %reduce_min3A_241 = vector.multi_reduction <minsi>, %select_n3A_239, %reduce_min3A_240 [1] : vector<368x2944xi32> to vector<368xi32>
    %broadcast_in_dim3A_242 = vector.shape_cast %reduce_min3A_241 : vector<368xi32> to vector<368x1xi32>
    %eq3A_243 = arith.constant 8 : i32
    %eq3A_244 = vector.broadcast %eq3A_243 : i32 to vector<368x16xi32>
    %eq3A_245 = arith.cmpi eq, %iota3A_23, %eq3A_244 : vector<368x16xi32>
    %mul3A_246 = arith.constant 2826 : i32
    %mul3A_247 = arith.muli %arg0, %mul3A_246 : i32
    %add3A_248 = vector.broadcast %mul3A_247 : i32 to vector<368x1xi32>
    %add3A_249 = arith.addi %broadcast_in_dim3A_242, %add3A_248 : vector<368x1xi32>
    %broadcast_in_dim3A_250 = vector.shape_cast %add3A_249 : vector<368x1xi32> to vector<368x1xi32>
    %broadcast_in_dim3A_251 = vector.broadcast %broadcast_in_dim3A_250 : vector<368x1xi32> to vector<368x16xi32>
    %select_n3A_252 = arith.select %eq3A_245, %broadcast_in_dim3A_251, %select_n3A_226 : vector<368x16xi1>, vector<368x16xi32>
    %eq3A_253 = vector.broadcast %broadcast_in_dim3A_242 : vector<368x1xi32> to vector<368x2944xi32>
    %eq3A_254 = arith.cmpi eq, %iota3A, %eq3A_253 : vector<368x2944xi32>
    %jit3A_255 = arith.constant 1.000000e+30 : f32
    %broadcast_in_dim3A_256 = vector.broadcast %jit3A_255 : f32 to vector<368x2944xf32>
    %select_n3A_257 = arith.select %eq3A_254, %broadcast_in_dim3A_256, %select_n3A_231 : vector<368x2944xi1>, vector<368x2944xf32>
    %reduce_min3A_258 = arith.constant dense<0x7F800000> : vector<368xf32>
    %reduce_min3A_259 = vector.multi_reduction <minimumf>, %select_n3A_257, %reduce_min3A_258 [1] : vector<368x2944xf32> to vector<368xf32>
    %broadcast_in_dim3A_260 = vector.shape_cast %reduce_min3A_259 : vector<368xf32> to vector<368x1xf32>
    %eq3A_261 = vector.broadcast %broadcast_in_dim3A_260 : vector<368x1xf32> to vector<368x2944xf32>
    %eq3A_262 = arith.cmpf oeq, %select_n3A_257, %eq3A_261 : vector<368x2944xf32>
    %jit3A_263 = arith.constant 1073741824 : i32
    %broadcast_in_dim3A_264 = vector.broadcast %jit3A_263 : i32 to vector<368x2944xi32>
    %select_n3A_265 = arith.select %eq3A_262, %iota3A, %broadcast_in_dim3A_264 : vector<368x2944xi1>, vector<368x2944xi32>
    %reduce_min3A_266 = arith.constant dense<2147483647> : vector<368xi32>
    %reduce_min3A_267 = vector.multi_reduction <minsi>, %select_n3A_265, %reduce_min3A_266 [1] : vector<368x2944xi32> to vector<368xi32>
    %broadcast_in_dim3A_268 = vector.shape_cast %reduce_min3A_267 : vector<368xi32> to vector<368x1xi32>
    %eq3A_269 = arith.constant 9 : i32
    %eq3A_270 = vector.broadcast %eq3A_269 : i32 to vector<368x16xi32>
    %eq3A_271 = arith.cmpi eq, %iota3A_23, %eq3A_270 : vector<368x16xi32>
    %mul3A_272 = arith.constant 2826 : i32
    %mul3A_273 = arith.muli %arg0, %mul3A_272 : i32
    %add3A_274 = vector.broadcast %mul3A_273 : i32 to vector<368x1xi32>
    %add3A_275 = arith.addi %broadcast_in_dim3A_268, %add3A_274 : vector<368x1xi32>
    %broadcast_in_dim3A_276 = vector.shape_cast %add3A_275 : vector<368x1xi32> to vector<368x1xi32>
    %broadcast_in_dim3A_277 = vector.broadcast %broadcast_in_dim3A_276 : vector<368x1xi32> to vector<368x16xi32>
    %select_n3A_278 = arith.select %eq3A_271, %broadcast_in_dim3A_277, %select_n3A_252 : vector<368x16xi1>, vector<368x16xi32>
    %swap3A = arith.constant 0 : index
    %swap3A_279 = arith.constant 0 : index
    %swap3A_280 = arith.constant 0 : index
    %swap3A_281 = vector.load %arg4[%swap3A, %swap3A_279, %swap3A_280] : memref<1x368x16xi32, #tpu.memory_space<vmem>>, vector<1x368x16xi32>
    %swap3A_282 = vector.shape_cast %swap3A_281 : vector<1x368x16xi32> to vector<368x16xi32>
    %swap3A_283 = vector.shape_cast %select_n3A_278 : vector<368x16xi32> to vector<1x368x16xi32>
    tpu.vector_store %arg4[%swap3A, %swap3A_279, %swap3A_280], %swap3A_283 {strides = array<i32>} : memref<1x368x16xi32, #tpu.memory_space<vmem>>, vector<1x368x16xi32>,
    return
  }
  func.func @transform_0(%arg0: i32, %arg1: i32) -> (i32, i32, i32) {
    %c0_i32 = arith.constant 0 : i32
    %c0_i32_0 = arith.constant 0 : i32
    return %arg0, %arg1, %c0_i32 : i32, i32, i32
  }
  func.func @transform_1(%arg0: i32, %arg1: i32) -> (i32, i32, i32) {
    %c0_i32 = arith.constant 0 : i32
    %c0_i32_0 = arith.constant 0 : i32
    %c0_i32_1 = arith.constant 0 : i32
    return %arg0, %c0_i32, %c0_i32_0 : i32, i32, i32
  }
  func.func @transform_2(%arg0: i32, %arg1: i32) -> (i32, i32, i32) {
    %c0_i32 = arith.constant 0 : i32
    %c0_i32_0 = arith.constant 0 : i32
    return %arg0, %arg1, %c0_i32 : i32, i32, i32
  }
}

module attributes {stable_mosaic.version = 14 : i64} {
  func.func @_knn_body(%arg0: i32, %arg1: i32, %arg2: memref<1x368x32xf32, #tpu.memory_space<vmem>>, %arg3: memref<1x32x2944xf32, #tpu.memory_space<vmem>>, %arg4: memref<1x368x16xi32, #tpu.memory_space<vmem>>) attributes {dimension_semantics = [#tpu.dimension_semantics<arbitrary>, #tpu.dimension_semantics<arbitrary>], iteration_bounds = array<i64: 8, 8>, scalar_prefetch = 0 : i64, scratch_operands = 0 : i64, tpu.core_type = #tpu.core_type<tc>, window_params = [{transform_indices = @transform_0, window_bounds = array<i64: 1, 368, 32>}, {transform_indices = @transform_1, window_bounds = array<i64: 1, 32, 2944>}, {transform_indices = @transform_2, window_bounds = array<i64: 1, 368, 16>}]} {
    %get3A = arith.constant 0 : index
    %get3A_0 = arith.constant 0 : index
    %get3A_1 = arith.constant 0 : index
    %get3A_2 = vector.load %arg2[%get3A, %get3A_0, %get3A_1] : memref<1x368x32xf32, #tpu.memory_space<vmem>>, vector<1x368x32xf32>
    %get3A_3 = vector.shape_cast %get3A_2 : vector<1x368x32xf32> to vector<368x32xf32>
    %get3A_4 = arith.constant 0 : index
    %get3A_5 = arith.constant 0 : index
    %get3A_6 = arith.constant 0 : index
    %get3A_7 = vector.load %arg3[%get3A_4, %get3A_5, %get3A_6] : memref<1x32x2944xf32, #tpu.memory_space<vmem>>, vector<1x32x2944xf32>
    %get3A_8 = vector.shape_cast %get3A_7 : vector<1x32x2944xf32> to vector<32x2944xf32>
    %mul3A = arith.mulf %get3A_3, %get3A_3 : vector<368x32xf32>
    %reduce_sum3A = arith.constant dense<0.000000e+00> : vector<368xf32>
    %reduce_sum3A_9 = vector.multi_reduction <add>, %mul3A, %reduce_sum3A [1] : vector<368x32xf32> to vector<368xf32>
    %broadcast_in_dim3A = vector.shape_cast %reduce_sum3A_9 : vector<368xf32> to vector<368x1xf32>
    %mul3A_10 = arith.mulf %get3A_8, %get3A_8 : vector<32x2944xf32>
    %reduce_sum3A_11 = arith.constant dense<0.000000e+00> : vector<2944xf32>
    %reduce_sum3A_12 = vector.multi_reduction <add>, %mul3A_10, %reduce_sum3A_11 [0] : vector<32x2944xf32> to vector<2944xf32>
    %broadcast_in_dim3A_13 = vector.shape_cast %reduce_sum3A_12 : vector<2944xf32> to vector<1x2944xf32>
    %dot_general3A = arith.constant dense<0.000000e+00> : vector<368x2944xf32>
    %dot_general3A_14 = tpu.matmul %get3A_3, %get3A_8, %dot_general3A {dimension_numbers = #tpu.dot_dimension_numbers<[1], [0], [0], [1], [0, 0, 1, 1], [], []>, precision = #tpu.contract_precision<fp32>, transpose_lhs_hint = false} : vector<368x32xf32>, vector<32x2944xf32>, vector<368x2944xf32> -> vector<368x2944xf32>
    %add3A = vector.broadcast %broadcast_in_dim3A : vector<368x1xf32> to vector<368x2944xf32>
    %add3A_15 = vector.broadcast %broadcast_in_dim3A_13 : vector<1x2944xf32> to vector<368x2944xf32>
    %add3A_16 = arith.addf %add3A, %add3A_15 : vector<368x2944xf32>
    %mul3A_17 = arith.constant 2.000000e+00 : f32
    %mul3A_18 = vector.broadcast %mul3A_17 : f32 to vector<368x2944xf32>
    %mul3A_19 = arith.mulf %mul3A_18, %dot_general3A_14 : vector<368x2944xf32>
    %sub3A = arith.subf %add3A_16, %mul3A_19 : vector<368x2944xf32>
    %iota3A = tpu.iota {dimensions = array<i32: 1>} : vector<368x2944xi32>
    %lt3A = arith.constant 2826 : i32
    %lt3A_20 = vector.broadcast %lt3A : i32 to vector<368x2944xi32>
    %lt3A_21 = arith.cmpi slt, %iota3A, %lt3A_20 : vector<368x2944xi32>
    %jit3A = arith.constant 1.000000e+30 : f32
    %broadcast_in_dim3A_22 = vector.broadcast %jit3A : f32 to vector<368x2944xf32>
    %select_n3A = arith.select %lt3A_21, %sub3A, %broadcast_in_dim3A_22 : vector<368x2944xi1>, vector<368x2944xf32>
    %iota3A_23 = tpu.iota {dimensions = array<i32: 1>} : vector<368x16xi32>
    %broadcast_in_dim3A_24 = arith.constant 0 : i32
    %broadcast_in_dim3A_25 = vector.broadcast %broadcast_in_dim3A_24 : i32 to vector<368x16xi32>
    %reduce_min3A = arith.constant dense<0x7F800000> : vector<368xf32>
    %reduce_min3A_26 = vector.multi_reduction <minimumf>, %select_n3A, %reduce_min3A [1] : vector<368x2944xf32> to vector<368xf32>
    %broadcast_in_dim3A_27 = vector.shape_cast %reduce_min3A_26 : vector<368xf32> to vector<368x1xf32>
    %eq3A = vector.broadcast %broadcast_in_dim3A_27 : vector<368x1xf32> to vector<368x2944xf32>
    %eq3A_28 = arith.cmpf oeq, %select_n3A, %eq3A : vector<368x2944xf32>
    %jit3A_29 = arith.constant 1073741824 : i32
    %broadcast_in_dim3A_30 = vector.broadcast %jit3A_29 : i32 to vector<368x2944xi32>
    %select_n3A_31 = arith.select %eq3A_28, %iota3A, %broadcast_in_dim3A_30 : vector<368x2944xi1>, vector<368x2944xi32>
    %reduce_min3A_32 = arith.constant dense<2147483647> : vector<368xi32>
    %reduce_min3A_33 = vector.multi_reduction <minsi>, %select_n3A_31, %reduce_min3A_32 [1] : vector<368x2944xi32> to vector<368xi32>
    %broadcast_in_dim3A_34 = vector.shape_cast %reduce_min3A_33 : vector<368xi32> to vector<368x1xi32>
    %eq3A_35 = arith.constant 0 : i32
    %eq3A_36 = vector.broadcast %eq3A_35 : i32 to vector<368x16xi32>
    %eq3A_37 = arith.cmpi eq, %iota3A_23, %eq3A_36 : vector<368x16xi32>
    %mul3A_38 = arith.constant 2826 : i32
    %mul3A_39 = arith.muli %arg0, %mul3A_38 : i32
    %add3A_40 = vector.broadcast %mul3A_39 : i32 to vector<368x1xi32>
    %add3A_41 = arith.addi %broadcast_in_dim3A_34, %add3A_40 : vector<368x1xi32>
    %broadcast_in_dim3A_42 = vector.shape_cast %add3A_41 : vector<368x1xi32> to vector<368x1xi32>
    %broadcast_in_dim3A_43 = vector.broadcast %broadcast_in_dim3A_42 : vector<368x1xi32> to vector<368x16xi32>
    %select_n3A_44 = arith.select %eq3A_37, %broadcast_in_dim3A_43, %broadcast_in_dim3A_25 : vector<368x16xi1>, vector<368x16xi32>
    %eq3A_45 = vector.broadcast %broadcast_in_dim3A_34 : vector<368x1xi32> to vector<368x2944xi32>
    %eq3A_46 = arith.cmpi eq, %iota3A, %eq3A_45 : vector<368x2944xi32>
    %jit3A_47 = arith.constant 1.000000e+30 : f32
    %broadcast_in_dim3A_48 = vector.broadcast %jit3A_47 : f32 to vector<368x2944xf32>
    %select_n3A_49 = arith.select %eq3A_46, %broadcast_in_dim3A_48, %select_n3A : vector<368x2944xi1>, vector<368x2944xf32>
    %reduce_min3A_50 = arith.constant dense<0x7F800000> : vector<368xf32>
    %reduce_min3A_51 = vector.multi_reduction <minimumf>, %select_n3A_49, %reduce_min3A_50 [1] : vector<368x2944xf32> to vector<368xf32>
    %broadcast_in_dim3A_52 = vector.shape_cast %reduce_min3A_51 : vector<368xf32> to vector<368x1xf32>
    %eq3A_53 = vector.broadcast %broadcast_in_dim3A_52 : vector<368x1xf32> to vector<368x2944xf32>
    %eq3A_54 = arith.cmpf oeq, %select_n3A_49, %eq3A_53 : vector<368x2944xf32>
    %jit3A_55 = arith.constant 1073741824 : i32
    %broadcast_in_dim3A_56 = vector.broadcast %jit3A_55 : i32 to vector<368x2944xi32>
    %select_n3A_57 = arith.select %eq3A_54, %iota3A, %broadcast_in_dim3A_56 : vector<368x2944xi1>, vector<368x2944xi32>
    %reduce_min3A_58 = arith.constant dense<2147483647> : vector<368xi32>
    %reduce_min3A_59 = vector.multi_reduction <minsi>, %select_n3A_57, %reduce_min3A_58 [1] : vector<368x2944xi32> to vector<368xi32>
    %broadcast_in_dim3A_60 = vector.shape_cast %reduce_min3A_59 : vector<368xi32> to vector<368x1xi32>
    %eq3A_61 = arith.constant 1 : i32
    %eq3A_62 = vector.broadcast %eq3A_61 : i32 to vector<368x16xi32>
    %eq3A_63 = arith.cmpi eq, %iota3A_23, %eq3A_62 : vector<368x16xi32>
    %mul3A_64 = arith.constant 2826 : i32
    %mul3A_65 = arith.muli %arg0, %mul3A_64 : i32
    %add3A_66 = vector.broadcast %mul3A_65 : i32 to vector<368x1xi32>
    %add3A_67 = arith.addi %broadcast_in_dim3A_60, %add3A_66 : vector<368x1xi32>
    %broadcast_in_dim3A_68 = vector.shape_cast %add3A_67 : vector<368x1xi32> to vector<368x1xi32>
    %broadcast_in_dim3A_69 = vector.broadcast %broadcast_in_dim3A_68 : vector<368x1xi32> to vector<368x16xi32>
    %select_n3A_70 = arith.select %eq3A_63, %broadcast_in_dim3A_69, %select_n3A_44 : vector<368x16xi1>, vector<368x16xi32>
    %eq3A_71 = vector.broadcast %broadcast_in_dim3A_60 : vector<368x1xi32> to vector<368x2944xi32>
    %eq3A_72 = arith.cmpi eq, %iota3A, %eq3A_71 : vector<368x2944xi32>
    %jit3A_73 = arith.constant 1.000000e+30 : f32
    %broadcast_in_dim3A_74 = vector.broadcast %jit3A_73 : f32 to vector<368x2944xf32>
    %select_n3A_75 = arith.select %eq3A_72, %broadcast_in_dim3A_74, %select_n3A_49 : vector<368x2944xi1>, vector<368x2944xf32>
    %reduce_min3A_76 = arith.constant dense<0x7F800000> : vector<368xf32>
    %reduce_min3A_77 = vector.multi_reduction <minimumf>, %select_n3A_75, %reduce_min3A_76 [1] : vector<368x2944xf32> to vector<368xf32>
    %broadcast_in_dim3A_78 = vector.shape_cast %reduce_min3A_77 : vector<368xf32> to vector<368x1xf32>
    %eq3A_79 = vector.broadcast %broadcast_in_dim3A_78 : vector<368x1xf32> to vector<368x2944xf32>
    %eq3A_80 = arith.cmpf oeq, %select_n3A_75, %eq3A_79 : vector<368x2944xf32>
    %jit3A_81 = arith.constant 1073741824 : i32
    %broadcast_in_dim3A_82 = vector.broadcast %jit3A_81 : i32 to vector<368x2944xi32>
    %select_n3A_83 = arith.select %eq3A_80, %iota3A, %broadcast_in_dim3A_82 : vector<368x2944xi1>, vector<368x2944xi32>
    %reduce_min3A_84 = arith.constant dense<2147483647> : vector<368xi32>
    %reduce_min3A_85 = vector.multi_reduction <minsi>, %select_n3A_83, %reduce_min3A_84 [1] : vector<368x2944xi32> to vector<368xi32>
    %broadcast_in_dim3A_86 = vector.shape_cast %reduce_min3A_85 : vector<368xi32> to vector<368x1xi32>
    %eq3A_87 = arith.constant 2 : i32
    %eq3A_88 = vector.broadcast %eq3A_87 : i32 to vector<368x16xi32>
    %eq3A_89 = arith.cmpi eq, %iota3A_23, %eq3A_88 : vector<368x16xi32>
    %mul3A_90 = arith.constant 2826 : i32
    %mul3A_91 = arith.muli %arg0, %mul3A_90 : i32
    %add3A_92 = vector.broadcast %mul3A_91 : i32 to vector<368x1xi32>
    %add3A_93 = arith.addi %broadcast_in_dim3A_86, %add3A_92 : vector<368x1xi32>
    %broadcast_in_dim3A_94 = vector.shape_cast %add3A_93 : vector<368x1xi32> to vector<368x1xi32>
    %broadcast_in_dim3A_95 = vector.broadcast %broadcast_in_dim3A_94 : vector<368x1xi32> to vector<368x16xi32>
    %select_n3A_96 = arith.select %eq3A_89, %broadcast_in_dim3A_95, %select_n3A_70 : vector<368x16xi1>, vector<368x16xi32>
    %eq3A_97 = vector.broadcast %broadcast_in_dim3A_86 : vector<368x1xi32> to vector<368x2944xi32>
    %eq3A_98 = arith.cmpi eq, %iota3A, %eq3A_97 : vector<368x2944xi32>
    %jit3A_99 = arith.constant 1.000000e+30 : f32
    %broadcast_in_dim3A_100 = vector.broadcast %jit3A_99 : f32 to vector<368x2944xf32>
    %select_n3A_101 = arith.select %eq3A_98, %broadcast_in_dim3A_100, %select_n3A_75 : vector<368x2944xi1>, vector<368x2944xf32>
    %reduce_min3A_102 = arith.constant dense<0x7F800000> : vector<368xf32>
    %reduce_min3A_103 = vector.multi_reduction <minimumf>, %select_n3A_101, %reduce_min3A_102 [1] : vector<368x2944xf32> to vector<368xf32>
    %broadcast_in_dim3A_104 = vector.shape_cast %reduce_min3A_103 : vector<368xf32> to vector<368x1xf32>
    %eq3A_105 = vector.broadcast %broadcast_in_dim3A_104 : vector<368x1xf32> to vector<368x2944xf32>
    %eq3A_106 = arith.cmpf oeq, %select_n3A_101, %eq3A_105 : vector<368x2944xf32>
    %jit3A_107 = arith.constant 1073741824 : i32
    %broadcast_in_dim3A_108 = vector.broadcast %jit3A_107 : i32 to vector<368x2944xi32>
    %select_n3A_109 = arith.select %eq3A_106, %iota3A, %broadcast_in_dim3A_108 : vector<368x2944xi1>, vector<368x2944xi32>
    %reduce_min3A_110 = arith.constant dense<2147483647> : vector<368xi32>
    %reduce_min3A_111 = vector.multi_reduction <minsi>, %select_n3A_109, %reduce_min3A_110 [1] : vector<368x2944xi32> to vector<368xi32>
    %broadcast_in_dim3A_112 = vector.shape_cast %reduce_min3A_111 : vector<368xi32> to vector<368x1xi32>
    %eq3A_113 = arith.constant 3 : i32
    %eq3A_114 = vector.broadcast %eq3A_113 : i32 to vector<368x16xi32>
    %eq3A_115 = arith.cmpi eq, %iota3A_23, %eq3A_114 : vector<368x16xi32>
    %mul3A_116 = arith.constant 2826 : i32
    %mul3A_117 = arith.muli %arg0, %mul3A_116 : i32
    %add3A_118 = vector.broadcast %mul3A_117 : i32 to vector<368x1xi32>
    %add3A_119 = arith.addi %broadcast_in_dim3A_112, %add3A_118 : vector<368x1xi32>
    %broadcast_in_dim3A_120 = vector.shape_cast %add3A_119 : vector<368x1xi32> to vector<368x1xi32>
    %broadcast_in_dim3A_121 = vector.broadcast %broadcast_in_dim3A_120 : vector<368x1xi32> to vector<368x16xi32>
    %select_n3A_122 = arith.select %eq3A_115, %broadcast_in_dim3A_121, %select_n3A_96 : vector<368x16xi1>, vector<368x16xi32>
    %eq3A_123 = vector.broadcast %broadcast_in_dim3A_112 : vector<368x1xi32> to vector<368x2944xi32>
    %eq3A_124 = arith.cmpi eq, %iota3A, %eq3A_123 : vector<368x2944xi32>
    %jit3A_125 = arith.constant 1.000000e+30 : f32
    %broadcast_in_dim3A_126 = vector.broadcast %jit3A_125 : f32 to vector<368x2944xf32>
    %select_n3A_127 = arith.select %eq3A_124, %broadcast_in_dim3A_126, %select_n3A_101 : vector<368x2944xi1>, vector<368x2944xf32>
    %reduce_min3A_128 = arith.constant dense<0x7F800000> : vector<368xf32>
    %reduce_min3A_129 = vector.multi_reduction <minimumf>, %select_n3A_127, %reduce_min3A_128 [1] : vector<368x2944xf32> to vector<368xf32>
    %broadcast_in_dim3A_130 = vector.shape_cast %reduce_min3A_129 : vector<368xf32> to vector<368x1xf32>
    %eq3A_131 = vector.broadcast %broadcast_in_dim3A_130 : vector<368x1xf32> to vector<368x2944xf32>
    %eq3A_132 = arith.cmpf oeq, %select_n3A_127, %eq3A_131 : vector<368x2944xf32>
    %jit3A_133 = arith.constant 1073741824 : i32
    %broadcast_in_dim3A_134 = vector.broadcast %jit3A_133 : i32 to vector<368x2944xi32>
    %select_n3A_135 = arith.select %eq3A_132, %iota3A, %broadcast_in_dim3A_134 : vector<368x2944xi1>, vector<368x2944xi32>
    %reduce_min3A_136 = arith.constant dense<2147483647> : vector<368xi32>
    %reduce_min3A_137 = vector.multi_reduction <minsi>, %select_n3A_135, %reduce_min3A_136 [1] : vector<368x2944xi32> to vector<368xi32>
    %broadcast_in_dim3A_138 = vector.shape_cast %reduce_min3A_137 : vector<368xi32> to vector<368x1xi32>
    %eq3A_139 = arith.constant 4 : i32
    %eq3A_140 = vector.broadcast %eq3A_139 : i32 to vector<368x16xi32>
    %eq3A_141 = arith.cmpi eq, %iota3A_23, %eq3A_140 : vector<368x16xi32>
    %mul3A_142 = arith.constant 2826 : i32
    %mul3A_143 = arith.muli %arg0, %mul3A_142 : i32
    %add3A_144 = vector.broadcast %mul3A_143 : i32 to vector<368x1xi32>
    %add3A_145 = arith.addi %broadcast_in_dim3A_138, %add3A_144 : vector<368x1xi32>
    %broadcast_in_dim3A_146 = vector.shape_cast %add3A_145 : vector<368x1xi32> to vector<368x1xi32>
    %broadcast_in_dim3A_147 = vector.broadcast %broadcast_in_dim3A_146 : vector<368x1xi32> to vector<368x16xi32>
    %select_n3A_148 = arith.select %eq3A_141, %broadcast_in_dim3A_147, %select_n3A_122 : vector<368x16xi1>, vector<368x16xi32>
    %eq3A_149 = vector.broadcast %broadcast_in_dim3A_138 : vector<368x1xi32> to vector<368x2944xi32>
    %eq3A_150 = arith.cmpi eq, %iota3A, %eq3A_149 : vector<368x2944xi32>
    %jit3A_151 = arith.constant 1.000000e+30 : f32
    %broadcast_in_dim3A_152 = vector.broadcast %jit3A_151 : f32 to vector<368x2944xf32>
    %select_n3A_153 = arith.select %eq3A_150, %broadcast_in_dim3A_152, %select_n3A_127 : vector<368x2944xi1>, vector<368x2944xf32>
    %reduce_min3A_154 = arith.constant dense<0x7F800000> : vector<368xf32>
    %reduce_min3A_155 = vector.multi_reduction <minimumf>, %select_n3A_153, %reduce_min3A_154 [1] : vector<368x2944xf32> to vector<368xf32>
    %broadcast_in_dim3A_156 = vector.shape_cast %reduce_min3A_155 : vector<368xf32> to vector<368x1xf32>
    %eq3A_157 = vector.broadcast %broadcast_in_dim3A_156 : vector<368x1xf32> to vector<368x2944xf32>
    %eq3A_158 = arith.cmpf oeq, %select_n3A_153, %eq3A_157 : vector<368x2944xf32>
    %jit3A_159 = arith.constant 1073741824 : i32
    %broadcast_in_dim3A_160 = vector.broadcast %jit3A_159 : i32 to vector<368x2944xi32>
    %select_n3A_161 = arith.select %eq3A_158, %iota3A, %broadcast_in_dim3A_160 : vector<368x2944xi1>, vector<368x2944xi32>
    %reduce_min3A_162 = arith.constant dense<2147483647> : vector<368xi32>
    %reduce_min3A_163 = vector.multi_reduction <minsi>, %select_n3A_161, %reduce_min3A_162 [1] : vector<368x2944xi32> to vector<368xi32>
    %broadcast_in_dim3A_164 = vector.shape_cast %reduce_min3A_163 : vector<368xi32> to vector<368x1xi32>
    %eq3A_165 = arith.constant 5 : i32
    %eq3A_166 = vector.broadcast %eq3A_165 : i32 to vector<368x16xi32>
    %eq3A_167 = arith.cmpi eq, %iota3A_23, %eq3A_166 : vector<368x16xi32>
    %mul3A_168 = arith.constant 2826 : i32
    %mul3A_169 = arith.muli %arg0, %mul3A_168 : i32
    %add3A_170 = vector.broadcast %mul3A_169 : i32 to vector<368x1xi32>
    %add3A_171 = arith.addi %broadcast_in_dim3A_164, %add3A_170 : vector<368x1xi32>
    %broadcast_in_dim3A_172 = vector.shape_cast %add3A_171 : vector<368x1xi32> to vector<368x1xi32>
    %broadcast_in_dim3A_173 = vector.broadcast %broadcast_in_dim3A_172 : vector<368x1xi32> to vector<368x16xi32>
    %select_n3A_174 = arith.select %eq3A_167, %broadcast_in_dim3A_173, %select_n3A_148 : vector<368x16xi1>, vector<368x16xi32>
    %eq3A_175 = vector.broadcast %broadcast_in_dim3A_164 : vector<368x1xi32> to vector<368x2944xi32>
    %eq3A_176 = arith.cmpi eq, %iota3A, %eq3A_175 : vector<368x2944xi32>
    %jit3A_177 = arith.constant 1.000000e+30 : f32
    %broadcast_in_dim3A_178 = vector.broadcast %jit3A_177 : f32 to vector<368x2944xf32>
    %select_n3A_179 = arith.select %eq3A_176, %broadcast_in_dim3A_178, %select_n3A_153 : vector<368x2944xi1>, vector<368x2944xf32>
    %reduce_min3A_180 = arith.constant dense<0x7F800000> : vector<368xf32>
    %reduce_min3A_181 = vector.multi_reduction <minimumf>, %select_n3A_179, %reduce_min3A_180 [1] : vector<368x2944xf32> to vector<368xf32>
    %broadcast_in_dim3A_182 = vector.shape_cast %reduce_min3A_181 : vector<368xf32> to vector<368x1xf32>
    %eq3A_183 = vector.broadcast %broadcast_in_dim3A_182 : vector<368x1xf32> to vector<368x2944xf32>
    %eq3A_184 = arith.cmpf oeq, %select_n3A_179, %eq3A_183 : vector<368x2944xf32>
    %jit3A_185 = arith.constant 1073741824 : i32
    %broadcast_in_dim3A_186 = vector.broadcast %jit3A_185 : i32 to vector<368x2944xi32>
    %select_n3A_187 = arith.select %eq3A_184, %iota3A, %broadcast_in_dim3A_186 : vector<368x2944xi1>, vector<368x2944xi32>
    %reduce_min3A_188 = arith.constant dense<2147483647> : vector<368xi32>
    %reduce_min3A_189 = vector.multi_reduction <minsi>, %select_n3A_187, %reduce_min3A_188 [1] : vector<368x2944xi32> to vector<368xi32>
    %broadcast_in_dim3A_190 = vector.shape_cast %reduce_min3A_189 : vector<368xi32> to vector<368x1xi32>
    %eq3A_191 = arith.constant 6 : i32
    %eq3A_192 = vector.broadcast %eq3A_191 : i32 to vector<368x16xi32>
    %eq3A_193 = arith.cmpi eq, %iota3A_23, %eq3A_192 : vector<368x16xi32>
    %mul3A_194 = arith.constant 2826 : i32
    %mul3A_195 = arith.muli %arg0, %mul3A_194 : i32
    %add3A_196 = vector.broadcast %mul3A_195 : i32 to vector<368x1xi32>
    %add3A_197 = arith.addi %broadcast_in_dim3A_190, %add3A_196 : vector<368x1xi32>
    %broadcast_in_dim3A_198 = vector.shape_cast %add3A_197 : vector<368x1xi32> to vector<368x1xi32>
    %broadcast_in_dim3A_199 = vector.broadcast %broadcast_in_dim3A_198 : vector<368x1xi32> to vector<368x16xi32>
    %select_n3A_200 = arith.select %eq3A_193, %broadcast_in_dim3A_199, %select_n3A_174 : vector<368x16xi1>, vector<368x16xi32>
    %eq3A_201 = vector.broadcast %broadcast_in_dim3A_190 : vector<368x1xi32> to vector<368x2944xi32>
    %eq3A_202 = arith.cmpi eq, %iota3A, %eq3A_201 : vector<368x2944xi32>
    %jit3A_203 = arith.constant 1.000000e+30 : f32
    %broadcast_in_dim3A_204 = vector.broadcast %jit3A_203 : f32 to vector<368x2944xf32>
    %select_n3A_205 = arith.select %eq3A_202, %broadcast_in_dim3A_204, %select_n3A_179 : vector<368x2944xi1>, vector<368x2944xf32>
    %reduce_min3A_206 = arith.constant dense<0x7F800000> : vector<368xf32>
    %reduce_min3A_207 = vector.multi_reduction <minimumf>, %select_n3A_205, %reduce_min3A_206 [1] : vector<368x2944xf32> to vector<368xf32>
    %broadcast_in_dim3A_208 = vector.shape_cast %reduce_min3A_207 : vector<368xf32> to vector<368x1xf32>
    %eq3A_209 = vector.broadcast %broadcast_in_dim3A_208 : vector<368x1xf32> to vector<368x2944xf32>
    %eq3A_210 = arith.cmpf oeq, %select_n3A_205, %eq3A_209 : vector<368x2944xf32>
    %jit3A_211 = arith.constant 1073741824 : i32
    %broadcast_in_dim3A_212 = vector.broadcast %jit3A_211 : i32 to vector<368x2944xi32>
    %select_n3A_213 = arith.select %eq3A_210, %iota3A, %broadcast_in_dim3A_212 : vector<368x2944xi1>, vector<368x2944xi32>
    %reduce_min3A_214 = arith.constant dense<2147483647> : vector<368xi32>
    %reduce_min3A_215 = vector.multi_reduction <minsi>, %select_n3A_213, %reduce_min3A_214 [1] : vector<368x2944xi32> to vector<368xi32>
    %broadcast_in_dim3A_216 = vector.shape_cast %reduce_min3A_215 : vector<368xi32> to vector<368x1xi32>
    %eq3A_217 = arith.constant 7 : i32
    %eq3A_218 = vector.broadcast %eq3A_217 : i32 to vector<368x16xi32>
    %eq3A_219 = arith.cmpi eq, %iota3A_23, %eq3A_218 : vector<368x16xi32>
    %mul3A_220 = arith.constant 2826 : i32
    %mul3A_221 = arith.muli %arg0, %mul3A_220 : i32
    %add3A_222 = vector.broadcast %mul3A_221 : i32 to vector<368x1xi32>
    %add3A_223 = arith.addi %broadcast_in_dim3A_216, %add3A_222 : vector<368x1xi32>
    %broadcast_in_dim3A_224 = vector.shape_cast %add3A_223 : vector<368x1xi32> to vector<368x1xi32>
    %broadcast_in_dim3A_225 = vector.broadcast %broadcast_in_dim3A_224 : vector<368x1xi32> to vector<368x16xi32>
    %select_n3A_226 = arith.select %eq3A_219, %broadcast_in_dim3A_225, %select_n3A_200 : vector<368x16xi1>, vector<368x16xi32>
    %eq3A_227 = vector.broadcast %broadcast_in_dim3A_216 : vector<368x1xi32> to vector<368x2944xi32>
    %eq3A_228 = arith.cmpi eq, %iota3A, %eq3A_227 : vector<368x2944xi32>
    %jit3A_229 = arith.constant 1.000000e+30 : f32
    %broadcast_in_dim3A_230 = vector.broadcast %jit3A_229 : f32 to vector<368x2944xf32>
    %select_n3A_231 = arith.select %eq3A_228, %broadcast_in_dim3A_230, %select_n3A_205 : vector<368x2944xi1>, vector<368x2944xf32>
    %reduce_min3A_232 = arith.constant dense<0x7F800000> : vector<368xf32>
    %reduce_min3A_233 = vector.multi_reduction <minimumf>, %select_n3A_231, %reduce_min3A_232 [1] : vector<368x2944xf32> to vector<368xf32>
    %broadcast_in_dim3A_234 = vector.shape_cast %reduce_min3A_233 : vector<368xf32> to vector<368x1xf32>
    %eq3A_235 = vector.broadcast %broadcast_in_dim3A_234 : vector<368x1xf32> to vector<368x2944xf32>
    %eq3A_236 = arith.cmpf oeq, %select_n3A_231, %eq3A_235 : vector<368x2944xf32>
    %jit3A_237 = arith.constant 1073741824 : i32
    %broadcast_in_dim3A_238 = vector.broadcast %jit3A_237 : i32 to vector<368x2944xi32>
    %select_n3A_239 = arith.select %eq3A_236, %iota3A, %broadcast_in_dim3A_238 : vector<368x2944xi1>, vector<368x2944xi32>
    %reduce_min3A_240 = arith.constant dense<2147483647> : vector<368xi32>
    %reduce_min3A_241 = vector.multi_reduction <minsi>, %select_n3A_239, %reduce_min3A_240 [1] : vector<368x2944xi32> to vector<368xi32>
    %broadcast_in_dim3A_242 = vector.shape_cast %reduce_min3A_241 : vector<368xi32> to vector<368x1xi32>
    %eq3A_243 = arith.constant 8 : i32
    %eq3A_244 = vector.broadcast %eq3A_243 : i32 to vector<368x16xi32>
    %eq3A_245 = arith.cmpi eq, %iota3A_23, %eq3A_244 : vector<368x16xi32>
    %mul3A_246 = arith.constant 2826 : i32
    %mul3A_247 = arith.muli %arg0, %mul3A_246 : i32
    %add3A_248 = vector.broadcast %mul3A_247 : i32 to vector<368x1xi32>
    %add3A_249 = arith.addi %broadcast_in_dim3A_242, %add3A_248 : vector<368x1xi32>
    %broadcast_in_dim3A_250 = vector.shape_cast %add3A_249 : vector<368x1xi32> to vector<368x1xi32>
    %broadcast_in_dim3A_251 = vector.broadcast %broadcast_in_dim3A_250 : vector<368x1xi32> to vector<368x16xi32>
    %select_n3A_252 = arith.select %eq3A_245, %broadcast_in_dim3A_251, %select_n3A_226 : vector<368x16xi1>, vector<368x16xi32>
    %eq3A_253 = vector.broadcast %broadcast_in_dim3A_242 : vector<368x1xi32> to vector<368x2944xi32>
    %eq3A_254 = arith.cmpi eq, %iota3A, %eq3A_253 : vector<368x2944xi32>
    %jit3A_255 = arith.constant 1.000000e+30 : f32
    %broadcast_in_dim3A_256 = vector.broadcast %jit3A_255 : f32 to vector<368x2944xf32>
    %select_n3A_257 = arith.select %eq3A_254, %broadcast_in_dim3A_256, %select_n3A_231 : vector<368x2944xi1>, vector<368x2944xf32>
    %reduce_min3A_258 = arith.constant dense<0x7F800000> : vector<368xf32>
    %reduce_min3A_259 = vector.multi_reduction <minimumf>, %select_n3A_257, %reduce_min3A_258 [1] : vector<368x2944xf32> to vector<368xf32>
    %broadcast_in_dim3A_260 = vector.shape_cast %reduce_min3A_259 : vector<368xf32> to vector<368x1xf32>
    %eq3A_261 = vector.broadcast %broadcast_in_dim3A_260 : vector<368x1xf32> to vector<368x2944xf32>
    %eq3A_262 = arith.cmpf oeq, %select_n3A_257, %eq3A_261 : vector<368x2944xf32>
    %jit3A_263 = arith.constant 1073741824 : i32
    %broadcast_in_dim3A_264 = vector.broadcast %jit3A_263 : i32 to vector<368x2944xi32>
    %select_n3A_265 = arith.select %eq3A_262, %iota3A, %broadcast_in_dim3A_264 : vector<368x2944xi1>, vector<368x2944xi32>
    %reduce_min3A_266 = arith.constant dense<2147483647> : vector<368xi32>
    %reduce_min3A_267 = vector.multi_reduction <minsi>, %select_n3A_265, %reduce_min3A_266 [1] : vector<368x2944xi32> to vector<368xi32>
    %broadcast_in_dim3A_268 = vector.shape_cast %reduce_min3A_267 : vector<368xi32> to vector<368x1xi32>
    %eq3A_269 = arith.constant 9 : i32
    %eq3A_270 = vector.broadcast %eq3A_269 : i32 to vector<368x16xi32>
    %eq3A_271 = arith.cmpi eq, %iota3A_23, %eq3A_270 : vector<368x16xi32>
    %mul3A_272 = arith.constant 2826 : i32
    %mul3A_273 = arith.muli %arg0, %mul3A_272 : i32
    %add3A_274 = vector.broadcast %mul3A_273 : i32 to vector<368x1xi32>
    %add3A_275 = arith.addi %broadcast_in_dim3A_268, %add3A_274 : vector<368x1xi32>
    %broadcast_in_dim3A_276 = vector.shape_cast %add3A_275 : vector<368x1xi32> to vector<368x1xi32>
    %broadcast_in_dim3A_277 = vector.broadcast %broadcast_in_dim3A_276 : vector<368x1xi32> to vector<368x16xi32>
    %select_n3A_278 = arith.select %eq3A_271, %broadcast_in_dim3A_277, %select_n3A_252 : vector<368x16xi1>, vector<368x16xi32>
    %swap3A = arith.constant 0 : index
    %swap3A_279 = arith.constant 0 : index
    %swap3A_280 = arith.constant 0 : index
    %swap3A_281 = vector.load %arg4[%swap3A, %swap3A_279, %swap3A_280] : memref<1x368x16xi32, #tpu.memory_space<vmem>>, vector<1x368x16xi32>
    %swap3A_282 = vector.shape_cast %swap3A_281 : vector<1x368x16xi32> to vector<368x16xi32>
    %swap3A_283 = vector.shape_cast %select_n3A_278 : vector<368x16xi32> to vector<1x368x16xi32>
    tpu.vector_store %arg4[%swap3A, %swap3A_279, %swap3A_280], %swap3A_283 {strides = array<i32>} : memref<1x368x16xi32, #tpu.memory_space<vmem>>, vector<1x368x16xi32>,
    return
  }
  func.func @transform_0(%arg0: i32, %arg1: i32) -> (i32, i32, i32) {
    %c0_i32 = arith.constant 0 : i32
    %c0_i32_0 = arith.constant 0 : i32
    return %arg0, %arg1, %c0_i32 : i32, i32, i32
  }
  func.func @transform_1(%arg0: i32, %arg1: i32) -> (i32, i32, i32) {
    %c0_i32 = arith.constant 0 : i32
    %c0_i32_0 = arith.constant 0 : i32
    %c0_i32_1 = arith.constant 0 : i32
    return %arg0, %c0_i32, %c0_i32_0 : i32, i32, i32
  }
  func.func @transform_2(%arg0: i32, %arg1: i32) -> (i32, i32, i32) {
    %c0_i32 = arith.constant 0 : i32
    %c0_i32_0 = arith.constant 0 : i32
    return %arg0, %arg1, %c0_i32 : i32, i32, i32
  }
}

module attributes {stable_mosaic.version = 14 : i64} {
  func.func @_conv_p1_body(%arg0: i32, %arg1: memref<10x1256x40xf32, #tpu.memory_space<vmem>>, %arg2: memref<1256x40xf32, #tpu.memory_space<vmem>>, %arg3: memref<40x256xf32, #tpu.memory_space<vmem>>, %arg4: memref<40x256xf32, #tpu.memory_space<vmem>>, %arg5: memref<1x256xf32, #tpu.memory_space<vmem>>, %arg6: memref<2x256xf32, #tpu.memory_space<vmem>>, %arg7: memref<2x256xf32, #tpu.memory_space<vmem>>) attributes {dimension_semantics = [#tpu.dimension_semantics<arbitrary>], iteration_bounds = array<i64: 18>, scalar_prefetch = 0 : i64, scratch_operands = 0 : i64, tpu.core_type = #tpu.core_type<tc>, window_params = [{transform_indices = @transform_0, window_bounds = array<i64: 10, 1256, 40>}, {transform_indices = @transform_1, window_bounds = array<i64: 1256, 40>}, {pipeline_mode = #tpu.pipeline_mode<synchronous>, transform_indices = @transform_2, window_bounds = array<i64: 40, 256>}, {pipeline_mode = #tpu.pipeline_mode<synchronous>, transform_indices = @transform_3, window_bounds = array<i64: 40, 256>}, {pipeline_mode = #tpu.pipeline_mode<synchronous>, transform_indices = @transform_4, window_bounds = array<i64: 1, 256>}, {pipeline_mode = #tpu.pipeline_mode<synchronous>, transform_indices = @transform_5, window_bounds = array<i64: 2, 256>}, {pipeline_mode = #tpu.pipeline_mode<synchronous>, transform_indices = @transform_6, window_bounds = array<i64: 2, 256>}]} {
    %eq3A = arith.constant 0 : i32
    %eq3A_0 = arith.cmpi eq, %arg0, %eq3A : i32
    %convert_element_type3A = arith.extui %eq3A_0 : i1 to i32
    %cond3A = arith.constant 0 : i32
    %cond3A_1 = arith.cmpi ne, %convert_element_type3A, %cond3A : i32
    scf.if %cond3A_1 {
      %broadcast_in_dim3A_380 = arith.constant 0.000000e+00 : f32
      %broadcast_in_dim3A_381 = vector.broadcast %broadcast_in_dim3A_380 : f32 to vector<2x256xf32>
      %swap3A_382 = arith.constant 0 : index
      %swap3A_383 = arith.constant 0 : index
      %swap3A_384 = vector.load %arg6[%swap3A_382, %swap3A_383] : memref<2x256xf32, #tpu.memory_space<vmem>>, vector<2x256xf32>
      tpu.vector_store %arg6[%swap3A_382, %swap3A_383], %broadcast_in_dim3A_381 {strides = array<i32>} : memref<2x256xf32, #tpu.memory_space<vmem>>, vector<2x256xf32>,
      %broadcast_in_dim3A_385 = arith.constant 0.000000e+00 : f32
      %broadcast_in_dim3A_386 = vector.broadcast %broadcast_in_dim3A_385 : f32 to vector<2x256xf32>
      %swap3A_387 = arith.constant 0 : index
      %swap3A_388 = arith.constant 0 : index
      %swap3A_389 = vector.load %arg7[%swap3A_387, %swap3A_388] : memref<2x256xf32, #tpu.memory_space<vmem>>, vector<2x256xf32>
      tpu.vector_store %arg7[%swap3A_387, %swap3A_388], %broadcast_in_dim3A_386 {strides = array<i32>} : memref<2x256xf32, #tpu.memory_space<vmem>>, vector<2x256xf32>,
    } else {
    }
    %get3A = arith.constant 0 : index
    %get3A_2 = arith.constant 0 : index
    %get3A_3 = vector.load %arg2[%get3A, %get3A_2] : memref<1256x40xf32, #tpu.memory_space<vmem>>, vector<1256x40xf32>
    %get3A_4 = arith.constant 0 : index
    %get3A_5 = arith.constant 0 : index
    %get3A_6 = vector.load %arg3[%get3A_4, %get3A_5] : memref<40x256xf32, #tpu.memory_space<vmem>>, vector<40x256xf32>
    %dot_general3A = arith.constant dense<0.000000e+00> : vector<1256x256xf32>
    %dot_general3A_7 = tpu.matmul %get3A_3, %get3A_6, %dot_general3A {dimension_numbers = #tpu.dot_dimension_numbers<[1], [0], [0], [1], [0, 0, 1, 1], [], []>, precision = #tpu.contract_precision<fp32>, transpose_lhs_hint = false} : vector<1256x40xf32>, vector<40x256xf32>, vector<1256x256xf32> -> vector<1256x256xf32>
    %get3A_8 = arith.constant 0 : index
    %get3A_9 = arith.constant 0 : index
    %get3A_10 = vector.load %arg5[%get3A_8, %get3A_9] : memref<1x256xf32, #tpu.memory_space<vmem>>, vector<1x256xf32>
    %add3A = vector.broadcast %get3A_10 : vector<1x256xf32> to vector<1256x256xf32>
    %add3A_11 = arith.addf %dot_general3A_7, %add3A : vector<1256x256xf32>
    %iota3A = tpu.iota {dimensions = array<i32: 0>} : vector<1256x1xi32>
    %jit3A = arith.constant 2 : i32
    %eq3A_12 = arith.constant 0 : i32
    %eq3A_13 = arith.cmpi eq, %jit3A, %eq3A_12 : i32
    %jit3A_14 = arith.constant 1 : i32
    %select_n3A = arith.select %eq3A_13, %jit3A_14, %jit3A : i32
    %rem3A = vector.broadcast %select_n3A : i32 to vector<1256x1xi32>
    %rem3A_15 = arith.remsi %iota3A, %rem3A : vector<1256x1xi32>
    %ne3A = arith.constant 0 : i32
    %ne3A_16 = vector.broadcast %ne3A : i32 to vector<1256x1xi32>
    %ne3A_17 = arith.cmpi ne, %rem3A_15, %ne3A_16 : vector<1256x1xi32>
    %lt3A = arith.constant 0 : i32
    %lt3A_18 = vector.broadcast %lt3A : i32 to vector<1256x1xi32>
    %lt3A_19 = arith.cmpi slt, %rem3A_15, %lt3A_18 : vector<1256x1xi32>
    %lt3A_20 = arith.constant 0 : i32
    %lt3A_21 = arith.cmpi slt, %select_n3A, %lt3A_20 : i32
    %ne3A_22 = vector.broadcast %lt3A_21 : i1 to vector<1256x1xi1>
    %ne3A_23 = vector.broadcast %ne3A_22 : vector<1256x1xi1> to vector<1256x1xi1>
    %ne3A_24 = arith.xori %lt3A_19, %ne3A_23 : vector<1256x1xi1>
    %and3A = arith.andi %ne3A_24, %ne3A_17 : vector<1256x1xi1>
    %add3A_25 = vector.broadcast %select_n3A : i32 to vector<1256x1xi32>
    %add3A_26 = arith.addi %rem3A_15, %add3A_25 : vector<1256x1xi32>
    %select_n3A_27 = arith.select %and3A, %add3A_26, %rem3A_15 : vector<1256x1xi1>, vector<1256x1xi32>
    %eq3A_28 = arith.constant 0 : i32
    %eq3A_29 = vector.broadcast %eq3A_28 : i32 to vector<1256x1xi32>
    %eq3A_30 = arith.cmpi eq, %select_n3A_27, %eq3A_29 : vector<1256x1xi32>
    %iota3A_31 = tpu.iota {dimensions = array<i32: 1>} : vector<1x256xi32>
    %ge3A = arith.constant 64 : i32
    %ge3A_32 = vector.broadcast %ge3A : i32 to vector<1x256xi32>
    %ge3A_33 = arith.cmpi sge, %iota3A_31, %ge3A_32 : vector<1x256xi32>
    %lt3A_34 = arith.constant 128 : i32
    %lt3A_35 = vector.broadcast %lt3A_34 : i32 to vector<1x256xi32>
    %lt3A_36 = arith.cmpi slt, %iota3A_31, %lt3A_35 : vector<1x256xi32>
    %and3A_37 = arith.andi %ge3A_33, %lt3A_36 : vector<1x256xi1>
    %ge3A_38 = arith.constant 192 : i32
    %ge3A_39 = vector.broadcast %ge3A_38 : i32 to vector<1x256xi32>
    %ge3A_40 = arith.cmpi sge, %iota3A_31, %ge3A_39 : vector<1x256xi32>
    %or3A = arith.ori %and3A_37, %ge3A_40 : vector<1x256xi1>
    %broadcast_in_dim3A = arith.constant 0.000000e+00 : f32
    %broadcast_in_dim3A_41 = vector.broadcast %broadcast_in_dim3A : f32 to vector<1x256xf32>
    %broadcast_in_dim3A_42 = arith.constant 0.000000e+00 : f32
    %broadcast_in_dim3A_43 = vector.broadcast %broadcast_in_dim3A_42 : f32 to vector<1x256xf32>
    %broadcast_in_dim3A_44 = arith.constant 0.000000e+00 : f32
    %broadcast_in_dim3A_45 = vector.broadcast %broadcast_in_dim3A_44 : f32 to vector<1x256xf32>
    %broadcast_in_dim3A_46 = arith.constant 0.000000e+00 : f32
    %broadcast_in_dim3A_47 = vector.broadcast %broadcast_in_dim3A_46 : f32 to vector<1x256xf32>
    %get3A_48 = arith.constant 0 : index
    %get3A_49 = arith.constant 0 : index
    %get3A_50 = arith.constant 0 : index
    %get3A_51 = vector.load %arg1[%get3A_48, %get3A_49, %get3A_50] : memref<10x1256x40xf32, #tpu.memory_space<vmem>>, vector<1x1256x40xf32>
    %get3A_52 = vector.shape_cast %get3A_51 : vector<1x1256x40xf32> to vector<1256x40xf32>
    %get3A_53 = arith.constant 0 : index
    %get3A_54 = arith.constant 0 : index
    %get3A_55 = vector.load %arg4[%get3A_53, %get3A_54] : memref<40x256xf32, #tpu.memory_space<vmem>>, vector<40x256xf32>
    %dot_general3A_56 = arith.constant dense<0.000000e+00> : vector<1256x256xf32>
    %dot_general3A_57 = tpu.matmul %get3A_52, %get3A_55, %dot_general3A_56 {dimension_numbers = #tpu.dot_dimension_numbers<[1], [0], [0], [1], [0, 0, 1, 1], [], []>, precision = #tpu.contract_precision<fp32>, transpose_lhs_hint = false} : vector<1256x40xf32>, vector<40x256xf32>, vector<1256x256xf32> -> vector<1256x256xf32>
    %add3A_58 = arith.addf %dot_general3A_57, %add3A_11 : vector<1256x256xf32>
    %max3A = arith.constant 0.000000e+00 : f32
    %max3A_59 = vector.broadcast %max3A : f32 to vector<1256x256xf32>
    %max3A_60 = arith.maximumf %add3A_58, %max3A_59 : vector<1256x256xf32>
    %reduce_sum3A = arith.constant dense<0.000000e+00> : vector<256xf32>
    %reduce_sum3A_61 = vector.multi_reduction <add>, %max3A_60, %reduce_sum3A [0] : vector<1256x256xf32> to vector<256xf32>
    %broadcast_in_dim3A_62 = vector.shape_cast %reduce_sum3A_61 : vector<256xf32> to vector<1x256xf32>
    %add3A_63 = arith.addf %broadcast_in_dim3A_41, %broadcast_in_dim3A_62 : vector<1x256xf32>
    %mul3A = arith.mulf %max3A_60, %max3A_60 : vector<1256x256xf32>
    %reduce_sum3A_64 = arith.constant dense<0.000000e+00> : vector<256xf32>
    %reduce_sum3A_65 = vector.multi_reduction <add>, %mul3A, %reduce_sum3A_64 [0] : vector<1256x256xf32> to vector<256xf32>
    %broadcast_in_dim3A_66 = vector.shape_cast %reduce_sum3A_65 : vector<256xf32> to vector<1x256xf32>
    %add3A_67 = arith.addf %broadcast_in_dim3A_43, %broadcast_in_dim3A_66 : vector<1x256xf32>
    %and3A_68 = vector.broadcast %or3A : vector<1x256xi1> to vector<1256x256xi1>
    %and3A_69 = vector.broadcast %eq3A_30 : vector<1256x1xi1> to vector<1256x256xi1>
    %and3A_70 = arith.andi %and3A_68, %and3A_69 : vector<1256x256xi1>
    %jit3A_71 = arith.constant 0.000000e+00 : f32
    %broadcast_in_dim3A_72 = vector.broadcast %jit3A_71 : f32 to vector<1256x256xf32>
    %select_n3A_73 = arith.select %and3A_70, %max3A_60, %broadcast_in_dim3A_72 : vector<1256x256xi1>, vector<1256x256xf32>
    %reduce_sum3A_74 = arith.constant dense<0.000000e+00> : vector<256xf32>
    %reduce_sum3A_75 = vector.multi_reduction <add>, %select_n3A_73, %reduce_sum3A_74 [0] : vector<1256x256xf32> to vector<256xf32>
    %broadcast_in_dim3A_76 = vector.shape_cast %reduce_sum3A_75 : vector<256xf32> to vector<1x256xf32>
    %add3A_77 = arith.addf %broadcast_in_dim3A_45, %broadcast_in_dim3A_76 : vector<1x256xf32>
    %mul3A_78 = arith.mulf %select_n3A_73, %select_n3A_73 : vector<1256x256xf32>
    %reduce_sum3A_79 = arith.constant dense<0.000000e+00> : vector<256xf32>
    %reduce_sum3A_80 = vector.multi_reduction <add>, %mul3A_78, %reduce_sum3A_79 [0] : vector<1256x256xf32> to vector<256xf32>
    %broadcast_in_dim3A_81 = vector.shape_cast %reduce_sum3A_80 : vector<256xf32> to vector<1x256xf32>
    %add3A_82 = arith.addf %broadcast_in_dim3A_47, %broadcast_in_dim3A_81 : vector<1x256xf32>
    %get3A_83 = arith.constant 1 : index
    %get3A_84 = arith.constant 0 : index
    %get3A_85 = arith.constant 0 : index
    %get3A_86 = vector.load %arg1[%get3A_83, %get3A_84, %get3A_85] : memref<10x1256x40xf32, #tpu.memory_space<vmem>>, vector<1x1256x40xf32>
    %get3A_87 = vector.shape_cast %get3A_86 : vector<1x1256x40xf32> to vector<1256x40xf32>
    %get3A_88 = arith.constant 0 : index
    %get3A_89 = arith.constant 0 : index
    %get3A_90 = vector.load %arg4[%get3A_88, %get3A_89] : memref<40x256xf32, #tpu.memory_space<vmem>>, vector<40x256xf32>
    %dot_general3A_91 = arith.constant dense<0.000000e+00> : vector<1256x256xf32>
    %dot_general3A_92 = tpu.matmul %get3A_87, %get3A_90, %dot_general3A_91 {dimension_numbers = #tpu.dot_dimension_numbers<[1], [0], [0], [1], [0, 0, 1, 1], [], []>, precision = #tpu.contract_precision<fp32>, transpose_lhs_hint = false} : vector<1256x40xf32>, vector<40x256xf32>, vector<1256x256xf32> -> vector<1256x256xf32>
    %add3A_93 = arith.addf %dot_general3A_92, %add3A_11 : vector<1256x256xf32>
    %max3A_94 = arith.constant 0.000000e+00 : f32
    %max3A_95 = vector.broadcast %max3A_94 : f32 to vector<1256x256xf32>
    %max3A_96 = arith.maximumf %add3A_93, %max3A_95 : vector<1256x256xf32>
    %reduce_sum3A_97 = arith.constant dense<0.000000e+00> : vector<256xf32>
    %reduce_sum3A_98 = vector.multi_reduction <add>, %max3A_96, %reduce_sum3A_97 [0] : vector<1256x256xf32> to vector<256xf32>
    %broadcast_in_dim3A_99 = vector.shape_cast %reduce_sum3A_98 : vector<256xf32> to vector<1x256xf32>
    %add3A_100 = arith.addf %add3A_63, %broadcast_in_dim3A_99 : vector<1x256xf32>
    %mul3A_101 = arith.mulf %max3A_96, %max3A_96 : vector<1256x256xf32>
    %reduce_sum3A_102 = arith.constant dense<0.000000e+00> : vector<256xf32>
    %reduce_sum3A_103 = vector.multi_reduction <add>, %mul3A_101, %reduce_sum3A_102 [0] : vector<1256x256xf32> to vector<256xf32>
    %broadcast_in_dim3A_104 = vector.shape_cast %reduce_sum3A_103 : vector<256xf32> to vector<1x256xf32>
    %add3A_105 = arith.addf %add3A_67, %broadcast_in_dim3A_104 : vector<1x256xf32>
    %get3A_106 = arith.constant 2 : index
    %get3A_107 = arith.constant 0 : index
    %get3A_108 = arith.constant 0 : index
    %get3A_109 = vector.load %arg1[%get3A_106, %get3A_107, %get3A_108] : memref<10x1256x40xf32, #tpu.memory_space<vmem>>, vector<1x1256x40xf32>
    %get3A_110 = vector.shape_cast %get3A_109 : vector<1x1256x40xf32> to vector<1256x40xf32>
    %get3A_111 = arith.constant 0 : index
    %get3A_112 = arith.constant 0 : index
    %get3A_113 = vector.load %arg4[%get3A_111, %get3A_112] : memref<40x256xf32, #tpu.memory_space<vmem>>, vector<40x256xf32>
    %dot_general3A_114 = arith.constant dense<0.000000e+00> : vector<1256x256xf32>
    %dot_general3A_115 = tpu.matmul %get3A_110, %get3A_113, %dot_general3A_114 {dimension_numbers = #tpu.dot_dimension_numbers<[1], [0], [0], [1], [0, 0, 1, 1], [], []>, precision = #tpu.contract_precision<fp32>, transpose_lhs_hint = false} : vector<1256x40xf32>, vector<40x256xf32>, vector<1256x256xf32> -> vector<1256x256xf32>
    %add3A_116 = arith.addf %dot_general3A_115, %add3A_11 : vector<1256x256xf32>
    %max3A_117 = arith.constant 0.000000e+00 : f32
    %max3A_118 = vector.broadcast %max3A_117 : f32 to vector<1256x256xf32>
    %max3A_119 = arith.maximumf %add3A_116, %max3A_118 : vector<1256x256xf32>
    %reduce_sum3A_120 = arith.constant dense<0.000000e+00> : vector<256xf32>
    %reduce_sum3A_121 = vector.multi_reduction <add>, %max3A_119, %reduce_sum3A_120 [0] : vector<1256x256xf32> to vector<256xf32>
    %broadcast_in_dim3A_122 = vector.shape_cast %reduce_sum3A_121 : vector<256xf32> to vector<1x256xf32>
    %add3A_123 = arith.addf %add3A_100, %broadcast_in_dim3A_122 : vector<1x256xf32>
    %mul3A_124 = arith.mulf %max3A_119, %max3A_119 : vector<1256x256xf32>
    %reduce_sum3A_125 = arith.constant dense<0.000000e+00> : vector<256xf32>
    %reduce_sum3A_126 = vector.multi_reduction <add>, %mul3A_124, %reduce_sum3A_125 [0] : vector<1256x256xf32> to vector<256xf32>
    %broadcast_in_dim3A_127 = vector.shape_cast %reduce_sum3A_126 : vector<256xf32> to vector<1x256xf32>
    %add3A_128 = arith.addf %add3A_105, %broadcast_in_dim3A_127 : vector<1x256xf32>
    %not3A = arith.constant dense<true> : vector<1256x1xi1>
    %not3A_129 = arith.xori %eq3A_30, %not3A : vector<1256x1xi1>
    %and3A_130 = vector.broadcast %or3A : vector<1x256xi1> to vector<1256x256xi1>
    %and3A_131 = vector.broadcast %not3A_129 : vector<1256x1xi1> to vector<1256x256xi1>
    %and3A_132 = arith.andi %and3A_130, %and3A_131 : vector<1256x256xi1>
    %jit3A_133 = arith.constant 0.000000e+00 : f32
    %broadcast_in_dim3A_134 = vector.broadcast %jit3A_133 : f32 to vector<1256x256xf32>
    %select_n3A_135 = arith.select %and3A_132, %max3A_119, %broadcast_in_dim3A_134 : vector<1256x256xi1>, vector<1256x256xf32>
    %reduce_sum3A_136 = arith.constant dense<0.000000e+00> : vector<256xf32>
    %reduce_sum3A_137 = vector.multi_reduction <add>, %select_n3A_135, %reduce_sum3A_136 [0] : vector<1256x256xf32> to vector<256xf32>
    %broadcast_in_dim3A_138 = vector.shape_cast %reduce_sum3A_137 : vector<256xf32> to vector<1x256xf32>
    %add3A_139 = arith.addf %add3A_77, %broadcast_in_dim3A_138 : vector<1x256xf32>
    %mul3A_140 = arith.mulf %select_n3A_135, %select_n3A_135 : vector<1256x256xf32>
    %reduce_sum3A_141 = arith.constant dense<0.000000e+00> : vector<256xf32>
    %reduce_sum3A_142 = vector.multi_reduction <add>, %mul3A_140, %reduce_sum3A_141 [0] : vector<1256x256xf32> to vector<256xf32>
    %broadcast_in_dim3A_143 = vector.shape_cast %reduce_sum3A_142 : vector<256xf32> to vector<1x256xf32>
    %add3A_144 = arith.addf %add3A_82, %broadcast_in_dim3A_143 : vector<1x256xf32>
    %get3A_145 = arith.constant 3 : index
    %get3A_146 = arith.constant 0 : index
    %get3A_147 = arith.constant 0 : index
    %get3A_148 = vector.load %arg1[%get3A_145, %get3A_146, %get3A_147] : memref<10x1256x40xf32, #tpu.memory_space<vmem>>, vector<1x1256x40xf32>
    %get3A_149 = vector.shape_cast %get3A_148 : vector<1x1256x40xf32> to vector<1256x40xf32>
    %get3A_150 = arith.constant 0 : index
    %get3A_151 = arith.constant 0 : index
    %get3A_152 = vector.load %arg4[%get3A_150, %get3A_151] : memref<40x256xf32, #tpu.memory_space<vmem>>, vector<40x256xf32>
    %dot_general3A_153 = arith.constant dense<0.000000e+00> : vector<1256x256xf32>
    %dot_general3A_154 = tpu.matmul %get3A_149, %get3A_152, %dot_general3A_153 {dimension_numbers = #tpu.dot_dimension_numbers<[1], [0], [0], [1], [0, 0, 1, 1], [], []>, precision = #tpu.contract_precision<fp32>, transpose_lhs_hint = false} : vector<1256x40xf32>, vector<40x256xf32>, vector<1256x256xf32> -> vector<1256x256xf32>
    %add3A_155 = arith.addf %dot_general3A_154, %add3A_11 : vector<1256x256xf32>
    %max3A_156 = arith.constant 0.000000e+00 : f32
    %max3A_157 = vector.broadcast %max3A_156 : f32 to vector<1256x256xf32>
    %max3A_158 = arith.maximumf %add3A_155, %max3A_157 : vector<1256x256xf32>
    %reduce_sum3A_159 = arith.constant dense<0.000000e+00> : vector<256xf32>
    %reduce_sum3A_160 = vector.multi_reduction <add>, %max3A_158, %reduce_sum3A_159 [0] : vector<1256x256xf32> to vector<256xf32>
    %broadcast_in_dim3A_161 = vector.shape_cast %reduce_sum3A_160 : vector<256xf32> to vector<1x256xf32>
    %add3A_162 = arith.addf %add3A_123, %broadcast_in_dim3A_161 : vector<1x256xf32>
    %mul3A_163 = arith.mulf %max3A_158, %max3A_158 : vector<1256x256xf32>
    %reduce_sum3A_164 = arith.constant dense<0.000000e+00> : vector<256xf32>
    %reduce_sum3A_165 = vector.multi_reduction <add>, %mul3A_163, %reduce_sum3A_164 [0] : vector<1256x256xf32> to vector<256xf32>
    %broadcast_in_dim3A_166 = vector.shape_cast %reduce_sum3A_165 : vector<256xf32> to vector<1x256xf32>
    %add3A_167 = arith.addf %add3A_128, %broadcast_in_dim3A_166 : vector<1x256xf32>
    %get3A_168 = arith.constant 4 : index
    %get3A_169 = arith.constant 0 : index
    %get3A_170 = arith.constant 0 : index
    %get3A_171 = vector.load %arg1[%get3A_168, %get3A_169, %get3A_170] : memref<10x1256x40xf32, #tpu.memory_space<vmem>>, vector<1x1256x40xf32>
    %get3A_172 = vector.shape_cast %get3A_171 : vector<1x1256x40xf32> to vector<1256x40xf32>
    %get3A_173 = arith.constant 0 : index
    %get3A_174 = arith.constant 0 : index
    %get3A_175 = vector.load %arg4[%get3A_173, %get3A_174] : memref<40x256xf32, #tpu.memory_space<vmem>>, vector<40x256xf32>
    %dot_general3A_176 = arith.constant dense<0.000000e+00> : vector<1256x256xf32>
    %dot_general3A_177 = tpu.matmul %get3A_172, %get3A_175, %dot_general3A_176 {dimension_numbers = #tpu.dot_dimension_numbers<[1], [0], [0], [1], [0, 0, 1, 1], [], []>, precision = #tpu.contract_precision<fp32>, transpose_lhs_hint = false} : vector<1256x40xf32>, vector<40x256xf32>, vector<1256x256xf32> -> vector<1256x256xf32>
    %add3A_178 = arith.addf %dot_general3A_177, %add3A_11 : vector<1256x256xf32>
    %max3A_179 = arith.constant 0.000000e+00 : f32
    %max3A_180 = vector.broadcast %max3A_179 : f32 to vector<1256x256xf32>
    %max3A_181 = arith.maximumf %add3A_178, %max3A_180 : vector<1256x256xf32>
    %reduce_sum3A_182 = arith.constant dense<0.000000e+00> : vector<256xf32>
    %reduce_sum3A_183 = vector.multi_reduction <add>, %max3A_181, %reduce_sum3A_182 [0] : vector<1256x256xf32> to vector<256xf32>
    %broadcast_in_dim3A_184 = vector.shape_cast %reduce_sum3A_183 : vector<256xf32> to vector<1x256xf32>
    %add3A_185 = arith.addf %add3A_162, %broadcast_in_dim3A_184 : vector<1x256xf32>
    %mul3A_186 = arith.mulf %max3A_181, %max3A_181 : vector<1256x256xf32>
    %reduce_sum3A_187 = arith.constant dense<0.000000e+00> : vector<256xf32>
    %reduce_sum3A_188 = vector.multi_reduction <add>, %mul3A_186, %reduce_sum3A_187 [0] : vector<1256x256xf32> to vector<256xf32>
    %broadcast_in_dim3A_189 = vector.shape_cast %reduce_sum3A_188 : vector<256xf32> to vector<1x256xf32>
    %add3A_190 = arith.addf %add3A_167, %broadcast_in_dim3A_189 : vector<1x256xf32>
    %and3A_191 = vector.broadcast %or3A : vector<1x256xi1> to vector<1256x256xi1>
    %and3A_192 = vector.broadcast %eq3A_30 : vector<1256x1xi1> to vector<1256x256xi1>
    %and3A_193 = arith.andi %and3A_191, %and3A_192 : vector<1256x256xi1>
    %jit3A_194 = arith.constant 0.000000e+00 : f32
    %broadcast_in_dim3A_195 = vector.broadcast %jit3A_194 : f32 to vector<1256x256xf32>
    %select_n3A_196 = arith.select %and3A_193, %max3A_181, %broadcast_in_dim3A_195 : vector<1256x256xi1>, vector<1256x256xf32>
    %reduce_sum3A_197 = arith.constant dense<0.000000e+00> : vector<256xf32>
    %reduce_sum3A_198 = vector.multi_reduction <add>, %select_n3A_196, %reduce_sum3A_197 [0] : vector<1256x256xf32> to vector<256xf32>
    %broadcast_in_dim3A_199 = vector.shape_cast %reduce_sum3A_198 : vector<256xf32> to vector<1x256xf32>
    %add3A_200 = arith.addf %add3A_139, %broadcast_in_dim3A_199 : vector<1x256xf32>
    %mul3A_201 = arith.mulf %select_n3A_196, %select_n3A_196 : vector<1256x256xf32>
    %reduce_sum3A_202 = arith.constant dense<0.000000e+00> : vector<256xf32>
    %reduce_sum3A_203 = vector.multi_reduction <add>, %mul3A_201, %reduce_sum3A_202 [0] : vector<1256x256xf32> to vector<256xf32>
    %broadcast_in_dim3A_204 = vector.shape_cast %reduce_sum3A_203 : vector<256xf32> to vector<1x256xf32>
    %add3A_205 = arith.addf %add3A_144, %broadcast_in_dim3A_204 : vector<1x256xf32>
    %get3A_206 = arith.constant 5 : index
    %get3A_207 = arith.constant 0 : index
    %get3A_208 = arith.constant 0 : index
    %get3A_209 = vector.load %arg1[%get3A_206, %get3A_207, %get3A_208] : memref<10x1256x40xf32, #tpu.memory_space<vmem>>, vector<1x1256x40xf32>
    %get3A_210 = vector.shape_cast %get3A_209 : vector<1x1256x40xf32> to vector<1256x40xf32>
    %get3A_211 = arith.constant 0 : index
    %get3A_212 = arith.constant 0 : index
    %get3A_213 = vector.load %arg4[%get3A_211, %get3A_212] : memref<40x256xf32, #tpu.memory_space<vmem>>, vector<40x256xf32>
    %dot_general3A_214 = arith.constant dense<0.000000e+00> : vector<1256x256xf32>
    %dot_general3A_215 = tpu.matmul %get3A_210, %get3A_213, %dot_general3A_214 {dimension_numbers = #tpu.dot_dimension_numbers<[1], [0], [0], [1], [0, 0, 1, 1], [], []>, precision = #tpu.contract_precision<fp32>, transpose_lhs_hint = false} : vector<1256x40xf32>, vector<40x256xf32>, vector<1256x256xf32> -> vector<1256x256xf32>
    %add3A_216 = arith.addf %dot_general3A_215, %add3A_11 : vector<1256x256xf32>
    %max3A_217 = arith.constant 0.000000e+00 : f32
    %max3A_218 = vector.broadcast %max3A_217 : f32 to vector<1256x256xf32>
    %max3A_219 = arith.maximumf %add3A_216, %max3A_218 : vector<1256x256xf32>
    %reduce_sum3A_220 = arith.constant dense<0.000000e+00> : vector<256xf32>
    %reduce_sum3A_221 = vector.multi_reduction <add>, %max3A_219, %reduce_sum3A_220 [0] : vector<1256x256xf32> to vector<256xf32>
    %broadcast_in_dim3A_222 = vector.shape_cast %reduce_sum3A_221 : vector<256xf32> to vector<1x256xf32>
    %add3A_223 = arith.addf %add3A_185, %broadcast_in_dim3A_222 : vector<1x256xf32>
    %mul3A_224 = arith.mulf %max3A_219, %max3A_219 : vector<1256x256xf32>
    %reduce_sum3A_225 = arith.constant dense<0.000000e+00> : vector<256xf32>
    %reduce_sum3A_226 = vector.multi_reduction <add>, %mul3A_224, %reduce_sum3A_225 [0] : vector<1256x256xf32> to vector<256xf32>
    %broadcast_in_dim3A_227 = vector.shape_cast %reduce_sum3A_226 : vector<256xf32> to vector<1x256xf32>
    %add3A_228 = arith.addf %add3A_190, %broadcast_in_dim3A_227 : vector<1x256xf32>
    %get3A_229 = arith.constant 6 : index
    %get3A_230 = arith.constant 0 : index
    %get3A_231 = arith.constant 0 : index
    %get3A_232 = vector.load %arg1[%get3A_229, %get3A_230, %get3A_231] : memref<10x1256x40xf32, #tpu.memory_space<vmem>>, vector<1x1256x40xf32>
    %get3A_233 = vector.shape_cast %get3A_232 : vector<1x1256x40xf32> to vector<1256x40xf32>
    %get3A_234 = arith.constant 0 : index
    %get3A_235 = arith.constant 0 : index
    %get3A_236 = vector.load %arg4[%get3A_234, %get3A_235] : memref<40x256xf32, #tpu.memory_space<vmem>>, vector<40x256xf32>
    %dot_general3A_237 = arith.constant dense<0.000000e+00> : vector<1256x256xf32>
    %dot_general3A_238 = tpu.matmul %get3A_233, %get3A_236, %dot_general3A_237 {dimension_numbers = #tpu.dot_dimension_numbers<[1], [0], [0], [1], [0, 0, 1, 1], [], []>, precision = #tpu.contract_precision<fp32>, transpose_lhs_hint = false} : vector<1256x40xf32>, vector<40x256xf32>, vector<1256x256xf32> -> vector<1256x256xf32>
    %add3A_239 = arith.addf %dot_general3A_238, %add3A_11 : vector<1256x256xf32>
    %max3A_240 = arith.constant 0.000000e+00 : f32
    %max3A_241 = vector.broadcast %max3A_240 : f32 to vector<1256x256xf32>
    %max3A_242 = arith.maximumf %add3A_239, %max3A_241 : vector<1256x256xf32>
    %reduce_sum3A_243 = arith.constant dense<0.000000e+00> : vector<256xf32>
    %reduce_sum3A_244 = vector.multi_reduction <add>, %max3A_242, %reduce_sum3A_243 [0] : vector<1256x256xf32> to vector<256xf32>
    %broadcast_in_dim3A_245 = vector.shape_cast %reduce_sum3A_244 : vector<256xf32> to vector<1x256xf32>
    %add3A_246 = arith.addf %add3A_223, %broadcast_in_dim3A_245 : vector<1x256xf32>
    %mul3A_247 = arith.mulf %max3A_242, %max3A_242 : vector<1256x256xf32>
    %reduce_sum3A_248 = arith.constant dense<0.000000e+00> : vector<256xf32>
    %reduce_sum3A_249 = vector.multi_reduction <add>, %mul3A_247, %reduce_sum3A_248 [0] : vector<1256x256xf32> to vector<256xf32>
    %broadcast_in_dim3A_250 = vector.shape_cast %reduce_sum3A_249 : vector<256xf32> to vector<1x256xf32>
    %add3A_251 = arith.addf %add3A_228, %broadcast_in_dim3A_250 : vector<1x256xf32>
    %not3A_252 = arith.constant dense<true> : vector<1256x1xi1>
    %not3A_253 = arith.xori %eq3A_30, %not3A_252 : vector<1256x1xi1>
    %and3A_254 = vector.broadcast %or3A : vector<1x256xi1> to vector<1256x256xi1>
    %and3A_255 = vector.broadcast %not3A_253 : vector<1256x1xi1> to vector<1256x256xi1>
    %and3A_256 = arith.andi %and3A_254, %and3A_255 : vector<1256x256xi1>
    %jit3A_257 = arith.constant 0.000000e+00 : f32
    %broadcast_in_dim3A_258 = vector.broadcast %jit3A_257 : f32 to vector<1256x256xf32>
    %select_n3A_259 = arith.select %and3A_256, %max3A_242, %broadcast_in_dim3A_258 : vector<1256x256xi1>, vector<1256x256xf32>
    %reduce_sum3A_260 = arith.constant dense<0.000000e+00> : vector<256xf32>
    %reduce_sum3A_261 = vector.multi_reduction <add>, %select_n3A_259, %reduce_sum3A_260 [0] : vector<1256x256xf32> to vector<256xf32>
    %broadcast_in_dim3A_262 = vector.shape_cast %reduce_sum3A_261 : vector<256xf32> to vector<1x256xf32>
    %add3A_263 = arith.addf %add3A_200, %broadcast_in_dim3A_262 : vector<1x256xf32>
    %mul3A_264 = arith.mulf %select_n3A_259, %select_n3A_259 : vector<1256x256xf32>
    %reduce_sum3A_265 = arith.constant dense<0.000000e+00> : vector<256xf32>
    %reduce_sum3A_266 = vector.multi_reduction <add>, %mul3A_264, %reduce_sum3A_265 [0] : vector<1256x256xf32> to vector<256xf32>
    %broadcast_in_dim3A_267 = vector.shape_cast %reduce_sum3A_266 : vector<256xf32> to vector<1x256xf32>
    %add3A_268 = arith.addf %add3A_205, %broadcast_in_dim3A_267 : vector<1x256xf32>
    %get3A_269 = arith.constant 7 : index
    %get3A_270 = arith.constant 0 : index
    %get3A_271 = arith.constant 0 : index
    %get3A_272 = vector.load %arg1[%get3A_269, %get3A_270, %get3A_271] : memref<10x1256x40xf32, #tpu.memory_space<vmem>>, vector<1x1256x40xf32>
    %get3A_273 = vector.shape_cast %get3A_272 : vector<1x1256x40xf32> to vector<1256x40xf32>
    %get3A_274 = arith.constant 0 : index
    %get3A_275 = arith.constant 0 : index
    %get3A_276 = vector.load %arg4[%get3A_274, %get3A_275] : memref<40x256xf32, #tpu.memory_space<vmem>>, vector<40x256xf32>
    %dot_general3A_277 = arith.constant dense<0.000000e+00> : vector<1256x256xf32>
    %dot_general3A_278 = tpu.matmul %get3A_273, %get3A_276, %dot_general3A_277 {dimension_numbers = #tpu.dot_dimension_numbers<[1], [0], [0], [1], [0, 0, 1, 1], [], []>, precision = #tpu.contract_precision<fp32>, transpose_lhs_hint = false} : vector<1256x40xf32>, vector<40x256xf32>, vector<1256x256xf32> -> vector<1256x256xf32>
    %add3A_279 = arith.addf %dot_general3A_278, %add3A_11 : vector<1256x256xf32>
    %max3A_280 = arith.constant 0.000000e+00 : f32
    %max3A_281 = vector.broadcast %max3A_280 : f32 to vector<1256x256xf32>
    %max3A_282 = arith.maximumf %add3A_279, %max3A_281 : vector<1256x256xf32>
    %reduce_sum3A_283 = arith.constant dense<0.000000e+00> : vector<256xf32>
    %reduce_sum3A_284 = vector.multi_reduction <add>, %max3A_282, %reduce_sum3A_283 [0] : vector<1256x256xf32> to vector<256xf32>
    %broadcast_in_dim3A_285 = vector.shape_cast %reduce_sum3A_284 : vector<256xf32> to vector<1x256xf32>
    %add3A_286 = arith.addf %add3A_246, %broadcast_in_dim3A_285 : vector<1x256xf32>
    %mul3A_287 = arith.mulf %max3A_282, %max3A_282 : vector<1256x256xf32>
    %reduce_sum3A_288 = arith.constant dense<0.000000e+00> : vector<256xf32>
    %reduce_sum3A_289 = vector.multi_reduction <add>, %mul3A_287, %reduce_sum3A_288 [0] : vector<1256x256xf32> to vector<256xf32>
    %broadcast_in_dim3A_290 = vector.shape_cast %reduce_sum3A_289 : vector<256xf32> to vector<1x256xf32>
    %add3A_291 = arith.addf %add3A_251, %broadcast_in_dim3A_290 : vector<1x256xf32>
    %get3A_292 = arith.constant 8 : index
    %get3A_293 = arith.constant 0 : index
    %get3A_294 = arith.constant 0 : index
    %get3A_295 = vector.load %arg1[%get3A_292, %get3A_293, %get3A_294] : memref<10x1256x40xf32, #tpu.memory_space<vmem>>, vector<1x1256x40xf32>
    %get3A_296 = vector.shape_cast %get3A_295 : vector<1x1256x40xf32> to vector<1256x40xf32>
    %get3A_297 = arith.constant 0 : index
    %get3A_298 = arith.constant 0 : index
    %get3A_299 = vector.load %arg4[%get3A_297, %get3A_298] : memref<40x256xf32, #tpu.memory_space<vmem>>, vector<40x256xf32>
    %dot_general3A_300 = arith.constant dense<0.000000e+00> : vector<1256x256xf32>
    %dot_general3A_301 = tpu.matmul %get3A_296, %get3A_299, %dot_general3A_300 {dimension_numbers = #tpu.dot_dimension_numbers<[1], [0], [0], [1], [0, 0, 1, 1], [], []>, precision = #tpu.contract_precision<fp32>, transpose_lhs_hint = false} : vector<1256x40xf32>, vector<40x256xf32>, vector<1256x256xf32> -> vector<1256x256xf32>
    %add3A_302 = arith.addf %dot_general3A_301, %add3A_11 : vector<1256x256xf32>
    %max3A_303 = arith.constant 0.000000e+00 : f32
    %max3A_304 = vector.broadcast %max3A_303 : f32 to vector<1256x256xf32>
    %max3A_305 = arith.maximumf %add3A_302, %max3A_304 : vector<1256x256xf32>
    %reduce_sum3A_306 = arith.constant dense<0.000000e+00> : vector<256xf32>
    %reduce_sum3A_307 = vector.multi_reduction <add>, %max3A_305, %reduce_sum3A_306 [0] : vector<1256x256xf32> to vector<256xf32>
    %broadcast_in_dim3A_308 = vector.shape_cast %reduce_sum3A_307 : vector<256xf32> to vector<1x256xf32>
    %add3A_309 = arith.addf %add3A_286, %broadcast_in_dim3A_308 : vector<1x256xf32>
    %mul3A_310 = arith.mulf %max3A_305, %max3A_305 : vector<1256x256xf32>
    %reduce_sum3A_311 = arith.constant dense<0.000000e+00> : vector<256xf32>
    %reduce_sum3A_312 = vector.multi_reduction <add>, %mul3A_310, %reduce_sum3A_311 [0] : vector<1256x256xf32> to vector<256xf32>
    %broadcast_in_dim3A_313 = vector.shape_cast %reduce_sum3A_312 : vector<256xf32> to vector<1x256xf32>
    %add3A_314 = arith.addf %add3A_291, %broadcast_in_dim3A_313 : vector<1x256xf32>
    %and3A_315 = vector.broadcast %or3A : vector<1x256xi1> to vector<1256x256xi1>
    %and3A_316 = vector.broadcast %eq3A_30 : vector<1256x1xi1> to vector<1256x256xi1>
    %and3A_317 = arith.andi %and3A_315, %and3A_316 : vector<1256x256xi1>
    %jit3A_318 = arith.constant 0.000000e+00 : f32
    %broadcast_in_dim3A_319 = vector.broadcast %jit3A_318 : f32 to vector<1256x256xf32>
    %select_n3A_320 = arith.select %and3A_317, %max3A_305, %broadcast_in_dim3A_319 : vector<1256x256xi1>, vector<1256x256xf32>
    %reduce_sum3A_321 = arith.constant dense<0.000000e+00> : vector<256xf32>
    %reduce_sum3A_322 = vector.multi_reduction <add>, %select_n3A_320, %reduce_sum3A_321 [0] : vector<1256x256xf32> to vector<256xf32>
    %broadcast_in_dim3A_323 = vector.shape_cast %reduce_sum3A_322 : vector<256xf32> to vector<1x256xf32>
    %add3A_324 = arith.addf %add3A_263, %broadcast_in_dim3A_323 : vector<1x256xf32>
    %mul3A_325 = arith.mulf %select_n3A_320, %select_n3A_320 : vector<1256x256xf32>
    %reduce_sum3A_326 = arith.constant dense<0.000000e+00> : vector<256xf32>
    %reduce_sum3A_327 = vector.multi_reduction <add>, %mul3A_325, %reduce_sum3A_326 [0] : vector<1256x256xf32> to vector<256xf32>
    %broadcast_in_dim3A_328 = vector.shape_cast %reduce_sum3A_327 : vector<256xf32> to vector<1x256xf32>
    %add3A_329 = arith.addf %add3A_268, %broadcast_in_dim3A_328 : vector<1x256xf32>
    %get3A_330 = arith.constant 9 : index
    %get3A_331 = arith.constant 0 : index
    %get3A_332 = arith.constant 0 : index
    %get3A_333 = vector.load %arg1[%get3A_330, %get3A_331, %get3A_332] : memref<10x1256x40xf32, #tpu.memory_space<vmem>>, vector<1x1256x40xf32>
    %get3A_334 = vector.shape_cast %get3A_333 : vector<1x1256x40xf32> to vector<1256x40xf32>
    %get3A_335 = arith.constant 0 : index
    %get3A_336 = arith.constant 0 : index
    %get3A_337 = vector.load %arg4[%get3A_335, %get3A_336] : memref<40x256xf32, #tpu.memory_space<vmem>>, vector<40x256xf32>
    %dot_general3A_338 = arith.constant dense<0.000000e+00> : vector<1256x256xf32>
    %dot_general3A_339 = tpu.matmul %get3A_334, %get3A_337, %dot_general3A_338 {dimension_numbers = #tpu.dot_dimension_numbers<[1], [0], [0], [1], [0, 0, 1, 1], [], []>, precision = #tpu.contract_precision<fp32>, transpose_lhs_hint = false} : vector<1256x40xf32>, vector<40x256xf32>, vector<1256x256xf32> -> vector<1256x256xf32>
    %add3A_340 = arith.addf %dot_general3A_339, %add3A_11 : vector<1256x256xf32>
    %max3A_341 = arith.constant 0.000000e+00 : f32
    %max3A_342 = vector.broadcast %max3A_341 : f32 to vector<1256x256xf32>
    %max3A_343 = arith.maximumf %add3A_340, %max3A_342 : vector<1256x256xf32>
    %reduce_sum3A_344 = arith.constant dense<0.000000e+00> : vector<256xf32>
    %reduce_sum3A_345 = vector.multi_reduction <add>, %max3A_343, %reduce_sum3A_344 [0] : vector<1256x256xf32> to vector<256xf32>
    %broadcast_in_dim3A_346 = vector.shape_cast %reduce_sum3A_345 : vector<256xf32> to vector<1x256xf32>
    %add3A_347 = arith.addf %add3A_309, %broadcast_in_dim3A_346 : vector<1x256xf32>
    %mul3A_348 = arith.mulf %max3A_343, %max3A_343 : vector<1256x256xf32>
    %reduce_sum3A_349 = arith.constant dense<0.000000e+00> : vector<256xf32>
    %reduce_sum3A_350 = vector.multi_reduction <add>, %mul3A_348, %reduce_sum3A_349 [0] : vector<1256x256xf32> to vector<256xf32>
    %broadcast_in_dim3A_351 = vector.shape_cast %reduce_sum3A_350 : vector<256xf32> to vector<1x256xf32>
    %add3A_352 = arith.addf %add3A_314, %broadcast_in_dim3A_351 : vector<1x256xf32>
    %get3A_353 = arith.constant 0 : index
    %get3A_354 = arith.constant 0 : index
    %get3A_355 = vector.load %arg6[%get3A_353, %get3A_354] : memref<2x256xf32, #tpu.memory_space<vmem>>, vector<1x256xf32>
    %add3A_356 = arith.addf %get3A_355, %add3A_347 : vector<1x256xf32>
    %swap3A = arith.constant 0 : index
    %swap3A_357 = arith.constant 0 : index
    %swap3A_358 = vector.load %arg6[%swap3A, %swap3A_357] : memref<2x256xf32, #tpu.memory_space<vmem>>, vector<1x256xf32>
    tpu.vector_store %arg6[%swap3A, %swap3A_357], %add3A_356 {strides = array<i32>} : memref<2x256xf32, #tpu.memory_space<vmem>>, vector<1x256xf32>,
    %get3A_359 = arith.constant 1 : index
    %get3A_360 = arith.constant 0 : index
    %get3A_361 = vector.load %arg6[%get3A_359, %get3A_360] : memref<2x256xf32, #tpu.memory_space<vmem>>, vector<1x256xf32>
    %add3A_362 = arith.addf %get3A_361, %add3A_352 : vector<1x256xf32>
    %swap3A_363 = arith.constant 1 : index
    %swap3A_364 = arith.constant 0 : index
    %swap3A_365 = vector.load %arg6[%swap3A_363, %swap3A_364] : memref<2x256xf32, #tpu.memory_space<vmem>>, vector<1x256xf32>
    tpu.vector_store %arg6[%swap3A_363, %swap3A_364], %add3A_362 {strides = array<i32>} : memref<2x256xf32, #tpu.memory_space<vmem>>, vector<1x256xf32>,
    %get3A_366 = arith.constant 0 : index
    %get3A_367 = arith.constant 0 : index
    %get3A_368 = vector.load %arg7[%get3A_366, %get3A_367] : memref<2x256xf32, #tpu.memory_space<vmem>>, vector<1x256xf32>
    %add3A_369 = arith.addf %get3A_368, %add3A_324 : vector<1x256xf32>
    %swap3A_370 = arith.constant 0 : index
    %swap3A_371 = arith.constant 0 : index
    %swap3A_372 = vector.load %arg7[%swap3A_370, %swap3A_371] : memref<2x256xf32, #tpu.memory_space<vmem>>, vector<1x256xf32>
    tpu.vector_store %arg7[%swap3A_370, %swap3A_371], %add3A_369 {strides = array<i32>} : memref<2x256xf32, #tpu.memory_space<vmem>>, vector<1x256xf32>,
    %get3A_373 = arith.constant 1 : index
    %get3A_374 = arith.constant 0 : index
    %get3A_375 = vector.load %arg7[%get3A_373, %get3A_374] : memref<2x256xf32, #tpu.memory_space<vmem>>, vector<1x256xf32>
    %add3A_376 = arith.addf %get3A_375, %add3A_329 : vector<1x256xf32>
    %swap3A_377 = arith.constant 1 : index
    %swap3A_378 = arith.constant 0 : index
    %swap3A_379 = vector.load %arg7[%swap3A_377, %swap3A_378] : memref<2x256xf32, #tpu.memory_space<vmem>>, vector<1x256xf32>
    tpu.vector_store %arg7[%swap3A_377, %swap3A_378], %add3A_376 {strides = array<i32>} : memref<2x256xf32, #tpu.memory_space<vmem>>, vector<1x256xf32>,
    return
  }
  func.func @transform_0(%arg0: i32) -> (i32, i32, i32) {
    %c0_i32 = arith.constant 0 : i32
    %c0_i32_0 = arith.constant 0 : i32
    %c0_i32_1 = arith.constant 0 : i32
    return %c0_i32, %arg0, %c0_i32_0 : i32, i32, i32
  }
  func.func @transform_1(%arg0: i32) -> (i32, i32) {
    %c0_i32 = arith.constant 0 : i32
    %c0_i32_0 = arith.constant 0 : i32
    return %arg0, %c0_i32 : i32, i32
  }
  func.func @transform_2(%arg0: i32) -> (i32, i32) {
    %c0_i32 = arith.constant 0 : i32
    %c0_i32_0 = arith.constant 0 : i32
    %c0_i32_1 = arith.constant 0 : i32
    return %c0_i32, %c0_i32_0 : i32, i32
  }
  func.func @transform_3(%arg0: i32) -> (i32, i32) {
    %c0_i32 = arith.constant 0 : i32
    %c0_i32_0 = arith.constant 0 : i32
    %c0_i32_1 = arith.constant 0 : i32
    return %c0_i32, %c0_i32_0 : i32, i32
  }
  func.func @transform_4(%arg0: i32) -> (i32, i32) {
    %c0_i32 = arith.constant 0 : i32
    %c0_i32_0 = arith.constant 0 : i32
    %c0_i32_1 = arith.constant 0 : i32
    return %c0_i32, %c0_i32_0 : i32, i32
  }
  func.func @transform_5(%arg0: i32) -> (i32, i32) {
    %c0_i32 = arith.constant 0 : i32
    %c0_i32_0 = arith.constant 0 : i32
    %c0_i32_1 = arith.constant 0 : i32
    return %c0_i32, %c0_i32_0 : i32, i32
  }
  func.func @transform_6(%arg0: i32) -> (i32, i32) {
    %c0_i32 = arith.constant 0 : i32
    %c0_i32_0 = arith.constant 0 : i32
    %c0_i32_1 = arith.constant 0 : i32
    return %c0_i32, %c0_i32_0 : i32, i32
  }
}

module attributes {stable_mosaic.version = 14 : i64} {
  func.func @_conv_p2_body(%arg0: i32, %arg1: memref<10x1256x40xf32, #tpu.memory_space<vmem>>, %arg2: memref<1256x40xf32, #tpu.memory_space<vmem>>, %arg3: memref<40x256xf32, #tpu.memory_space<vmem>>, %arg4: memref<40x256xf32, #tpu.memory_space<vmem>>, %arg5: memref<1x256xf32, #tpu.memory_space<vmem>>, %arg6: memref<256x256xf32, #tpu.memory_space<vmem>>, %arg7: memref<1x256xf32, #tpu.memory_space<vmem>>, %arg8: memref<1256x256xf32, #tpu.memory_space<vmem>>, %arg9: memref<2x256xf32, #tpu.memory_space<vmem>>, %arg10: memref<2x256xf32, #tpu.memory_space<vmem>>) attributes {dimension_semantics = [#tpu.dimension_semantics<arbitrary>], iteration_bounds = array<i64: 18>, scalar_prefetch = 0 : i64, scratch_operands = 0 : i64, tpu.core_type = #tpu.core_type<tc>, window_params = [{transform_indices = @transform_0, window_bounds = array<i64: 10, 1256, 40>}, {transform_indices = @transform_1, window_bounds = array<i64: 1256, 40>}, {pipeline_mode = #tpu.pipeline_mode<synchronous>, transform_indices = @transform_2, window_bounds = array<i64: 40, 256>}, {pipeline_mode = #tpu.pipeline_mode<synchronous>, transform_indices = @transform_3, window_bounds = array<i64: 40, 256>}, {pipeline_mode = #tpu.pipeline_mode<synchronous>, transform_indices = @transform_4, window_bounds = array<i64: 1, 256>}, {pipeline_mode = #tpu.pipeline_mode<synchronous>, transform_indices = @transform_5, window_bounds = array<i64: 256, 256>}, {pipeline_mode = #tpu.pipeline_mode<synchronous>, transform_indices = @transform_6, window_bounds = array<i64: 1, 256>}, {transform_indices = @transform_7, window_bounds = array<i64: 1256, 256>}, {pipeline_mode = #tpu.pipeline_mode<synchronous>, transform_indices = @transform_8, window_bounds = array<i64: 2, 256>}, {pipeline_mode = #tpu.pipeline_mode<synchronous>, transform_indices = @transform_9, window_bounds = array<i64: 2, 256>}]} {
    %eq3A = arith.constant 0 : i32
    %eq3A_0 = arith.cmpi eq, %arg0, %eq3A : i32
    %convert_element_type3A = arith.extui %eq3A_0 : i1 to i32
    %cond3A = arith.constant 0 : i32
    %cond3A_1 = arith.cmpi ne, %convert_element_type3A, %cond3A : i32
    scf.if %cond3A_1 {
      %broadcast_in_dim3A_582 = arith.constant 0.000000e+00 : f32
      %broadcast_in_dim3A_583 = vector.broadcast %broadcast_in_dim3A_582 : f32 to vector<2x256xf32>
      %swap3A_584 = arith.constant 0 : index
      %swap3A_585 = arith.constant 0 : index
      %swap3A_586 = vector.load %arg9[%swap3A_584, %swap3A_585] : memref<2x256xf32, #tpu.memory_space<vmem>>, vector<2x256xf32>
      tpu.vector_store %arg9[%swap3A_584, %swap3A_585], %broadcast_in_dim3A_583 {strides = array<i32>} : memref<2x256xf32, #tpu.memory_space<vmem>>, vector<2x256xf32>,
      %broadcast_in_dim3A_587 = arith.constant 0.000000e+00 : f32
      %broadcast_in_dim3A_588 = vector.broadcast %broadcast_in_dim3A_587 : f32 to vector<2x256xf32>
      %swap3A_589 = arith.constant 0 : index
      %swap3A_590 = arith.constant 0 : index
      %swap3A_591 = vector.load %arg10[%swap3A_589, %swap3A_590] : memref<2x256xf32, #tpu.memory_space<vmem>>, vector<2x256xf32>
      tpu.vector_store %arg10[%swap3A_589, %swap3A_590], %broadcast_in_dim3A_588 {strides = array<i32>} : memref<2x256xf32, #tpu.memory_space<vmem>>, vector<2x256xf32>,
    } else {
    }
    %get3A = arith.constant 0 : index
    %get3A_2 = arith.constant 0 : index
    %get3A_3 = vector.load %arg2[%get3A, %get3A_2] : memref<1256x40xf32, #tpu.memory_space<vmem>>, vector<1256x40xf32>
    %get3A_4 = arith.constant 0 : index
    %get3A_5 = arith.constant 0 : index
    %get3A_6 = vector.load %arg3[%get3A_4, %get3A_5] : memref<40x256xf32, #tpu.memory_space<vmem>>, vector<40x256xf32>
    %dot_general3A = arith.constant dense<0.000000e+00> : vector<1256x256xf32>
    %dot_general3A_7 = tpu.matmul %get3A_3, %get3A_6, %dot_general3A {dimension_numbers = #tpu.dot_dimension_numbers<[1], [0], [0], [1], [0, 0, 1, 1], [], []>, precision = #tpu.contract_precision<fp32>, transpose_lhs_hint = false} : vector<1256x40xf32>, vector<40x256xf32>, vector<1256x256xf32> -> vector<1256x256xf32>
    %get3A_8 = arith.constant 0 : index
    %get3A_9 = arith.constant 0 : index
    %get3A_10 = vector.load %arg5[%get3A_8, %get3A_9] : memref<1x256xf32, #tpu.memory_space<vmem>>, vector<1x256xf32>
    %add3A = vector.broadcast %get3A_10 : vector<1x256xf32> to vector<1256x256xf32>
    %add3A_11 = arith.addf %dot_general3A_7, %add3A : vector<1256x256xf32>
    %iota3A = tpu.iota {dimensions = array<i32: 0>} : vector<1256x1xi32>
    %jit3A = arith.constant 2 : i32
    %eq3A_12 = arith.constant 0 : i32
    %eq3A_13 = arith.cmpi eq, %jit3A, %eq3A_12 : i32
    %jit3A_14 = arith.constant 1 : i32
    %select_n3A = arith.select %eq3A_13, %jit3A_14, %jit3A : i32
    %rem3A = vector.broadcast %select_n3A : i32 to vector<1256x1xi32>
    %rem3A_15 = arith.remsi %iota3A, %rem3A : vector<1256x1xi32>
    %ne3A = arith.constant 0 : i32
    %ne3A_16 = vector.broadcast %ne3A : i32 to vector<1256x1xi32>
    %ne3A_17 = arith.cmpi ne, %rem3A_15, %ne3A_16 : vector<1256x1xi32>
    %lt3A = arith.constant 0 : i32
    %lt3A_18 = vector.broadcast %lt3A : i32 to vector<1256x1xi32>
    %lt3A_19 = arith.cmpi slt, %rem3A_15, %lt3A_18 : vector<1256x1xi32>
    %lt3A_20 = arith.constant 0 : i32
    %lt3A_21 = arith.cmpi slt, %select_n3A, %lt3A_20 : i32
    %ne3A_22 = vector.broadcast %lt3A_21 : i1 to vector<1256x1xi1>
    %ne3A_23 = vector.broadcast %ne3A_22 : vector<1256x1xi1> to vector<1256x1xi1>
    %ne3A_24 = arith.xori %lt3A_19, %ne3A_23 : vector<1256x1xi1>
    %and3A = arith.andi %ne3A_24, %ne3A_17 : vector<1256x1xi1>
    %add3A_25 = vector.broadcast %select_n3A : i32 to vector<1256x1xi32>
    %add3A_26 = arith.addi %rem3A_15, %add3A_25 : vector<1256x1xi32>
    %select_n3A_27 = arith.select %and3A, %add3A_26, %rem3A_15 : vector<1256x1xi1>, vector<1256x1xi32>
    %eq3A_28 = arith.constant 0 : i32
    %eq3A_29 = vector.broadcast %eq3A_28 : i32 to vector<1256x1xi32>
    %eq3A_30 = arith.cmpi eq, %select_n3A_27, %eq3A_29 : vector<1256x1xi32>
    %iota3A_31 = tpu.iota {dimensions = array<i32: 1>} : vector<1x256xi32>
    %ge3A = arith.constant 64 : i32
    %ge3A_32 = vector.broadcast %ge3A : i32 to vector<1x256xi32>
    %ge3A_33 = arith.cmpi sge, %iota3A_31, %ge3A_32 : vector<1x256xi32>
    %lt3A_34 = arith.constant 128 : i32
    %lt3A_35 = vector.broadcast %lt3A_34 : i32 to vector<1x256xi32>
    %lt3A_36 = arith.cmpi slt, %iota3A_31, %lt3A_35 : vector<1x256xi32>
    %and3A_37 = arith.andi %ge3A_33, %lt3A_36 : vector<1x256xi1>
    %ge3A_38 = arith.constant 192 : i32
    %ge3A_39 = vector.broadcast %ge3A_38 : i32 to vector<1x256xi32>
    %ge3A_40 = arith.cmpi sge, %iota3A_31, %ge3A_39 : vector<1x256xi32>
    %or3A = arith.ori %and3A_37, %ge3A_40 : vector<1x256xi1>
    %not3A = arith.constant dense<true> : vector<1x256xi1>
    %not3A_41 = arith.xori %or3A, %not3A : vector<1x256xi1>
    %broadcast_in_dim3A = arith.constant -1.000000e+30 : f32
    %broadcast_in_dim3A_42 = vector.broadcast %broadcast_in_dim3A : f32 to vector<1256x256xf32>
    %broadcast_in_dim3A_43 = arith.constant 0.000000e+00 : f32
    %broadcast_in_dim3A_44 = vector.broadcast %broadcast_in_dim3A_43 : f32 to vector<1x256xf32>
    %broadcast_in_dim3A_45 = arith.constant 0.000000e+00 : f32
    %broadcast_in_dim3A_46 = vector.broadcast %broadcast_in_dim3A_45 : f32 to vector<1x256xf32>
    %broadcast_in_dim3A_47 = arith.constant 0.000000e+00 : f32
    %broadcast_in_dim3A_48 = vector.broadcast %broadcast_in_dim3A_47 : f32 to vector<1x256xf32>
    %broadcast_in_dim3A_49 = arith.constant 0.000000e+00 : f32
    %broadcast_in_dim3A_50 = vector.broadcast %broadcast_in_dim3A_49 : f32 to vector<1x256xf32>
    %get3A_51 = arith.constant 0 : index
    %get3A_52 = arith.constant 0 : index
    %get3A_53 = arith.constant 0 : index
    %get3A_54 = vector.load %arg1[%get3A_51, %get3A_52, %get3A_53] : memref<10x1256x40xf32, #tpu.memory_space<vmem>>, vector<1x1256x40xf32>
    %get3A_55 = vector.shape_cast %get3A_54 : vector<1x1256x40xf32> to vector<1256x40xf32>
    %get3A_56 = arith.constant 0 : index
    %get3A_57 = arith.constant 0 : index
    %get3A_58 = vector.load %arg4[%get3A_56, %get3A_57] : memref<40x256xf32, #tpu.memory_space<vmem>>, vector<40x256xf32>
    %dot_general3A_59 = arith.constant dense<0.000000e+00> : vector<1256x256xf32>
    %dot_general3A_60 = tpu.matmul %get3A_55, %get3A_58, %dot_general3A_59 {dimension_numbers = #tpu.dot_dimension_numbers<[1], [0], [0], [1], [0, 0, 1, 1], [], []>, precision = #tpu.contract_precision<fp32>, transpose_lhs_hint = false} : vector<1256x40xf32>, vector<40x256xf32>, vector<1256x256xf32> -> vector<1256x256xf32>
    %add3A_61 = arith.addf %dot_general3A_60, %add3A_11 : vector<1256x256xf32>
    %max3A = arith.constant 0.000000e+00 : f32
    %max3A_62 = vector.broadcast %max3A : f32 to vector<1256x256xf32>
    %max3A_63 = arith.maximumf %add3A_61, %max3A_62 : vector<1256x256xf32>
    %get3A_64 = arith.constant 0 : index
    %get3A_65 = arith.constant 0 : index
    %get3A_66 = vector.load %arg6[%get3A_64, %get3A_65] : memref<256x256xf32, #tpu.memory_space<vmem>>, vector<256x256xf32>
    %dot_general3A_67 = arith.constant dense<0.000000e+00> : vector<1256x256xf32>
    %dot_general3A_68 = tpu.matmul %max3A_63, %get3A_66, %dot_general3A_67 {dimension_numbers = #tpu.dot_dimension_numbers<[1], [0], [0], [1], [0, 0, 1, 1], [], []>, precision = #tpu.contract_precision<fp32>, transpose_lhs_hint = false} : vector<1256x256xf32>, vector<256x256xf32>, vector<1256x256xf32> -> vector<1256x256xf32>
    %get3A_69 = arith.constant 0 : index
    %get3A_70 = arith.constant 0 : index
    %get3A_71 = vector.load %arg7[%get3A_69, %get3A_70] : memref<1x256xf32, #tpu.memory_space<vmem>>, vector<1x256xf32>
    %add3A_72 = vector.broadcast %get3A_71 : vector<1x256xf32> to vector<1256x256xf32>
    %add3A_73 = arith.addf %dot_general3A_68, %add3A_72 : vector<1256x256xf32>
    %max3A_74 = arith.constant 0.000000e+00 : f32
    %max3A_75 = vector.broadcast %max3A_74 : f32 to vector<1256x256xf32>
    %max3A_76 = arith.maximumf %add3A_73, %max3A_75 : vector<1256x256xf32>
    %reduce_sum3A = arith.constant dense<0.000000e+00> : vector<256xf32>
    %reduce_sum3A_77 = vector.multi_reduction <add>, %max3A_76, %reduce_sum3A [0] : vector<1256x256xf32> to vector<256xf32>
    %broadcast_in_dim3A_78 = vector.shape_cast %reduce_sum3A_77 : vector<256xf32> to vector<1x256xf32>
    %add3A_79 = arith.addf %broadcast_in_dim3A_44, %broadcast_in_dim3A_78 : vector<1x256xf32>
    %mul3A = arith.mulf %max3A_76, %max3A_76 : vector<1256x256xf32>
    %reduce_sum3A_80 = arith.constant dense<0.000000e+00> : vector<256xf32>
    %reduce_sum3A_81 = vector.multi_reduction <add>, %mul3A, %reduce_sum3A_80 [0] : vector<1256x256xf32> to vector<256xf32>
    %broadcast_in_dim3A_82 = vector.shape_cast %reduce_sum3A_81 : vector<256xf32> to vector<1x256xf32>
    %add3A_83 = arith.addf %broadcast_in_dim3A_46, %broadcast_in_dim3A_82 : vector<1x256xf32>
    %or3A_84 = vector.broadcast %not3A_41 : vector<1x256xi1> to vector<1256x256xi1>
    %or3A_85 = vector.broadcast %eq3A_30 : vector<1256x1xi1> to vector<1256x256xi1>
    %or3A_86 = arith.ori %or3A_84, %or3A_85 : vector<1256x256xi1>
    %jit3A_87 = arith.constant -1.000000e+30 : f32
    %broadcast_in_dim3A_88 = vector.broadcast %jit3A_87 : f32 to vector<1256x256xf32>
    %select_n3A_89 = arith.select %or3A_86, %max3A_76, %broadcast_in_dim3A_88 : vector<1256x256xi1>, vector<1256x256xf32>
    %max3A_90 = arith.maximumf %broadcast_in_dim3A_42, %select_n3A_89 : vector<1256x256xf32>
    %and3A_91 = vector.broadcast %or3A : vector<1x256xi1> to vector<1256x256xi1>
    %and3A_92 = vector.broadcast %eq3A_30 : vector<1256x1xi1> to vector<1256x256xi1>
    %and3A_93 = arith.andi %and3A_91, %and3A_92 : vector<1256x256xi1>
    %jit3A_94 = arith.constant 0.000000e+00 : f32
    %broadcast_in_dim3A_95 = vector.broadcast %jit3A_94 : f32 to vector<1256x256xf32>
    %select_n3A_96 = arith.select %and3A_93, %max3A_76, %broadcast_in_dim3A_95 : vector<1256x256xi1>, vector<1256x256xf32>
    %reduce_sum3A_97 = arith.constant dense<0.000000e+00> : vector<256xf32>
    %reduce_sum3A_98 = vector.multi_reduction <add>, %select_n3A_96, %reduce_sum3A_97 [0] : vector<1256x256xf32> to vector<256xf32>
    %broadcast_in_dim3A_99 = vector.shape_cast %reduce_sum3A_98 : vector<256xf32> to vector<1x256xf32>
    %add3A_100 = arith.addf %broadcast_in_dim3A_48, %broadcast_in_dim3A_99 : vector<1x256xf32>
    %mul3A_101 = arith.mulf %select_n3A_96, %select_n3A_96 : vector<1256x256xf32>
    %reduce_sum3A_102 = arith.constant dense<0.000000e+00> : vector<256xf32>
    %reduce_sum3A_103 = vector.multi_reduction <add>, %mul3A_101, %reduce_sum3A_102 [0] : vector<1256x256xf32> to vector<256xf32>
    %broadcast_in_dim3A_104 = vector.shape_cast %reduce_sum3A_103 : vector<256xf32> to vector<1x256xf32>
    %add3A_105 = arith.addf %broadcast_in_dim3A_50, %broadcast_in_dim3A_104 : vector<1x256xf32>
    %get3A_106 = arith.constant 1 : index
    %get3A_107 = arith.constant 0 : index
    %get3A_108 = arith.constant 0 : index
    %get3A_109 = vector.load %arg1[%get3A_106, %get3A_107, %get3A_108] : memref<10x1256x40xf32, #tpu.memory_space<vmem>>, vector<1x1256x40xf32>
    %get3A_110 = vector.shape_cast %get3A_109 : vector<1x1256x40xf32> to vector<1256x40xf32>
    %get3A_111 = arith.constant 0 : index
    %get3A_112 = arith.constant 0 : index
    %get3A_113 = vector.load %arg4[%get3A_111, %get3A_112] : memref<40x256xf32, #tpu.memory_space<vmem>>, vector<40x256xf32>
    %dot_general3A_114 = arith.constant dense<0.000000e+00> : vector<1256x256xf32>
    %dot_general3A_115 = tpu.matmul %get3A_110, %get3A_113, %dot_general3A_114 {dimension_numbers = #tpu.dot_dimension_numbers<[1], [0], [0], [1], [0, 0, 1, 1], [], []>, precision = #tpu.contract_precision<fp32>, transpose_lhs_hint = false} : vector<1256x40xf32>, vector<40x256xf32>, vector<1256x256xf32> -> vector<1256x256xf32>
    %add3A_116 = arith.addf %dot_general3A_115, %add3A_11 : vector<1256x256xf32>
    %max3A_117 = arith.constant 0.000000e+00 : f32
    %max3A_118 = vector.broadcast %max3A_117 : f32 to vector<1256x256xf32>
    %max3A_119 = arith.maximumf %add3A_116, %max3A_118 : vector<1256x256xf32>
    %get3A_120 = arith.constant 0 : index
    %get3A_121 = arith.constant 0 : index
    %get3A_122 = vector.load %arg6[%get3A_120, %get3A_121] : memref<256x256xf32, #tpu.memory_space<vmem>>, vector<256x256xf32>
    %dot_general3A_123 = arith.constant dense<0.000000e+00> : vector<1256x256xf32>
    %dot_general3A_124 = tpu.matmul %max3A_119, %get3A_122, %dot_general3A_123 {dimension_numbers = #tpu.dot_dimension_numbers<[1], [0], [0], [1], [0, 0, 1, 1], [], []>, precision = #tpu.contract_precision<fp32>, transpose_lhs_hint = false} : vector<1256x256xf32>, vector<256x256xf32>, vector<1256x256xf32> -> vector<1256x256xf32>
    %get3A_125 = arith.constant 0 : index
    %get3A_126 = arith.constant 0 : index
    %get3A_127 = vector.load %arg7[%get3A_125, %get3A_126] : memref<1x256xf32, #tpu.memory_space<vmem>>, vector<1x256xf32>
    %add3A_128 = vector.broadcast %get3A_127 : vector<1x256xf32> to vector<1256x256xf32>
    %add3A_129 = arith.addf %dot_general3A_124, %add3A_128 : vector<1256x256xf32>
    %max3A_130 = arith.constant 0.000000e+00 : f32
    %max3A_131 = vector.broadcast %max3A_130 : f32 to vector<1256x256xf32>
    %max3A_132 = arith.maximumf %add3A_129, %max3A_131 : vector<1256x256xf32>
    %reduce_sum3A_133 = arith.constant dense<0.000000e+00> : vector<256xf32>
    %reduce_sum3A_134 = vector.multi_reduction <add>, %max3A_132, %reduce_sum3A_133 [0] : vector<1256x256xf32> to vector<256xf32>
    %broadcast_in_dim3A_135 = vector.shape_cast %reduce_sum3A_134 : vector<256xf32> to vector<1x256xf32>
    %add3A_136 = arith.addf %add3A_79, %broadcast_in_dim3A_135 : vector<1x256xf32>
    %mul3A_137 = arith.mulf %max3A_132, %max3A_132 : vector<1256x256xf32>
    %reduce_sum3A_138 = arith.constant dense<0.000000e+00> : vector<256xf32>
    %reduce_sum3A_139 = vector.multi_reduction <add>, %mul3A_137, %reduce_sum3A_138 [0] : vector<1256x256xf32> to vector<256xf32>
    %broadcast_in_dim3A_140 = vector.shape_cast %reduce_sum3A_139 : vector<256xf32> to vector<1x256xf32>
    %add3A_141 = arith.addf %add3A_83, %broadcast_in_dim3A_140 : vector<1x256xf32>
    %jit3A_142 = arith.constant -1.000000e+30 : f32
    %broadcast_in_dim3A_143 = vector.shape_cast %not3A_41 : vector<1x256xi1> to vector<1x256xi1>
    %broadcast_in_dim3A_144 = vector.broadcast %broadcast_in_dim3A_143 : vector<1x256xi1> to vector<1256x256xi1>
    %broadcast_in_dim3A_145 = vector.broadcast %jit3A_142 : f32 to vector<1256x256xf32>
    %select_n3A_146 = arith.select %broadcast_in_dim3A_144, %max3A_132, %broadcast_in_dim3A_145 : vector<1256x256xi1>, vector<1256x256xf32>
    %max3A_147 = arith.maximumf %max3A_90, %select_n3A_146 : vector<1256x256xf32>
    %get3A_148 = arith.constant 2 : index
    %get3A_149 = arith.constant 0 : index
    %get3A_150 = arith.constant 0 : index
    %get3A_151 = vector.load %arg1[%get3A_148, %get3A_149, %get3A_150] : memref<10x1256x40xf32, #tpu.memory_space<vmem>>, vector<1x1256x40xf32>
    %get3A_152 = vector.shape_cast %get3A_151 : vector<1x1256x40xf32> to vector<1256x40xf32>
    %get3A_153 = arith.constant 0 : index
    %get3A_154 = arith.constant 0 : index
    %get3A_155 = vector.load %arg4[%get3A_153, %get3A_154] : memref<40x256xf32, #tpu.memory_space<vmem>>, vector<40x256xf32>
    %dot_general3A_156 = arith.constant dense<0.000000e+00> : vector<1256x256xf32>
    %dot_general3A_157 = tpu.matmul %get3A_152, %get3A_155, %dot_general3A_156 {dimension_numbers = #tpu.dot_dimension_numbers<[1], [0], [0], [1], [0, 0, 1, 1], [], []>, precision = #tpu.contract_precision<fp32>, transpose_lhs_hint = false} : vector<1256x40xf32>, vector<40x256xf32>, vector<1256x256xf32> -> vector<1256x256xf32>
    %add3A_158 = arith.addf %dot_general3A_157, %add3A_11 : vector<1256x256xf32>
    %max3A_159 = arith.constant 0.000000e+00 : f32
    %max3A_160 = vector.broadcast %max3A_159 : f32 to vector<1256x256xf32>
    %max3A_161 = arith.maximumf %add3A_158, %max3A_160 : vector<1256x256xf32>
    %get3A_162 = arith.constant 0 : index
    %get3A_163 = arith.constant 0 : index
    %get3A_164 = vector.load %arg6[%get3A_162, %get3A_163] : memref<256x256xf32, #tpu.memory_space<vmem>>, vector<256x256xf32>
    %dot_general3A_165 = arith.constant dense<0.000000e+00> : vector<1256x256xf32>
    %dot_general3A_166 = tpu.matmul %max3A_161, %get3A_164, %dot_general3A_165 {dimension_numbers = #tpu.dot_dimension_numbers<[1], [0], [0], [1], [0, 0, 1, 1], [], []>, precision = #tpu.contract_precision<fp32>, transpose_lhs_hint = false} : vector<1256x256xf32>, vector<256x256xf32>, vector<1256x256xf32> -> vector<1256x256xf32>
    %get3A_167 = arith.constant 0 : index
    %get3A_168 = arith.constant 0 : index
    %get3A_169 = vector.load %arg7[%get3A_167, %get3A_168] : memref<1x256xf32, #tpu.memory_space<vmem>>, vector<1x256xf32>
    %add3A_170 = vector.broadcast %get3A_169 : vector<1x256xf32> to vector<1256x256xf32>
    %add3A_171 = arith.addf %dot_general3A_166, %add3A_170 : vector<1256x256xf32>
    %max3A_172 = arith.constant 0.000000e+00 : f32
    %max3A_173 = vector.broadcast %max3A_172 : f32 to vector<1256x256xf32>
    %max3A_174 = arith.maximumf %add3A_171, %max3A_173 : vector<1256x256xf32>
    %reduce_sum3A_175 = arith.constant dense<0.000000e+00> : vector<256xf32>
    %reduce_sum3A_176 = vector.multi_reduction <add>, %max3A_174, %reduce_sum3A_175 [0] : vector<1256x256xf32> to vector<256xf32>
    %broadcast_in_dim3A_177 = vector.shape_cast %reduce_sum3A_176 : vector<256xf32> to vector<1x256xf32>
    %add3A_178 = arith.addf %add3A_136, %broadcast_in_dim3A_177 : vector<1x256xf32>
    %mul3A_179 = arith.mulf %max3A_174, %max3A_174 : vector<1256x256xf32>
    %reduce_sum3A_180 = arith.constant dense<0.000000e+00> : vector<256xf32>
    %reduce_sum3A_181 = vector.multi_reduction <add>, %mul3A_179, %reduce_sum3A_180 [0] : vector<1256x256xf32> to vector<256xf32>
    %broadcast_in_dim3A_182 = vector.shape_cast %reduce_sum3A_181 : vector<256xf32> to vector<1x256xf32>
    %add3A_183 = arith.addf %add3A_141, %broadcast_in_dim3A_182 : vector<1x256xf32>
    %not3A_184 = arith.constant dense<true> : vector<1256x1xi1>
    %not3A_185 = arith.xori %eq3A_30, %not3A_184 : vector<1256x1xi1>
    %or3A_186 = vector.broadcast %not3A_41 : vector<1x256xi1> to vector<1256x256xi1>
    %or3A_187 = vector.broadcast %not3A_185 : vector<1256x1xi1> to vector<1256x256xi1>
    %or3A_188 = arith.ori %or3A_186, %or3A_187 : vector<1256x256xi1>
    %jit3A_189 = arith.constant -1.000000e+30 : f32
    %broadcast_in_dim3A_190 = vector.broadcast %jit3A_189 : f32 to vector<1256x256xf32>
    %select_n3A_191 = arith.select %or3A_188, %max3A_174, %broadcast_in_dim3A_190 : vector<1256x256xi1>, vector<1256x256xf32>
    %max3A_192 = arith.maximumf %max3A_147, %select_n3A_191 : vector<1256x256xf32>
    %and3A_193 = vector.broadcast %or3A : vector<1x256xi1> to vector<1256x256xi1>
    %and3A_194 = vector.broadcast %not3A_185 : vector<1256x1xi1> to vector<1256x256xi1>
    %and3A_195 = arith.andi %and3A_193, %and3A_194 : vector<1256x256xi1>
    %jit3A_196 = arith.constant 0.000000e+00 : f32
    %broadcast_in_dim3A_197 = vector.broadcast %jit3A_196 : f32 to vector<1256x256xf32>
    %select_n3A_198 = arith.select %and3A_195, %max3A_174, %broadcast_in_dim3A_197 : vector<1256x256xi1>, vector<1256x256xf32>
    %reduce_sum3A_199 = arith.constant dense<0.000000e+00> : vector<256xf32>
    %reduce_sum3A_200 = vector.multi_reduction <add>, %select_n3A_198, %reduce_sum3A_199 [0] : vector<1256x256xf32> to vector<256xf32>
    %broadcast_in_dim3A_201 = vector.shape_cast %reduce_sum3A_200 : vector<256xf32> to vector<1x256xf32>
    %add3A_202 = arith.addf %add3A_100, %broadcast_in_dim3A_201 : vector<1x256xf32>
    %mul3A_203 = arith.mulf %select_n3A_198, %select_n3A_198 : vector<1256x256xf32>
    %reduce_sum3A_204 = arith.constant dense<0.000000e+00> : vector<256xf32>
    %reduce_sum3A_205 = vector.multi_reduction <add>, %mul3A_203, %reduce_sum3A_204 [0] : vector<1256x256xf32> to vector<256xf32>
    %broadcast_in_dim3A_206 = vector.shape_cast %reduce_sum3A_205 : vector<256xf32> to vector<1x256xf32>
    %add3A_207 = arith.addf %add3A_105, %broadcast_in_dim3A_206 : vector<1x256xf32>
    %get3A_208 = arith.constant 3 : index
    %get3A_209 = arith.constant 0 : index
    %get3A_210 = arith.constant 0 : index
    %get3A_211 = vector.load %arg1[%get3A_208, %get3A_209, %get3A_210] : memref<10x1256x40xf32, #tpu.memory_space<vmem>>, vector<1x1256x40xf32>
    %get3A_212 = vector.shape_cast %get3A_211 : vector<1x1256x40xf32> to vector<1256x40xf32>
    %get3A_213 = arith.constant 0 : index
    %get3A_214 = arith.constant 0 : index
    %get3A_215 = vector.load %arg4[%get3A_213, %get3A_214] : memref<40x256xf32, #tpu.memory_space<vmem>>, vector<40x256xf32>
    %dot_general3A_216 = arith.constant dense<0.000000e+00> : vector<1256x256xf32>
    %dot_general3A_217 = tpu.matmul %get3A_212, %get3A_215, %dot_general3A_216 {dimension_numbers = #tpu.dot_dimension_numbers<[1], [0], [0], [1], [0, 0, 1, 1], [], []>, precision = #tpu.contract_precision<fp32>, transpose_lhs_hint = false} : vector<1256x40xf32>, vector<40x256xf32>, vector<1256x256xf32> -> vector<1256x256xf32>
    %add3A_218 = arith.addf %dot_general3A_217, %add3A_11 : vector<1256x256xf32>
    %max3A_219 = arith.constant 0.000000e+00 : f32
    %max3A_220 = vector.broadcast %max3A_219 : f32 to vector<1256x256xf32>
    %max3A_221 = arith.maximumf %add3A_218, %max3A_220 : vector<1256x256xf32>
    %get3A_222 = arith.constant 0 : index
    %get3A_223 = arith.constant 0 : index
    %get3A_224 = vector.load %arg6[%get3A_222, %get3A_223] : memref<256x256xf32, #tpu.memory_space<vmem>>, vector<256x256xf32>
    %dot_general3A_225 = arith.constant dense<0.000000e+00> : vector<1256x256xf32>
    %dot_general3A_226 = tpu.matmul %max3A_221, %get3A_224, %dot_general3A_225 {dimension_numbers = #tpu.dot_dimension_numbers<[1], [0], [0], [1], [0, 0, 1, 1], [], []>, precision = #tpu.contract_precision<fp32>, transpose_lhs_hint = false} : vector<1256x256xf32>, vector<256x256xf32>, vector<1256x256xf32> -> vector<1256x256xf32>
    %get3A_227 = arith.constant 0 : index
    %get3A_228 = arith.constant 0 : index
    %get3A_229 = vector.load %arg7[%get3A_227, %get3A_228] : memref<1x256xf32, #tpu.memory_space<vmem>>, vector<1x256xf32>
    %add3A_230 = vector.broadcast %get3A_229 : vector<1x256xf32> to vector<1256x256xf32>
    %add3A_231 = arith.addf %dot_general3A_226, %add3A_230 : vector<1256x256xf32>
    %max3A_232 = arith.constant 0.000000e+00 : f32
    %max3A_233 = vector.broadcast %max3A_232 : f32 to vector<1256x256xf32>
    %max3A_234 = arith.maximumf %add3A_231, %max3A_233 : vector<1256x256xf32>
    %reduce_sum3A_235 = arith.constant dense<0.000000e+00> : vector<256xf32>
    %reduce_sum3A_236 = vector.multi_reduction <add>, %max3A_234, %reduce_sum3A_235 [0] : vector<1256x256xf32> to vector<256xf32>
    %broadcast_in_dim3A_237 = vector.shape_cast %reduce_sum3A_236 : vector<256xf32> to vector<1x256xf32>
    %add3A_238 = arith.addf %add3A_178, %broadcast_in_dim3A_237 : vector<1x256xf32>
    %mul3A_239 = arith.mulf %max3A_234, %max3A_234 : vector<1256x256xf32>
    %reduce_sum3A_240 = arith.constant dense<0.000000e+00> : vector<256xf32>
    %reduce_sum3A_241 = vector.multi_reduction <add>, %mul3A_239, %reduce_sum3A_240 [0] : vector<1256x256xf32> to vector<256xf32>
    %broadcast_in_dim3A_242 = vector.shape_cast %reduce_sum3A_241 : vector<256xf32> to vector<1x256xf32>
    %add3A_243 = arith.addf %add3A_183, %broadcast_in_dim3A_242 : vector<1x256xf32>
    %jit3A_244 = arith.constant -1.000000e+30 : f32
    %broadcast_in_dim3A_245 = vector.shape_cast %not3A_41 : vector<1x256xi1> to vector<1x256xi1>
    %broadcast_in_dim3A_246 = vector.broadcast %broadcast_in_dim3A_245 : vector<1x256xi1> to vector<1256x256xi1>
    %broadcast_in_dim3A_247 = vector.broadcast %jit3A_244 : f32 to vector<1256x256xf32>
    %select_n3A_248 = arith.select %broadcast_in_dim3A_246, %max3A_234, %broadcast_in_dim3A_247 : vector<1256x256xi1>, vector<1256x256xf32>
    %max3A_249 = arith.maximumf %max3A_192, %select_n3A_248 : vector<1256x256xf32>
    %get3A_250 = arith.constant 4 : index
    %get3A_251 = arith.constant 0 : index
    %get3A_252 = arith.constant 0 : index
    %get3A_253 = vector.load %arg1[%get3A_250, %get3A_251, %get3A_252] : memref<10x1256x40xf32, #tpu.memory_space<vmem>>, vector<1x1256x40xf32>
    %get3A_254 = vector.shape_cast %get3A_253 : vector<1x1256x40xf32> to vector<1256x40xf32>
    %get3A_255 = arith.constant 0 : index
    %get3A_256 = arith.constant 0 : index
    %get3A_257 = vector.load %arg4[%get3A_255, %get3A_256] : memref<40x256xf32, #tpu.memory_space<vmem>>, vector<40x256xf32>
    %dot_general3A_258 = arith.constant dense<0.000000e+00> : vector<1256x256xf32>
    %dot_general3A_259 = tpu.matmul %get3A_254, %get3A_257, %dot_general3A_258 {dimension_numbers = #tpu.dot_dimension_numbers<[1], [0], [0], [1], [0, 0, 1, 1], [], []>, precision = #tpu.contract_precision<fp32>, transpose_lhs_hint = false} : vector<1256x40xf32>, vector<40x256xf32>, vector<1256x256xf32> -> vector<1256x256xf32>
    %add3A_260 = arith.addf %dot_general3A_259, %add3A_11 : vector<1256x256xf32>
    %max3A_261 = arith.constant 0.000000e+00 : f32
    %max3A_262 = vector.broadcast %max3A_261 : f32 to vector<1256x256xf32>
    %max3A_263 = arith.maximumf %add3A_260, %max3A_262 : vector<1256x256xf32>
    %get3A_264 = arith.constant 0 : index
    %get3A_265 = arith.constant 0 : index
    %get3A_266 = vector.load %arg6[%get3A_264, %get3A_265] : memref<256x256xf32, #tpu.memory_space<vmem>>, vector<256x256xf32>
    %dot_general3A_267 = arith.constant dense<0.000000e+00> : vector<1256x256xf32>
    %dot_general3A_268 = tpu.matmul %max3A_263, %get3A_266, %dot_general3A_267 {dimension_numbers = #tpu.dot_dimension_numbers<[1], [0], [0], [1], [0, 0, 1, 1], [], []>, precision = #tpu.contract_precision<fp32>, transpose_lhs_hint = false} : vector<1256x256xf32>, vector<256x256xf32>, vector<1256x256xf32> -> vector<1256x256xf32>
    %get3A_269 = arith.constant 0 : index
    %get3A_270 = arith.constant 0 : index
    %get3A_271 = vector.load %arg7[%get3A_269, %get3A_270] : memref<1x256xf32, #tpu.memory_space<vmem>>, vector<1x256xf32>
    %add3A_272 = vector.broadcast %get3A_271 : vector<1x256xf32> to vector<1256x256xf32>
    %add3A_273 = arith.addf %dot_general3A_268, %add3A_272 : vector<1256x256xf32>
    %max3A_274 = arith.constant 0.000000e+00 : f32
    %max3A_275 = vector.broadcast %max3A_274 : f32 to vector<1256x256xf32>
    %max3A_276 = arith.maximumf %add3A_273, %max3A_275 : vector<1256x256xf32>
    %reduce_sum3A_277 = arith.constant dense<0.000000e+00> : vector<256xf32>
    %reduce_sum3A_278 = vector.multi_reduction <add>, %max3A_276, %reduce_sum3A_277 [0] : vector<1256x256xf32> to vector<256xf32>
    %broadcast_in_dim3A_279 = vector.shape_cast %reduce_sum3A_278 : vector<256xf32> to vector<1x256xf32>
    %add3A_280 = arith.addf %add3A_238, %broadcast_in_dim3A_279 : vector<1x256xf32>
    %mul3A_281 = arith.mulf %max3A_276, %max3A_276 : vector<1256x256xf32>
    %reduce_sum3A_282 = arith.constant dense<0.000000e+00> : vector<256xf32>
    %reduce_sum3A_283 = vector.multi_reduction <add>, %mul3A_281, %reduce_sum3A_282 [0] : vector<1256x256xf32> to vector<256xf32>
    %broadcast_in_dim3A_284 = vector.shape_cast %reduce_sum3A_283 : vector<256xf32> to vector<1x256xf32>
    %add3A_285 = arith.addf %add3A_243, %broadcast_in_dim3A_284 : vector<1x256xf32>
    %or3A_286 = vector.broadcast %not3A_41 : vector<1x256xi1> to vector<1256x256xi1>
    %or3A_287 = vector.broadcast %eq3A_30 : vector<1256x1xi1> to vector<1256x256xi1>
    %or3A_288 = arith.ori %or3A_286, %or3A_287 : vector<1256x256xi1>
    %jit3A_289 = arith.constant -1.000000e+30 : f32
    %broadcast_in_dim3A_290 = vector.broadcast %jit3A_289 : f32 to vector<1256x256xf32>
    %select_n3A_291 = arith.select %or3A_288, %max3A_276, %broadcast_in_dim3A_290 : vector<1256x256xi1>, vector<1256x256xf32>
    %max3A_292 = arith.maximumf %max3A_249, %select_n3A_291 : vector<1256x256xf32>
    %and3A_293 = vector.broadcast %or3A : vector<1x256xi1> to vector<1256x256xi1>
    %and3A_294 = vector.broadcast %eq3A_30 : vector<1256x1xi1> to vector<1256x256xi1>
    %and3A_295 = arith.andi %and3A_293, %and3A_294 : vector<1256x256xi1>
    %jit3A_296 = arith.constant 0.000000e+00 : f32
    %broadcast_in_dim3A_297 = vector.broadcast %jit3A_296 : f32 to vector<1256x256xf32>
    %select_n3A_298 = arith.select %and3A_295, %max3A_276, %broadcast_in_dim3A_297 : vector<1256x256xi1>, vector<1256x256xf32>
    %reduce_sum3A_299 = arith.constant dense<0.000000e+00> : vector<256xf32>
    %reduce_sum3A_300 = vector.multi_reduction <add>, %select_n3A_298, %reduce_sum3A_299 [0] : vector<1256x256xf32> to vector<256xf32>
    %broadcast_in_dim3A_301 = vector.shape_cast %reduce_sum3A_300 : vector<256xf32> to vector<1x256xf32>
    %add3A_302 = arith.addf %add3A_202, %broadcast_in_dim3A_301 : vector<1x256xf32>
    %mul3A_303 = arith.mulf %select_n3A_298, %select_n3A_298 : vector<1256x256xf32>
    %reduce_sum3A_304 = arith.constant dense<0.000000e+00> : vector<256xf32>
    %reduce_sum3A_305 = vector.multi_reduction <add>, %mul3A_303, %reduce_sum3A_304 [0] : vector<1256x256xf32> to vector<256xf32>
    %broadcast_in_dim3A_306 = vector.shape_cast %reduce_sum3A_305 : vector<256xf32> to vector<1x256xf32>
    %add3A_307 = arith.addf %add3A_207, %broadcast_in_dim3A_306 : vector<1x256xf32>
    %get3A_308 = arith.constant 5 : index
    %get3A_309 = arith.constant 0 : index
    %get3A_310 = arith.constant 0 : index
    %get3A_311 = vector.load %arg1[%get3A_308, %get3A_309, %get3A_310] : memref<10x1256x40xf32, #tpu.memory_space<vmem>>, vector<1x1256x40xf32>
    %get3A_312 = vector.shape_cast %get3A_311 : vector<1x1256x40xf32> to vector<1256x40xf32>
    %get3A_313 = arith.constant 0 : index
    %get3A_314 = arith.constant 0 : index
    %get3A_315 = vector.load %arg4[%get3A_313, %get3A_314] : memref<40x256xf32, #tpu.memory_space<vmem>>, vector<40x256xf32>
    %dot_general3A_316 = arith.constant dense<0.000000e+00> : vector<1256x256xf32>
    %dot_general3A_317 = tpu.matmul %get3A_312, %get3A_315, %dot_general3A_316 {dimension_numbers = #tpu.dot_dimension_numbers<[1], [0], [0], [1], [0, 0, 1, 1], [], []>, precision = #tpu.contract_precision<fp32>, transpose_lhs_hint = false} : vector<1256x40xf32>, vector<40x256xf32>, vector<1256x256xf32> -> vector<1256x256xf32>
    %add3A_318 = arith.addf %dot_general3A_317, %add3A_11 : vector<1256x256xf32>
    %max3A_319 = arith.constant 0.000000e+00 : f32
    %max3A_320 = vector.broadcast %max3A_319 : f32 to vector<1256x256xf32>
    %max3A_321 = arith.maximumf %add3A_318, %max3A_320 : vector<1256x256xf32>
    %get3A_322 = arith.constant 0 : index
    %get3A_323 = arith.constant 0 : index
    %get3A_324 = vector.load %arg6[%get3A_322, %get3A_323] : memref<256x256xf32, #tpu.memory_space<vmem>>, vector<256x256xf32>
    %dot_general3A_325 = arith.constant dense<0.000000e+00> : vector<1256x256xf32>
    %dot_general3A_326 = tpu.matmul %max3A_321, %get3A_324, %dot_general3A_325 {dimension_numbers = #tpu.dot_dimension_numbers<[1], [0], [0], [1], [0, 0, 1, 1], [], []>, precision = #tpu.contract_precision<fp32>, transpose_lhs_hint = false} : vector<1256x256xf32>, vector<256x256xf32>, vector<1256x256xf32> -> vector<1256x256xf32>
    %get3A_327 = arith.constant 0 : index
    %get3A_328 = arith.constant 0 : index
    %get3A_329 = vector.load %arg7[%get3A_327, %get3A_328] : memref<1x256xf32, #tpu.memory_space<vmem>>, vector<1x256xf32>
    %add3A_330 = vector.broadcast %get3A_329 : vector<1x256xf32> to vector<1256x256xf32>
    %add3A_331 = arith.addf %dot_general3A_326, %add3A_330 : vector<1256x256xf32>
    %max3A_332 = arith.constant 0.000000e+00 : f32
    %max3A_333 = vector.broadcast %max3A_332 : f32 to vector<1256x256xf32>
    %max3A_334 = arith.maximumf %add3A_331, %max3A_333 : vector<1256x256xf32>
    %reduce_sum3A_335 = arith.constant dense<0.000000e+00> : vector<256xf32>
    %reduce_sum3A_336 = vector.multi_reduction <add>, %max3A_334, %reduce_sum3A_335 [0] : vector<1256x256xf32> to vector<256xf32>
    %broadcast_in_dim3A_337 = vector.shape_cast %reduce_sum3A_336 : vector<256xf32> to vector<1x256xf32>
    %add3A_338 = arith.addf %add3A_280, %broadcast_in_dim3A_337 : vector<1x256xf32>
    %mul3A_339 = arith.mulf %max3A_334, %max3A_334 : vector<1256x256xf32>
    %reduce_sum3A_340 = arith.constant dense<0.000000e+00> : vector<256xf32>
    %reduce_sum3A_341 = vector.multi_reduction <add>, %mul3A_339, %reduce_sum3A_340 [0] : vector<1256x256xf32> to vector<256xf32>
    %broadcast_in_dim3A_342 = vector.shape_cast %reduce_sum3A_341 : vector<256xf32> to vector<1x256xf32>
    %add3A_343 = arith.addf %add3A_285, %broadcast_in_dim3A_342 : vector<1x256xf32>
    %jit3A_344 = arith.constant -1.000000e+30 : f32
    %broadcast_in_dim3A_345 = vector.shape_cast %not3A_41 : vector<1x256xi1> to vector<1x256xi1>
    %broadcast_in_dim3A_346 = vector.broadcast %broadcast_in_dim3A_345 : vector<1x256xi1> to vector<1256x256xi1>
    %broadcast_in_dim3A_347 = vector.broadcast %jit3A_344 : f32 to vector<1256x256xf32>
    %select_n3A_348 = arith.select %broadcast_in_dim3A_346, %max3A_334, %broadcast_in_dim3A_347 : vector<1256x256xi1>, vector<1256x256xf32>
    %max3A_349 = arith.maximumf %max3A_292, %select_n3A_348 : vector<1256x256xf32>
    %get3A_350 = arith.constant 6 : index
    %get3A_351 = arith.constant 0 : index
    %get3A_352 = arith.constant 0 : index
    %get3A_353 = vector.load %arg1[%get3A_350, %get3A_351, %get3A_352] : memref<10x1256x40xf32, #tpu.memory_space<vmem>>, vector<1x1256x40xf32>
    %get3A_354 = vector.shape_cast %get3A_353 : vector<1x1256x40xf32> to vector<1256x40xf32>
    %get3A_355 = arith.constant 0 : index
    %get3A_356 = arith.constant 0 : index
    %get3A_357 = vector.load %arg4[%get3A_355, %get3A_356] : memref<40x256xf32, #tpu.memory_space<vmem>>, vector<40x256xf32>
    %dot_general3A_358 = arith.constant dense<0.000000e+00> : vector<1256x256xf32>
    %dot_general3A_359 = tpu.matmul %get3A_354, %get3A_357, %dot_general3A_358 {dimension_numbers = #tpu.dot_dimension_numbers<[1], [0], [0], [1], [0, 0, 1, 1], [], []>, precision = #tpu.contract_precision<fp32>, transpose_lhs_hint = false} : vector<1256x40xf32>, vector<40x256xf32>, vector<1256x256xf32> -> vector<1256x256xf32>
    %add3A_360 = arith.addf %dot_general3A_359, %add3A_11 : vector<1256x256xf32>
    %max3A_361 = arith.constant 0.000000e+00 : f32
    %max3A_362 = vector.broadcast %max3A_361 : f32 to vector<1256x256xf32>
    %max3A_363 = arith.maximumf %add3A_360, %max3A_362 : vector<1256x256xf32>
    %get3A_364 = arith.constant 0 : index
    %get3A_365 = arith.constant 0 : index
    %get3A_366 = vector.load %arg6[%get3A_364, %get3A_365] : memref<256x256xf32, #tpu.memory_space<vmem>>, vector<256x256xf32>
    %dot_general3A_367 = arith.constant dense<0.000000e+00> : vector<1256x256xf32>
    %dot_general3A_368 = tpu.matmul %max3A_363, %get3A_366, %dot_general3A_367 {dimension_numbers = #tpu.dot_dimension_numbers<[1], [0], [0], [1], [0, 0, 1, 1], [], []>, precision = #tpu.contract_precision<fp32>, transpose_lhs_hint = false} : vector<1256x256xf32>, vector<256x256xf32>, vector<1256x256xf32> -> vector<1256x256xf32>
    %get3A_369 = arith.constant 0 : index
    %get3A_370 = arith.constant 0 : index
    %get3A_371 = vector.load %arg7[%get3A_369, %get3A_370] : memref<1x256xf32, #tpu.memory_space<vmem>>, vector<1x256xf32>
    %add3A_372 = vector.broadcast %get3A_371 : vector<1x256xf32> to vector<1256x256xf32>
    %add3A_373 = arith.addf %dot_general3A_368, %add3A_372 : vector<1256x256xf32>
    %max3A_374 = arith.constant 0.000000e+00 : f32
    %max3A_375 = vector.broadcast %max3A_374 : f32 to vector<1256x256xf32>
    %max3A_376 = arith.maximumf %add3A_373, %max3A_375 : vector<1256x256xf32>
    %reduce_sum3A_377 = arith.constant dense<0.000000e+00> : vector<256xf32>
    %reduce_sum3A_378 = vector.multi_reduction <add>, %max3A_376, %reduce_sum3A_377 [0] : vector<1256x256xf32> to vector<256xf32>
    %broadcast_in_dim3A_379 = vector.shape_cast %reduce_sum3A_378 : vector<256xf32> to vector<1x256xf32>
    %add3A_380 = arith.addf %add3A_338, %broadcast_in_dim3A_379 : vector<1x256xf32>
    %mul3A_381 = arith.mulf %max3A_376, %max3A_376 : vector<1256x256xf32>
    %reduce_sum3A_382 = arith.constant dense<0.000000e+00> : vector<256xf32>
    %reduce_sum3A_383 = vector.multi_reduction <add>, %mul3A_381, %reduce_sum3A_382 [0] : vector<1256x256xf32> to vector<256xf32>
    %broadcast_in_dim3A_384 = vector.shape_cast %reduce_sum3A_383 : vector<256xf32> to vector<1x256xf32>
    %add3A_385 = arith.addf %add3A_343, %broadcast_in_dim3A_384 : vector<1x256xf32>
    %not3A_386 = arith.constant dense<true> : vector<1256x1xi1>
    %not3A_387 = arith.xori %eq3A_30, %not3A_386 : vector<1256x1xi1>
    %or3A_388 = vector.broadcast %not3A_41 : vector<1x256xi1> to vector<1256x256xi1>
    %or3A_389 = vector.broadcast %not3A_387 : vector<1256x1xi1> to vector<1256x256xi1>
    %or3A_390 = arith.ori %or3A_388, %or3A_389 : vector<1256x256xi1>
    %jit3A_391 = arith.constant -1.000000e+30 : f32
    %broadcast_in_dim3A_392 = vector.broadcast %jit3A_391 : f32 to vector<1256x256xf32>
    %select_n3A_393 = arith.select %or3A_390, %max3A_376, %broadcast_in_dim3A_392 : vector<1256x256xi1>, vector<1256x256xf32>
    %max3A_394 = arith.maximumf %max3A_349, %select_n3A_393 : vector<1256x256xf32>
    %and3A_395 = vector.broadcast %or3A : vector<1x256xi1> to vector<1256x256xi1>
    %and3A_396 = vector.broadcast %not3A_387 : vector<1256x1xi1> to vector<1256x256xi1>
    %and3A_397 = arith.andi %and3A_395, %and3A_396 : vector<1256x256xi1>
    %jit3A_398 = arith.constant 0.000000e+00 : f32
    %broadcast_in_dim3A_399 = vector.broadcast %jit3A_398 : f32 to vector<1256x256xf32>
    %select_n3A_400 = arith.select %and3A_397, %max3A_376, %broadcast_in_dim3A_399 : vector<1256x256xi1>, vector<1256x256xf32>
    %reduce_sum3A_401 = arith.constant dense<0.000000e+00> : vector<256xf32>
    %reduce_sum3A_402 = vector.multi_reduction <add>, %select_n3A_400, %reduce_sum3A_401 [0] : vector<1256x256xf32> to vector<256xf32>
    %broadcast_in_dim3A_403 = vector.shape_cast %reduce_sum3A_402 : vector<256xf32> to vector<1x256xf32>
    %add3A_404 = arith.addf %add3A_302, %broadcast_in_dim3A_403 : vector<1x256xf32>
    %mul3A_405 = arith.mulf %select_n3A_400, %select_n3A_400 : vector<1256x256xf32>
    %reduce_sum3A_406 = arith.constant dense<0.000000e+00> : vector<256xf32>
    %reduce_sum3A_407 = vector.multi_reduction <add>, %mul3A_405, %reduce_sum3A_406 [0] : vector<1256x256xf32> to vector<256xf32>
    %broadcast_in_dim3A_408 = vector.shape_cast %reduce_sum3A_407 : vector<256xf32> to vector<1x256xf32>
    %add3A_409 = arith.addf %add3A_307, %broadcast_in_dim3A_408 : vector<1x256xf32>
    %get3A_410 = arith.constant 7 : index
    %get3A_411 = arith.constant 0 : index
    %get3A_412 = arith.constant 0 : index
    %get3A_413 = vector.load %arg1[%get3A_410, %get3A_411, %get3A_412] : memref<10x1256x40xf32, #tpu.memory_space<vmem>>, vector<1x1256x40xf32>
    %get3A_414 = vector.shape_cast %get3A_413 : vector<1x1256x40xf32> to vector<1256x40xf32>
    %get3A_415 = arith.constant 0 : index
    %get3A_416 = arith.constant 0 : index
    %get3A_417 = vector.load %arg4[%get3A_415, %get3A_416] : memref<40x256xf32, #tpu.memory_space<vmem>>, vector<40x256xf32>
    %dot_general3A_418 = arith.constant dense<0.000000e+00> : vector<1256x256xf32>
    %dot_general3A_419 = tpu.matmul %get3A_414, %get3A_417, %dot_general3A_418 {dimension_numbers = #tpu.dot_dimension_numbers<[1], [0], [0], [1], [0, 0, 1, 1], [], []>, precision = #tpu.contract_precision<fp32>, transpose_lhs_hint = false} : vector<1256x40xf32>, vector<40x256xf32>, vector<1256x256xf32> -> vector<1256x256xf32>
    %add3A_420 = arith.addf %dot_general3A_419, %add3A_11 : vector<1256x256xf32>
    %max3A_421 = arith.constant 0.000000e+00 : f32
    %max3A_422 = vector.broadcast %max3A_421 : f32 to vector<1256x256xf32>
    %max3A_423 = arith.maximumf %add3A_420, %max3A_422 : vector<1256x256xf32>
    %get3A_424 = arith.constant 0 : index
    %get3A_425 = arith.constant 0 : index
    %get3A_426 = vector.load %arg6[%get3A_424, %get3A_425] : memref<256x256xf32, #tpu.memory_space<vmem>>, vector<256x256xf32>
    %dot_general3A_427 = arith.constant dense<0.000000e+00> : vector<1256x256xf32>
    %dot_general3A_428 = tpu.matmul %max3A_423, %get3A_426, %dot_general3A_427 {dimension_numbers = #tpu.dot_dimension_numbers<[1], [0], [0], [1], [0, 0, 1, 1], [], []>, precision = #tpu.contract_precision<fp32>, transpose_lhs_hint = false} : vector<1256x256xf32>, vector<256x256xf32>, vector<1256x256xf32> -> vector<1256x256xf32>
    %get3A_429 = arith.constant 0 : index
    %get3A_430 = arith.constant 0 : index
    %get3A_431 = vector.load %arg7[%get3A_429, %get3A_430] : memref<1x256xf32, #tpu.memory_space<vmem>>, vector<1x256xf32>
    %add3A_432 = vector.broadcast %get3A_431 : vector<1x256xf32> to vector<1256x256xf32>
    %add3A_433 = arith.addf %dot_general3A_428, %add3A_432 : vector<1256x256xf32>
    %max3A_434 = arith.constant 0.000000e+00 : f32
    %max3A_435 = vector.broadcast %max3A_434 : f32 to vector<1256x256xf32>
    %max3A_436 = arith.maximumf %add3A_433, %max3A_435 : vector<1256x256xf32>
    %reduce_sum3A_437 = arith.constant dense<0.000000e+00> : vector<256xf32>
    %reduce_sum3A_438 = vector.multi_reduction <add>, %max3A_436, %reduce_sum3A_437 [0] : vector<1256x256xf32> to vector<256xf32>
    %broadcast_in_dim3A_439 = vector.shape_cast %reduce_sum3A_438 : vector<256xf32> to vector<1x256xf32>
    %add3A_440 = arith.addf %add3A_380, %broadcast_in_dim3A_439 : vector<1x256xf32>
    %mul3A_441 = arith.mulf %max3A_436, %max3A_436 : vector<1256x256xf32>
    %reduce_sum3A_442 = arith.constant dense<0.000000e+00> : vector<256xf32>
    %reduce_sum3A_443 = vector.multi_reduction <add>, %mul3A_441, %reduce_sum3A_442 [0] : vector<1256x256xf32> to vector<256xf32>
    %broadcast_in_dim3A_444 = vector.shape_cast %reduce_sum3A_443 : vector<256xf32> to vector<1x256xf32>
    %add3A_445 = arith.addf %add3A_385, %broadcast_in_dim3A_444 : vector<1x256xf32>
    %jit3A_446 = arith.constant -1.000000e+30 : f32
    %broadcast_in_dim3A_447 = vector.shape_cast %not3A_41 : vector<1x256xi1> to vector<1x256xi1>
    %broadcast_in_dim3A_448 = vector.broadcast %broadcast_in_dim3A_447 : vector<1x256xi1> to vector<1256x256xi1>
    %broadcast_in_dim3A_449 = vector.broadcast %jit3A_446 : f32 to vector<1256x256xf32>
    %select_n3A_450 = arith.select %broadcast_in_dim3A_448, %max3A_436, %broadcast_in_dim3A_449 : vector<1256x256xi1>, vector<1256x256xf32>
    %max3A_451 = arith.maximumf %max3A_394, %select_n3A_450 : vector<1256x256xf32>
    %get3A_452 = arith.constant 8 : index
    %get3A_453 = arith.constant 0 : index
    %get3A_454 = arith.constant 0 : index
    %get3A_455 = vector.load %arg1[%get3A_452, %get3A_453, %get3A_454] : memref<10x1256x40xf32, #tpu.memory_space<vmem>>, vector<1x1256x40xf32>
    %get3A_456 = vector.shape_cast %get3A_455 : vector<1x1256x40xf32> to vector<1256x40xf32>
    %get3A_457 = arith.constant 0 : index
    %get3A_458 = arith.constant 0 : index
    %get3A_459 = vector.load %arg4[%get3A_457, %get3A_458] : memref<40x256xf32, #tpu.memory_space<vmem>>, vector<40x256xf32>
    %dot_general3A_460 = arith.constant dense<0.000000e+00> : vector<1256x256xf32>
    %dot_general3A_461 = tpu.matmul %get3A_456, %get3A_459, %dot_general3A_460 {dimension_numbers = #tpu.dot_dimension_numbers<[1], [0], [0], [1], [0, 0, 1, 1], [], []>, precision = #tpu.contract_precision<fp32>, transpose_lhs_hint = false} : vector<1256x40xf32>, vector<40x256xf32>, vector<1256x256xf32> -> vector<1256x256xf32>
    %add3A_462 = arith.addf %dot_general3A_461, %add3A_11 : vector<1256x256xf32>
    %max3A_463 = arith.constant 0.000000e+00 : f32
    %max3A_464 = vector.broadcast %max3A_463 : f32 to vector<1256x256xf32>
    %max3A_465 = arith.maximumf %add3A_462, %max3A_464 : vector<1256x256xf32>
    %get3A_466 = arith.constant 0 : index
    %get3A_467 = arith.constant 0 : index
    %get3A_468 = vector.load %arg6[%get3A_466, %get3A_467] : memref<256x256xf32, #tpu.memory_space<vmem>>, vector<256x256xf32>
    %dot_general3A_469 = arith.constant dense<0.000000e+00> : vector<1256x256xf32>
    %dot_general3A_470 = tpu.matmul %max3A_465, %get3A_468, %dot_general3A_469 {dimension_numbers = #tpu.dot_dimension_numbers<[1], [0], [0], [1], [0, 0, 1, 1], [], []>, precision = #tpu.contract_precision<fp32>, transpose_lhs_hint = false} : vector<1256x256xf32>, vector<256x256xf32>, vector<1256x256xf32> -> vector<1256x256xf32>
    %get3A_471 = arith.constant 0 : index
    %get3A_472 = arith.constant 0 : index
    %get3A_473 = vector.load %arg7[%get3A_471, %get3A_472] : memref<1x256xf32, #tpu.memory_space<vmem>>, vector<1x256xf32>
    %add3A_474 = vector.broadcast %get3A_473 : vector<1x256xf32> to vector<1256x256xf32>
    %add3A_475 = arith.addf %dot_general3A_470, %add3A_474 : vector<1256x256xf32>
    %max3A_476 = arith.constant 0.000000e+00 : f32
    %max3A_477 = vector.broadcast %max3A_476 : f32 to vector<1256x256xf32>
    %max3A_478 = arith.maximumf %add3A_475, %max3A_477 : vector<1256x256xf32>
    %reduce_sum3A_479 = arith.constant dense<0.000000e+00> : vector<256xf32>
    %reduce_sum3A_480 = vector.multi_reduction <add>, %max3A_478, %reduce_sum3A_479 [0] : vector<1256x256xf32> to vector<256xf32>
    %broadcast_in_dim3A_481 = vector.shape_cast %reduce_sum3A_480 : vector<256xf32> to vector<1x256xf32>
    %add3A_482 = arith.addf %add3A_440, %broadcast_in_dim3A_481 : vector<1x256xf32>
    %mul3A_483 = arith.mulf %max3A_478, %max3A_478 : vector<1256x256xf32>
    %reduce_sum3A_484 = arith.constant dense<0.000000e+00> : vector<256xf32>
    %reduce_sum3A_485 = vector.multi_reduction <add>, %mul3A_483, %reduce_sum3A_484 [0] : vector<1256x256xf32> to vector<256xf32>
    %broadcast_in_dim3A_486 = vector.shape_cast %reduce_sum3A_485 : vector<256xf32> to vector<1x256xf32>
    %add3A_487 = arith.addf %add3A_445, %broadcast_in_dim3A_486 : vector<1x256xf32>
    %or3A_488 = vector.broadcast %not3A_41 : vector<1x256xi1> to vector<1256x256xi1>
    %or3A_489 = vector.broadcast %eq3A_30 : vector<1256x1xi1> to vector<1256x256xi1>
    %or3A_490 = arith.ori %or3A_488, %or3A_489 : vector<1256x256xi1>
    %jit3A_491 = arith.constant -1.000000e+30 : f32
    %broadcast_in_dim3A_492 = vector.broadcast %jit3A_491 : f32 to vector<1256x256xf32>
    %select_n3A_493 = arith.select %or3A_490, %max3A_478, %broadcast_in_dim3A_492 : vector<1256x256xi1>, vector<1256x256xf32>
    %max3A_494 = arith.maximumf %max3A_451, %select_n3A_493 : vector<1256x256xf32>
    %and3A_495 = vector.broadcast %or3A : vector<1x256xi1> to vector<1256x256xi1>
    %and3A_496 = vector.broadcast %eq3A_30 : vector<1256x1xi1> to vector<1256x256xi1>
    %and3A_497 = arith.andi %and3A_495, %and3A_496 : vector<1256x256xi1>
    %jit3A_498 = arith.constant 0.000000e+00 : f32
    %broadcast_in_dim3A_499 = vector.broadcast %jit3A_498 : f32 to vector<1256x256xf32>
    %select_n3A_500 = arith.select %and3A_497, %max3A_478, %broadcast_in_dim3A_499 : vector<1256x256xi1>, vector<1256x256xf32>
    %reduce_sum3A_501 = arith.constant dense<0.000000e+00> : vector<256xf32>
    %reduce_sum3A_502 = vector.multi_reduction <add>, %select_n3A_500, %reduce_sum3A_501 [0] : vector<1256x256xf32> to vector<256xf32>
    %broadcast_in_dim3A_503 = vector.shape_cast %reduce_sum3A_502 : vector<256xf32> to vector<1x256xf32>
    %add3A_504 = arith.addf %add3A_404, %broadcast_in_dim3A_503 : vector<1x256xf32>
    %mul3A_505 = arith.mulf %select_n3A_500, %select_n3A_500 : vector<1256x256xf32>
    %reduce_sum3A_506 = arith.constant dense<0.000000e+00> : vector<256xf32>
    %reduce_sum3A_507 = vector.multi_reduction <add>, %mul3A_505, %reduce_sum3A_506 [0] : vector<1256x256xf32> to vector<256xf32>
    %broadcast_in_dim3A_508 = vector.shape_cast %reduce_sum3A_507 : vector<256xf32> to vector<1x256xf32>
    %add3A_509 = arith.addf %add3A_409, %broadcast_in_dim3A_508 : vector<1x256xf32>
    %get3A_510 = arith.constant 9 : index
    %get3A_511 = arith.constant 0 : index
    %get3A_512 = arith.constant 0 : index
    %get3A_513 = vector.load %arg1[%get3A_510, %get3A_511, %get3A_512] : memref<10x1256x40xf32, #tpu.memory_space<vmem>>, vector<1x1256x40xf32>
    %get3A_514 = vector.shape_cast %get3A_513 : vector<1x1256x40xf32> to vector<1256x40xf32>
    %get3A_515 = arith.constant 0 : index
    %get3A_516 = arith.constant 0 : index
    %get3A_517 = vector.load %arg4[%get3A_515, %get3A_516] : memref<40x256xf32, #tpu.memory_space<vmem>>, vector<40x256xf32>
    %dot_general3A_518 = arith.constant dense<0.000000e+00> : vector<1256x256xf32>
    %dot_general3A_519 = tpu.matmul %get3A_514, %get3A_517, %dot_general3A_518 {dimension_numbers = #tpu.dot_dimension_numbers<[1], [0], [0], [1], [0, 0, 1, 1], [], []>, precision = #tpu.contract_precision<fp32>, transpose_lhs_hint = false} : vector<1256x40xf32>, vector<40x256xf32>, vector<1256x256xf32> -> vector<1256x256xf32>
    %add3A_520 = arith.addf %dot_general3A_519, %add3A_11 : vector<1256x256xf32>
    %max3A_521 = arith.constant 0.000000e+00 : f32
    %max3A_522 = vector.broadcast %max3A_521 : f32 to vector<1256x256xf32>
    %max3A_523 = arith.maximumf %add3A_520, %max3A_522 : vector<1256x256xf32>
    %get3A_524 = arith.constant 0 : index
    %get3A_525 = arith.constant 0 : index
    %get3A_526 = vector.load %arg6[%get3A_524, %get3A_525] : memref<256x256xf32, #tpu.memory_space<vmem>>, vector<256x256xf32>
    %dot_general3A_527 = arith.constant dense<0.000000e+00> : vector<1256x256xf32>
    %dot_general3A_528 = tpu.matmul %max3A_523, %get3A_526, %dot_general3A_527 {dimension_numbers = #tpu.dot_dimension_numbers<[1], [0], [0], [1], [0, 0, 1, 1], [], []>, precision = #tpu.contract_precision<fp32>, transpose_lhs_hint = false} : vector<1256x256xf32>, vector<256x256xf32>, vector<1256x256xf32> -> vector<1256x256xf32>
    %get3A_529 = arith.constant 0 : index
    %get3A_530 = arith.constant 0 : index
    %get3A_531 = vector.load %arg7[%get3A_529, %get3A_530] : memref<1x256xf32, #tpu.memory_space<vmem>>, vector<1x256xf32>
    %add3A_532 = vector.broadcast %get3A_531 : vector<1x256xf32> to vector<1256x256xf32>
    %add3A_533 = arith.addf %dot_general3A_528, %add3A_532 : vector<1256x256xf32>
    %max3A_534 = arith.constant 0.000000e+00 : f32
    %max3A_535 = vector.broadcast %max3A_534 : f32 to vector<1256x256xf32>
    %max3A_536 = arith.maximumf %add3A_533, %max3A_535 : vector<1256x256xf32>
    %reduce_sum3A_537 = arith.constant dense<0.000000e+00> : vector<256xf32>
    %reduce_sum3A_538 = vector.multi_reduction <add>, %max3A_536, %reduce_sum3A_537 [0] : vector<1256x256xf32> to vector<256xf32>
    %broadcast_in_dim3A_539 = vector.shape_cast %reduce_sum3A_538 : vector<256xf32> to vector<1x256xf32>
    %add3A_540 = arith.addf %add3A_482, %broadcast_in_dim3A_539 : vector<1x256xf32>
    %mul3A_541 = arith.mulf %max3A_536, %max3A_536 : vector<1256x256xf32>
    %reduce_sum3A_542 = arith.constant dense<0.000000e+00> : vector<256xf32>
    %reduce_sum3A_543 = vector.multi_reduction <add>, %mul3A_541, %reduce_sum3A_542 [0] : vector<1256x256xf32> to vector<256xf32>
    %broadcast_in_dim3A_544 = vector.shape_cast %reduce_sum3A_543 : vector<256xf32> to vector<1x256xf32>
    %add3A_545 = arith.addf %add3A_487, %broadcast_in_dim3A_544 : vector<1x256xf32>
    %jit3A_546 = arith.constant -1.000000e+30 : f32
    %broadcast_in_dim3A_547 = vector.shape_cast %not3A_41 : vector<1x256xi1> to vector<1x256xi1>
    %broadcast_in_dim3A_548 = vector.broadcast %broadcast_in_dim3A_547 : vector<1x256xi1> to vector<1256x256xi1>
    %broadcast_in_dim3A_549 = vector.broadcast %jit3A_546 : f32 to vector<1256x256xf32>
    %select_n3A_550 = arith.select %broadcast_in_dim3A_548, %max3A_536, %broadcast_in_dim3A_549 : vector<1256x256xi1>, vector<1256x256xf32>
    %max3A_551 = arith.maximumf %max3A_494, %select_n3A_550 : vector<1256x256xf32>
    %swap3A = arith.constant 0 : index
    %swap3A_552 = arith.constant 0 : index
    %swap3A_553 = vector.load %arg8[%swap3A, %swap3A_552] : memref<1256x256xf32, #tpu.memory_space<vmem>>, vector<1256x256xf32>
    tpu.vector_store %arg8[%swap3A, %swap3A_552], %max3A_551 {strides = array<i32>} : memref<1256x256xf32, #tpu.memory_space<vmem>>, vector<1256x256xf32>,
    %get3A_554 = arith.constant 0 : index
    %get3A_555 = arith.constant 0 : index
    %get3A_556 = vector.load %arg9[%get3A_554, %get3A_555] : memref<2x256xf32, #tpu.memory_space<vmem>>, vector<1x256xf32>
    %add3A_557 = arith.addf %get3A_556, %add3A_540 : vector<1x256xf32>
    %swap3A_558 = arith.constant 0 : index
    %swap3A_559 = arith.constant 0 : index
    %swap3A_560 = vector.load %arg9[%swap3A_558, %swap3A_559] : memref<2x256xf32, #tpu.memory_space<vmem>>, vector<1x256xf32>
    tpu.vector_store %arg9[%swap3A_558, %swap3A_559], %add3A_557 {strides = array<i32>} : memref<2x256xf32, #tpu.memory_space<vmem>>, vector<1x256xf32>,
    %get3A_561 = arith.constant 1 : index
    %get3A_562 = arith.constant 0 : index
    %get3A_563 = vector.load %arg9[%get3A_561, %get3A_562] : memref<2x256xf32, #tpu.memory_space<vmem>>, vector<1x256xf32>
    %add3A_564 = arith.addf %get3A_563, %add3A_545 : vector<1x256xf32>
    %swap3A_565 = arith.constant 1 : index
    %swap3A_566 = arith.constant 0 : index
    %swap3A_567 = vector.load %arg9[%swap3A_565, %swap3A_566] : memref<2x256xf32, #tpu.memory_space<vmem>>, vector<1x256xf32>
    tpu.vector_store %arg9[%swap3A_565, %swap3A_566], %add3A_564 {strides = array<i32>} : memref<2x256xf32, #tpu.memory_space<vmem>>, vector<1x256xf32>,
    %get3A_568 = arith.constant 0 : index
    %get3A_569 = arith.constant 0 : index
    %get3A_570 = vector.load %arg10[%get3A_568, %get3A_569] : memref<2x256xf32, #tpu.memory_space<vmem>>, vector<1x256xf32>
    %add3A_571 = arith.addf %get3A_570, %add3A_504 : vector<1x256xf32>
    %swap3A_572 = arith.constant 0 : index
    %swap3A_573 = arith.constant 0 : index
    %swap3A_574 = vector.load %arg10[%swap3A_572, %swap3A_573] : memref<2x256xf32, #tpu.memory_space<vmem>>, vector<1x256xf32>
    tpu.vector_store %arg10[%swap3A_572, %swap3A_573], %add3A_571 {strides = array<i32>} : memref<2x256xf32, #tpu.memory_space<vmem>>, vector<1x256xf32>,
    %get3A_575 = arith.constant 1 : index
    %get3A_576 = arith.constant 0 : index
    %get3A_577 = vector.load %arg10[%get3A_575, %get3A_576] : memref<2x256xf32, #tpu.memory_space<vmem>>, vector<1x256xf32>
    %add3A_578 = arith.addf %get3A_577, %add3A_509 : vector<1x256xf32>
    %swap3A_579 = arith.constant 1 : index
    %swap3A_580 = arith.constant 0 : index
    %swap3A_581 = vector.load %arg10[%swap3A_579, %swap3A_580] : memref<2x256xf32, #tpu.memory_space<vmem>>, vector<1x256xf32>
    tpu.vector_store %arg10[%swap3A_579, %swap3A_580], %add3A_578 {strides = array<i32>} : memref<2x256xf32, #tpu.memory_space<vmem>>, vector<1x256xf32>,
    return
  }
  func.func @transform_0(%arg0: i32) -> (i32, i32, i32) {
    %c0_i32 = arith.constant 0 : i32
    %c0_i32_0 = arith.constant 0 : i32
    %c0_i32_1 = arith.constant 0 : i32
    return %c0_i32, %arg0, %c0_i32_0 : i32, i32, i32
  }
  func.func @transform_1(%arg0: i32) -> (i32, i32) {
    %c0_i32 = arith.constant 0 : i32
    %c0_i32_0 = arith.constant 0 : i32
    return %arg0, %c0_i32 : i32, i32
  }
  func.func @transform_2(%arg0: i32) -> (i32, i32) {
    %c0_i32 = arith.constant 0 : i32
    %c0_i32_0 = arith.constant 0 : i32
    %c0_i32_1 = arith.constant 0 : i32
    return %c0_i32, %c0_i32_0 : i32, i32
  }
  func.func @transform_3(%arg0: i32) -> (i32, i32) {
    %c0_i32 = arith.constant 0 : i32
    %c0_i32_0 = arith.constant 0 : i32
    %c0_i32_1 = arith.constant 0 : i32
    return %c0_i32, %c0_i32_0 : i32, i32
  }
  func.func @transform_4(%arg0: i32) -> (i32, i32) {
    %c0_i32 = arith.constant 0 : i32
    %c0_i32_0 = arith.constant 0 : i32
    %c0_i32_1 = arith.constant 0 : i32
    return %c0_i32, %c0_i32_0 : i32, i32
  }
  func.func @transform_5(%arg0: i32) -> (i32, i32) {
    %c0_i32 = arith.constant 0 : i32
    %c0_i32_0 = arith.constant 0 : i32
    %c0_i32_1 = arith.constant 0 : i32
    return %c0_i32, %c0_i32_0 : i32, i32
  }
  func.func @transform_6(%arg0: i32) -> (i32, i32) {
    %c0_i32 = arith.constant 0 : i32
    %c0_i32_0 = arith.constant 0 : i32
    %c0_i32_1 = arith.constant 0 : i32
    return %c0_i32, %c0_i32_0 : i32, i32
  }
  func.func @transform_7(%arg0: i32) -> (i32, i32) {
    %c0_i32 = arith.constant 0 : i32
    %c0_i32_0 = arith.constant 0 : i32
    return %arg0, %c0_i32 : i32, i32
  }
  func.func @transform_8(%arg0: i32) -> (i32, i32) {
    %c0_i32 = arith.constant 0 : i32
    %c0_i32_0 = arith.constant 0 : i32
    %c0_i32_1 = arith.constant 0 : i32
    return %c0_i32, %c0_i32_0 : i32, i32
  }
  func.func @transform_9(%arg0: i32) -> (i32, i32) {
    %c0_i32 = arith.constant 0 : i32
    %c0_i32_0 = arith.constant 0 : i32
    %c0_i32_1 = arith.constant 0 : i32
    return %c0_i32, %c0_i32_0 : i32, i32
  }
}

module attributes {stable_mosaic.version = 14 : i64} {
  func.func @_lin1p2_body(%arg0: i32, %arg1: memref<1256x256xf32, #tpu.memory_space<vmem>>, %arg2: memref<256x256xf32, #tpu.memory_space<vmem>>, %arg3: memref<1x256xf32, #tpu.memory_space<vmem>>, %arg4: memref<1256x256xf32, #tpu.memory_space<vmem>>, %arg5: memref<2x256xf32, #tpu.memory_space<vmem>>) attributes {dimension_semantics = [#tpu.dimension_semantics<arbitrary>], iteration_bounds = array<i64: 18>, scalar_prefetch = 0 : i64, scratch_operands = 0 : i64, tpu.core_type = #tpu.core_type<tc>, window_params = [{transform_indices = @transform_0, window_bounds = array<i64: 1256, 256>}, {pipeline_mode = #tpu.pipeline_mode<synchronous>, transform_indices = @transform_1, window_bounds = array<i64: 256, 256>}, {pipeline_mode = #tpu.pipeline_mode<synchronous>, transform_indices = @transform_2, window_bounds = array<i64: 1, 256>}, {transform_indices = @transform_3, window_bounds = array<i64: 1256, 256>}, {pipeline_mode = #tpu.pipeline_mode<synchronous>, transform_indices = @transform_4, window_bounds = array<i64: 2, 256>}]} {
    %eq3A = arith.constant 0 : i32
    %eq3A_0 = arith.cmpi eq, %arg0, %eq3A : i32
    %convert_element_type3A = arith.extui %eq3A_0 : i1 to i32
    %cond3A = arith.constant 0 : i32
    %cond3A_1 = arith.cmpi ne, %convert_element_type3A, %cond3A : i32
    scf.if %cond3A_1 {
      %broadcast_in_dim3A_34 = arith.constant 0.000000e+00 : f32
      %broadcast_in_dim3A_35 = vector.broadcast %broadcast_in_dim3A_34 : f32 to vector<2x256xf32>
      %swap3A_36 = arith.constant 0 : index
      %swap3A_37 = arith.constant 0 : index
      %swap3A_38 = vector.load %arg5[%swap3A_36, %swap3A_37] : memref<2x256xf32, #tpu.memory_space<vmem>>, vector<2x256xf32>
      tpu.vector_store %arg5[%swap3A_36, %swap3A_37], %broadcast_in_dim3A_35 {strides = array<i32>} : memref<2x256xf32, #tpu.memory_space<vmem>>, vector<2x256xf32>,
    } else {
    }
    %get3A = arith.constant 0 : index
    %get3A_2 = arith.constant 0 : index
    %get3A_3 = vector.load %arg1[%get3A, %get3A_2] : memref<1256x256xf32, #tpu.memory_space<vmem>>, vector<1256x256xf32>
    %get3A_4 = arith.constant 0 : index
    %get3A_5 = arith.constant 0 : index
    %get3A_6 = vector.load %arg2[%get3A_4, %get3A_5] : memref<256x256xf32, #tpu.memory_space<vmem>>, vector<256x256xf32>
    %dot_general3A = arith.constant dense<0.000000e+00> : vector<1256x256xf32>
    %dot_general3A_7 = tpu.matmul %get3A_3, %get3A_6, %dot_general3A {dimension_numbers = #tpu.dot_dimension_numbers<[1], [0], [0], [1], [0, 0, 1, 1], [], []>, precision = #tpu.contract_precision<fp32>, transpose_lhs_hint = false} : vector<1256x256xf32>, vector<256x256xf32>, vector<1256x256xf32> -> vector<1256x256xf32>
    %get3A_8 = arith.constant 0 : index
    %get3A_9 = arith.constant 0 : index
    %get3A_10 = vector.load %arg3[%get3A_8, %get3A_9] : memref<1x256xf32, #tpu.memory_space<vmem>>, vector<1x256xf32>
    %add3A = vector.broadcast %get3A_10 : vector<1x256xf32> to vector<1256x256xf32>
    %add3A_11 = arith.addf %dot_general3A_7, %add3A : vector<1256x256xf32>
    %max3A = arith.constant 0.000000e+00 : f32
    %max3A_12 = vector.broadcast %max3A : f32 to vector<1256x256xf32>
    %max3A_13 = arith.maximumf %add3A_11, %max3A_12 : vector<1256x256xf32>
    %swap3A = arith.constant 0 : index
    %swap3A_14 = arith.constant 0 : index
    %swap3A_15 = vector.load %arg4[%swap3A, %swap3A_14] : memref<1256x256xf32, #tpu.memory_space<vmem>>, vector<1256x256xf32>
    tpu.vector_store %arg4[%swap3A, %swap3A_14], %max3A_13 {strides = array<i32>} : memref<1256x256xf32, #tpu.memory_space<vmem>>, vector<1256x256xf32>,
    %get3A_16 = arith.constant 0 : index
    %get3A_17 = arith.constant 0 : index
    %get3A_18 = vector.load %arg5[%get3A_16, %get3A_17] : memref<2x256xf32, #tpu.memory_space<vmem>>, vector<1x256xf32>
    %reduce_sum3A = arith.constant dense<0.000000e+00> : vector<256xf32>
    %reduce_sum3A_19 = vector.multi_reduction <add>, %max3A_13, %reduce_sum3A [0] : vector<1256x256xf32> to vector<256xf32>
    %broadcast_in_dim3A = vector.shape_cast %reduce_sum3A_19 : vector<256xf32> to vector<1x256xf32>
    %add3A_20 = arith.addf %get3A_18, %broadcast_in_dim3A : vector<1x256xf32>
    %swap3A_21 = arith.constant 0 : index
    %swap3A_22 = arith.constant 0 : index
    %swap3A_23 = vector.load %arg5[%swap3A_21, %swap3A_22] : memref<2x256xf32, #tpu.memory_space<vmem>>, vector<1x256xf32>
    tpu.vector_store %arg5[%swap3A_21, %swap3A_22], %add3A_20 {strides = array<i32>} : memref<2x256xf32, #tpu.memory_space<vmem>>, vector<1x256xf32>,
    %get3A_24 = arith.constant 1 : index
    %get3A_25 = arith.constant 0 : index
    %get3A_26 = vector.load %arg5[%get3A_24, %get3A_25] : memref<2x256xf32, #tpu.memory_space<vmem>>, vector<1x256xf32>
    %mul3A = arith.mulf %max3A_13, %max3A_13 : vector<1256x256xf32>
    %reduce_sum3A_27 = arith.constant dense<0.000000e+00> : vector<256xf32>
    %reduce_sum3A_28 = vector.multi_reduction <add>, %mul3A, %reduce_sum3A_27 [0] : vector<1256x256xf32> to vector<256xf32>
    %broadcast_in_dim3A_29 = vector.shape_cast %reduce_sum3A_28 : vector<256xf32> to vector<1x256xf32>
    %add3A_30 = arith.addf %get3A_26, %broadcast_in_dim3A_29 : vector<1x256xf32>
    %swap3A_31 = arith.constant 1 : index
    %swap3A_32 = arith.constant 0 : index
    %swap3A_33 = vector.load %arg5[%swap3A_31, %swap3A_32] : memref<2x256xf32, #tpu.memory_space<vmem>>, vector<1x256xf32>
    tpu.vector_store %arg5[%swap3A_31, %swap3A_32], %add3A_30 {strides = array<i32>} : memref<2x256xf32, #tpu.memory_space<vmem>>, vector<1x256xf32>,
    return
  }
  func.func @transform_0(%arg0: i32) -> (i32, i32) {
    %c0_i32 = arith.constant 0 : i32
    %c0_i32_0 = arith.constant 0 : i32
    return %arg0, %c0_i32 : i32, i32
  }
  func.func @transform_1(%arg0: i32) -> (i32, i32) {
    %c0_i32 = arith.constant 0 : i32
    %c0_i32_0 = arith.constant 0 : i32
    %c0_i32_1 = arith.constant 0 : i32
    return %c0_i32, %c0_i32_0 : i32, i32
  }
  func.func @transform_2(%arg0: i32) -> (i32, i32) {
    %c0_i32 = arith.constant 0 : i32
    %c0_i32_0 = arith.constant 0 : i32
    %c0_i32_1 = arith.constant 0 : i32
    return %c0_i32, %c0_i32_0 : i32, i32
  }
  func.func @transform_3(%arg0: i32) -> (i32, i32) {
    %c0_i32 = arith.constant 0 : i32
    %c0_i32_0 = arith.constant 0 : i32
    return %arg0, %c0_i32 : i32, i32
  }
  func.func @transform_4(%arg0: i32) -> (i32, i32) {
    %c0_i32 = arith.constant 0 : i32
    %c0_i32_0 = arith.constant 0 : i32
    %c0_i32_1 = arith.constant 0 : i32
    return %c0_i32, %c0_i32_0 : i32, i32
  }
}

module attributes {stable_mosaic.version = 14 : i64} {
  func.func @_lin1p2_body(%arg0: i32, %arg1: memref<1256x256xf32, #tpu.memory_space<vmem>>, %arg2: memref<256x1024xf32, #tpu.memory_space<vmem>>, %arg3: memref<1x1024xf32, #tpu.memory_space<vmem>>, %arg4: memref<1256x1024xf32, #tpu.memory_space<vmem>>, %arg5: memref<2x1024xf32, #tpu.memory_space<vmem>>) attributes {dimension_semantics = [#tpu.dimension_semantics<arbitrary>], iteration_bounds = array<i64: 18>, scalar_prefetch = 0 : i64, scratch_operands = 0 : i64, tpu.core_type = #tpu.core_type<tc>, window_params = [{transform_indices = @transform_0, window_bounds = array<i64: 1256, 256>}, {pipeline_mode = #tpu.pipeline_mode<synchronous>, transform_indices = @transform_1, window_bounds = array<i64: 256, 1024>}, {pipeline_mode = #tpu.pipeline_mode<synchronous>, transform_indices = @transform_2, window_bounds = array<i64: 1, 1024>}, {transform_indices = @transform_3, window_bounds = array<i64: 1256, 1024>}, {pipeline_mode = #tpu.pipeline_mode<synchronous>, transform_indices = @transform_4, window_bounds = array<i64: 2, 1024>}]} {
    %eq3A = arith.constant 0 : i32
    %eq3A_0 = arith.cmpi eq, %arg0, %eq3A : i32
    %convert_element_type3A = arith.extui %eq3A_0 : i1 to i32
    %cond3A = arith.constant 0 : i32
    %cond3A_1 = arith.cmpi ne, %convert_element_type3A, %cond3A : i32
    scf.if %cond3A_1 {
      %broadcast_in_dim3A_34 = arith.constant 0.000000e+00 : f32
      %broadcast_in_dim3A_35 = vector.broadcast %broadcast_in_dim3A_34 : f32 to vector<2x1024xf32>
      %swap3A_36 = arith.constant 0 : index
      %swap3A_37 = arith.constant 0 : index
      %swap3A_38 = vector.load %arg5[%swap3A_36, %swap3A_37] : memref<2x1024xf32, #tpu.memory_space<vmem>>, vector<2x1024xf32>
      tpu.vector_store %arg5[%swap3A_36, %swap3A_37], %broadcast_in_dim3A_35 {strides = array<i32>} : memref<2x1024xf32, #tpu.memory_space<vmem>>, vector<2x1024xf32>,
    } else {
    }
    %get3A = arith.constant 0 : index
    %get3A_2 = arith.constant 0 : index
    %get3A_3 = vector.load %arg1[%get3A, %get3A_2] : memref<1256x256xf32, #tpu.memory_space<vmem>>, vector<1256x256xf32>
    %get3A_4 = arith.constant 0 : index
    %get3A_5 = arith.constant 0 : index
    %get3A_6 = vector.load %arg2[%get3A_4, %get3A_5] : memref<256x1024xf32, #tpu.memory_space<vmem>>, vector<256x1024xf32>
    %dot_general3A = arith.constant dense<0.000000e+00> : vector<1256x1024xf32>
    %dot_general3A_7 = tpu.matmul %get3A_3, %get3A_6, %dot_general3A {dimension_numbers = #tpu.dot_dimension_numbers<[1], [0], [0], [1], [0, 0, 1, 1], [], []>, precision = #tpu.contract_precision<fp32>, transpose_lhs_hint = false} : vector<1256x256xf32>, vector<256x1024xf32>, vector<1256x1024xf32> -> vector<1256x1024xf32>
    %get3A_8 = arith.constant 0 : index
    %get3A_9 = arith.constant 0 : index
    %get3A_10 = vector.load %arg3[%get3A_8, %get3A_9] : memref<1x1024xf32, #tpu.memory_space<vmem>>, vector<1x1024xf32>
    %add3A = vector.broadcast %get3A_10 : vector<1x1024xf32> to vector<1256x1024xf32>
    %add3A_11 = arith.addf %dot_general3A_7, %add3A : vector<1256x1024xf32>
    %max3A = arith.constant 0.000000e+00 : f32
    %max3A_12 = vector.broadcast %max3A : f32 to vector<1256x1024xf32>
    %max3A_13 = arith.maximumf %add3A_11, %max3A_12 : vector<1256x1024xf32>
    %swap3A = arith.constant 0 : index
    %swap3A_14 = arith.constant 0 : index
    %swap3A_15 = vector.load %arg4[%swap3A, %swap3A_14] : memref<1256x1024xf32, #tpu.memory_space<vmem>>, vector<1256x1024xf32>
    tpu.vector_store %arg4[%swap3A, %swap3A_14], %max3A_13 {strides = array<i32>} : memref<1256x1024xf32, #tpu.memory_space<vmem>>, vector<1256x1024xf32>,
    %get3A_16 = arith.constant 0 : index
    %get3A_17 = arith.constant 0 : index
    %get3A_18 = vector.load %arg5[%get3A_16, %get3A_17] : memref<2x1024xf32, #tpu.memory_space<vmem>>, vector<1x1024xf32>
    %reduce_sum3A = arith.constant dense<0.000000e+00> : vector<1024xf32>
    %reduce_sum3A_19 = vector.multi_reduction <add>, %max3A_13, %reduce_sum3A [0] : vector<1256x1024xf32> to vector<1024xf32>
    %broadcast_in_dim3A = vector.shape_cast %reduce_sum3A_19 : vector<1024xf32> to vector<1x1024xf32>
    %add3A_20 = arith.addf %get3A_18, %broadcast_in_dim3A : vector<1x1024xf32>
    %swap3A_21 = arith.constant 0 : index
    %swap3A_22 = arith.constant 0 : index
    %swap3A_23 = vector.load %arg5[%swap3A_21, %swap3A_22] : memref<2x1024xf32, #tpu.memory_space<vmem>>, vector<1x1024xf32>
    tpu.vector_store %arg5[%swap3A_21, %swap3A_22], %add3A_20 {strides = array<i32>} : memref<2x1024xf32, #tpu.memory_space<vmem>>, vector<1x1024xf32>,
    %get3A_24 = arith.constant 1 : index
    %get3A_25 = arith.constant 0 : index
    %get3A_26 = vector.load %arg5[%get3A_24, %get3A_25] : memref<2x1024xf32, #tpu.memory_space<vmem>>, vector<1x1024xf32>
    %mul3A = arith.mulf %max3A_13, %max3A_13 : vector<1256x1024xf32>
    %reduce_sum3A_27 = arith.constant dense<0.000000e+00> : vector<1024xf32>
    %reduce_sum3A_28 = vector.multi_reduction <add>, %mul3A, %reduce_sum3A_27 [0] : vector<1256x1024xf32> to vector<1024xf32>
    %broadcast_in_dim3A_29 = vector.shape_cast %reduce_sum3A_28 : vector<1024xf32> to vector<1x1024xf32>
    %add3A_30 = arith.addf %get3A_26, %broadcast_in_dim3A_29 : vector<1x1024xf32>
    %swap3A_31 = arith.constant 1 : index
    %swap3A_32 = arith.constant 0 : index
    %swap3A_33 = vector.load %arg5[%swap3A_31, %swap3A_32] : memref<2x1024xf32, #tpu.memory_space<vmem>>, vector<1x1024xf32>
    tpu.vector_store %arg5[%swap3A_31, %swap3A_32], %add3A_30 {strides = array<i32>} : memref<2x1024xf32, #tpu.memory_space<vmem>>, vector<1x1024xf32>,
    return
  }
  func.func @transform_0(%arg0: i32) -> (i32, i32) {
    %c0_i32 = arith.constant 0 : i32
    %c0_i32_0 = arith.constant 0 : i32
    return %arg0, %c0_i32 : i32, i32
  }
  func.func @transform_1(%arg0: i32) -> (i32, i32) {
    %c0_i32 = arith.constant 0 : i32
    %c0_i32_0 = arith.constant 0 : i32
    %c0_i32_1 = arith.constant 0 : i32
    return %c0_i32, %c0_i32_0 : i32, i32
  }
  func.func @transform_2(%arg0: i32) -> (i32, i32) {
    %c0_i32 = arith.constant 0 : i32
    %c0_i32_0 = arith.constant 0 : i32
    %c0_i32_1 = arith.constant 0 : i32
    return %c0_i32, %c0_i32_0 : i32, i32
  }
  func.func @transform_3(%arg0: i32) -> (i32, i32) {
    %c0_i32 = arith.constant 0 : i32
    %c0_i32_0 = arith.constant 0 : i32
    return %arg0, %c0_i32 : i32, i32
  }
  func.func @transform_4(%arg0: i32) -> (i32, i32) {
    %c0_i32 = arith.constant 0 : i32
    %c0_i32_0 = arith.constant 0 : i32
    %c0_i32_1 = arith.constant 0 : i32
    return %c0_i32, %c0_i32_0 : i32, i32
  }
}

module attributes {stable_mosaic.version = 14 : i64} {
  func.func @_hand_gmax_body(%arg0: i32, %arg1: memref<1256x1024xf32, #tpu.memory_space<vmem>>, %arg2: memref<1x1024xf32, #tpu.memory_space<vmem>>, %arg3: memref<1x1024xf32, #tpu.memory_space<vmem>>, %arg4: memref<1x1x1256xf32, #tpu.memory_space<vmem>>, %arg5: memref<8x1024xf32, #tpu.memory_space<vmem>>) attributes {dimension_semantics = [#tpu.dimension_semantics<arbitrary>], iteration_bounds = array<i64: 18>, scalar_prefetch = 0 : i64, scratch_operands = 0 : i64, tpu.core_type = #tpu.core_type<tc>, window_params = [{transform_indices = @transform_0, window_bounds = array<i64: 1256, 1024>}, {pipeline_mode = #tpu.pipeline_mode<synchronous>, transform_indices = @transform_1, window_bounds = array<i64: 1, 1024>}, {pipeline_mode = #tpu.pipeline_mode<synchronous>, transform_indices = @transform_2, window_bounds = array<i64: 1, 1024>}, {transform_indices = @transform_3, window_bounds = array<i64: 1, 1, 1256>}, {pipeline_mode = #tpu.pipeline_mode<synchronous>, transform_indices = @transform_4, window_bounds = array<i64: 8, 1024>}]} {
    %eq3A = arith.constant 0 : i32
    %eq3A_0 = arith.cmpi eq, %arg0, %eq3A : i32
    %convert_element_type3A = arith.extui %eq3A_0 : i1 to i32
    %cond3A = arith.constant 0 : i32
    %cond3A_1 = arith.cmpi ne, %convert_element_type3A, %cond3A : i32
    scf.if %cond3A_1 {
      %broadcast_in_dim3A_129 = arith.constant -1.000000e+30 : f32
      %broadcast_in_dim3A_130 = vector.broadcast %broadcast_in_dim3A_129 : f32 to vector<8x1024xf32>
      %swap3A_131 = arith.constant 0 : index
      %swap3A_132 = arith.constant 0 : index
      %swap3A_133 = vector.load %arg5[%swap3A_131, %swap3A_132] : memref<8x1024xf32, #tpu.memory_space<vmem>>, vector<8x1024xf32>
      tpu.vector_store %arg5[%swap3A_131, %swap3A_132], %broadcast_in_dim3A_130 {strides = array<i32>} : memref<8x1024xf32, #tpu.memory_space<vmem>>, vector<8x1024xf32>,
    } else {
    }
    %get3A = arith.constant 0 : index
    %get3A_2 = arith.constant 0 : index
    %get3A_3 = vector.load %arg2[%get3A, %get3A_2] : memref<1x1024xf32, #tpu.memory_space<vmem>>, vector<1x1024xf32>
    %get3A_4 = arith.constant 0 : index
    %get3A_5 = arith.constant 0 : index
    %get3A_6 = vector.load %arg1[%get3A_4, %get3A_5] : memref<1256x1024xf32, #tpu.memory_space<vmem>>, vector<1256x1024xf32>
    %mul3A = vector.broadcast %get3A_3 : vector<1x1024xf32> to vector<1256x1024xf32>
    %mul3A_7 = arith.mulf %mul3A, %get3A_6 : vector<1256x1024xf32>
    %get3A_8 = arith.constant 0 : index
    %get3A_9 = arith.constant 0 : index
    %get3A_10 = vector.load %arg3[%get3A_8, %get3A_9] : memref<1x1024xf32, #tpu.memory_space<vmem>>, vector<1x1024xf32>
    %add3A = vector.broadcast %get3A_10 : vector<1x1024xf32> to vector<1256x1024xf32>
    %add3A_11 = arith.addf %mul3A_7, %add3A : vector<1256x1024xf32>
    %reduce_max3A = arith.constant dense<0xFF800000> : vector<1256xf32>
    %reduce_max3A_12 = vector.multi_reduction <maximumf>, %add3A_11, %reduce_max3A [1] : vector<1256x1024xf32> to vector<1256xf32>
    %swap3A = arith.constant 0 : index
    %swap3A_13 = arith.constant 0 : index
    %swap3A_14 = arith.constant 0 : index
    %swap3A_15 = vector.load %arg4[%swap3A, %swap3A_13, %swap3A_14] : memref<1x1x1256xf32, #tpu.memory_space<vmem>>, vector<1x1x1256xf32>
    %swap3A_16 = vector.shape_cast %swap3A_15 : vector<1x1x1256xf32> to vector<1256xf32>
    %swap3A_17 = vector.shape_cast %reduce_max3A_12 : vector<1256xf32> to vector<1x1x1256xf32>
    tpu.vector_store %arg4[%swap3A, %swap3A_13, %swap3A_14], %swap3A_17 {strides = array<i32>} : memref<1x1x1256xf32, #tpu.memory_space<vmem>>, vector<1x1x1256xf32>,
    %mul3A_18 = arith.constant 1256 : i32
    %mul3A_19 = arith.muli %arg0, %mul3A_18 : i32
    %iota3A = tpu.iota {dimensions = array<i32: 0>} : vector<1256x1xi32>
    %add3A_20 = vector.broadcast %mul3A_19 : i32 to vector<1256x1xi32>
    %add3A_21 = arith.addi %iota3A, %add3A_20 : vector<1256x1xi32>
    %jit3A = arith.constant 2826 : i32
    %div3A = vector.broadcast %jit3A : i32 to vector<1256x1xi32>
    %div3A_22 = arith.divsi %add3A_21, %div3A : vector<1256x1xi32>
    %sign3A = arith.constant 0 : i32
    %sign3A_23 = vector.broadcast %sign3A : i32 to vector<1256x1xi32>
    %sign3A_24 = arith.cmpi sgt, %add3A_21, %sign3A_23 : vector<1256x1xi32>
    %sign3A_25 = arith.extui %sign3A_24 : vector<1256x1xi1> to vector<1256x1xi32>
    %sign3A_26 = arith.constant 0 : i32
    %sign3A_27 = vector.broadcast %sign3A_26 : i32 to vector<1256x1xi32>
    %sign3A_28 = arith.cmpi slt, %add3A_21, %sign3A_27 : vector<1256x1xi32>
    %sign3A_29 = arith.extui %sign3A_28 : vector<1256x1xi1> to vector<1256x1xi32>
    %sign3A_30 = arith.subi %sign3A_25, %sign3A_29 : vector<1256x1xi32>
    %sign3A_31 = arith.constant 0 : i32
    %sign3A_32 = arith.cmpi sgt, %jit3A, %sign3A_31 : i32
    %sign3A_33 = arith.extui %sign3A_32 : i1 to i32
    %sign3A_34 = arith.constant 0 : i32
    %sign3A_35 = arith.cmpi slt, %jit3A, %sign3A_34 : i32
    %sign3A_36 = arith.extui %sign3A_35 : i1 to i32
    %sign3A_37 = arith.subi %sign3A_33, %sign3A_36 : i32
    %ne3A = vector.broadcast %sign3A_37 : i32 to vector<1256x1xi32>
    %ne3A_38 = arith.cmpi ne, %sign3A_30, %ne3A : vector<1256x1xi32>
    %rem3A = vector.broadcast %jit3A : i32 to vector<1256x1xi32>
    %rem3A_39 = arith.remsi %add3A_21, %rem3A : vector<1256x1xi32>
    %ne3A_40 = arith.constant 0 : i32
    %ne3A_41 = vector.broadcast %ne3A_40 : i32 to vector<1256x1xi32>
    %ne3A_42 = arith.cmpi ne, %rem3A_39, %ne3A_41 : vector<1256x1xi32>
    %and3A = arith.andi %ne3A_38, %ne3A_42 : vector<1256x1xi1>
    %sub3A = arith.constant 1 : i32
    %sub3A_43 = vector.broadcast %sub3A : i32 to vector<1256x1xi32>
    %sub3A_44 = arith.subi %div3A_22, %sub3A_43 : vector<1256x1xi32>
    %select_n3A = arith.select %and3A, %sub3A_44, %div3A_22 : vector<1256x1xi1>, vector<1256x1xi32>
    %jit3A_45 = arith.constant 2826 : i32
    %div3A_46 = arith.divsi %mul3A_19, %jit3A_45 : i32
    %sign3A_47 = arith.constant 0 : i32
    %sign3A_48 = arith.cmpi sgt, %mul3A_19, %sign3A_47 : i32
    %sign3A_49 = arith.extui %sign3A_48 : i1 to i32
    %sign3A_50 = arith.constant 0 : i32
    %sign3A_51 = arith.cmpi slt, %mul3A_19, %sign3A_50 : i32
    %sign3A_52 = arith.extui %sign3A_51 : i1 to i32
    %sign3A_53 = arith.subi %sign3A_49, %sign3A_52 : i32
    %sign3A_54 = arith.constant 0 : i32
    %sign3A_55 = arith.cmpi sgt, %jit3A_45, %sign3A_54 : i32
    %sign3A_56 = arith.extui %sign3A_55 : i1 to i32
    %sign3A_57 = arith.constant 0 : i32
    %sign3A_58 = arith.cmpi slt, %jit3A_45, %sign3A_57 : i32
    %sign3A_59 = arith.extui %sign3A_58 : i1 to i32
    %sign3A_60 = arith.subi %sign3A_56, %sign3A_59 : i32
    %ne3A_61 = arith.cmpi ne, %sign3A_53, %sign3A_60 : i32
    %rem3A_62 = arith.remsi %mul3A_19, %jit3A_45 : i32
    %ne3A_63 = arith.constant 0 : i32
    %ne3A_64 = arith.cmpi ne, %rem3A_62, %ne3A_63 : i32
    %and3A_65 = arith.andi %ne3A_61, %ne3A_64 : i1
    %sub3A_66 = arith.constant 1 : i32
    %sub3A_67 = arith.subi %div3A_46, %sub3A_66 : i32
    %select_n3A_68 = arith.select %and3A_65, %sub3A_67, %div3A_46 : i32
    %add3A_69 = arith.constant 1256 : i32
    %add3A_70 = arith.addi %mul3A_19, %add3A_69 : i32
    %sub3A_71 = arith.constant 1 : i32
    %sub3A_72 = arith.subi %add3A_70, %sub3A_71 : i32
    %jit3A_73 = arith.constant 2826 : i32
    %div3A_74 = arith.divsi %sub3A_72, %jit3A_73 : i32
    %sign3A_75 = arith.constant 0 : i32
    %sign3A_76 = arith.cmpi sgt, %sub3A_72, %sign3A_75 : i32
    %sign3A_77 = arith.extui %sign3A_76 : i1 to i32
    %sign3A_78 = arith.constant 0 : i32
    %sign3A_79 = arith.cmpi slt, %sub3A_72, %sign3A_78 : i32
    %sign3A_80 = arith.extui %sign3A_79 : i1 to i32
    %sign3A_81 = arith.subi %sign3A_77, %sign3A_80 : i32
    %sign3A_82 = arith.constant 0 : i32
    %sign3A_83 = arith.cmpi sgt, %jit3A_73, %sign3A_82 : i32
    %sign3A_84 = arith.extui %sign3A_83 : i1 to i32
    %sign3A_85 = arith.constant 0 : i32
    %sign3A_86 = arith.cmpi slt, %jit3A_73, %sign3A_85 : i32
    %sign3A_87 = arith.extui %sign3A_86 : i1 to i32
    %sign3A_88 = arith.subi %sign3A_84, %sign3A_87 : i32
    %ne3A_89 = arith.cmpi ne, %sign3A_81, %sign3A_88 : i32
    %rem3A_90 = arith.remsi %sub3A_72, %jit3A_73 : i32
    %ne3A_91 = arith.constant 0 : i32
    %ne3A_92 = arith.cmpi ne, %rem3A_90, %ne3A_91 : i32
    %and3A_93 = arith.andi %ne3A_89, %ne3A_92 : i1
    %sub3A_94 = arith.constant 1 : i32
    %sub3A_95 = arith.subi %div3A_74, %sub3A_94 : i32
    %select_n3A_96 = arith.select %and3A_93, %sub3A_95, %div3A_74 : i32
    %eq3A_97 = vector.broadcast %select_n3A_68 : i32 to vector<1256x1xi32>
    %eq3A_98 = arith.cmpi eq, %select_n3A, %eq3A_97 : vector<1256x1xi32>
    %jit3A_99 = arith.constant -1.000000e+30 : f32
    %broadcast_in_dim3A = vector.shape_cast %eq3A_98 : vector<1256x1xi1> to vector<1256x1xi1>
    %broadcast_in_dim3A_100 = vector.broadcast %broadcast_in_dim3A : vector<1256x1xi1> to vector<1256x1024xi1>
    %broadcast_in_dim3A_101 = vector.broadcast %jit3A_99 : f32 to vector<1256x1024xf32>
    %select_n3A_102 = arith.select %broadcast_in_dim3A_100, %add3A_11, %broadcast_in_dim3A_101 : vector<1256x1024xi1>, vector<1256x1024xf32>
    %reduce_max3A_103 = arith.constant dense<0xFF800000> : vector<1024xf32>
    %reduce_max3A_104 = vector.multi_reduction <maximumf>, %select_n3A_102, %reduce_max3A_103 [0] : vector<1256x1024xf32> to vector<1024xf32>
    %broadcast_in_dim3A_105 = vector.shape_cast %reduce_max3A_104 : vector<1024xf32> to vector<1x1024xf32>
    %get3A_106 = arith.index_cast %select_n3A_68 : i32 to index
    %get3A_107 = arith.constant 0 : index
    %get3A_108 = vector.load %arg5[%get3A_106, %get3A_107] : memref<8x1024xf32, #tpu.memory_space<vmem>>, vector<1x1024xf32>
    %max3A = arith.maximumf %get3A_108, %broadcast_in_dim3A_105 : vector<1x1024xf32>
    %swap3A_109 = arith.index_cast %select_n3A_68 : i32 to index
    %swap3A_110 = arith.constant 0 : index
    %swap3A_111 = vector.load %arg5[%swap3A_109, %swap3A_110] : memref<8x1024xf32, #tpu.memory_space<vmem>>, vector<1x1024xf32>
    tpu.vector_store %arg5[%swap3A_109, %swap3A_110], %max3A {strides = array<i32>} : memref<8x1024xf32, #tpu.memory_space<vmem>>, vector<1x1024xf32>,
    %eq3A_112 = vector.broadcast %select_n3A_96 : i32 to vector<1256x1xi32>
    %eq3A_113 = arith.cmpi eq, %select_n3A, %eq3A_112 : vector<1256x1xi32>
    %jit3A_114 = arith.constant -1.000000e+30 : f32
    %broadcast_in_dim3A_115 = vector.shape_cast %eq3A_113 : vector<1256x1xi1> to vector<1256x1xi1>
    %broadcast_in_dim3A_116 = vector.broadcast %broadcast_in_dim3A_115 : vector<1256x1xi1> to vector<1256x1024xi1>
    %broadcast_in_dim3A_117 = vector.broadcast %jit3A_114 : f32 to vector<1256x1024xf32>
    %select_n3A_118 = arith.select %broadcast_in_dim3A_116, %add3A_11, %broadcast_in_dim3A_117 : vector<1256x1024xi1>, vector<1256x1024xf32>
    %reduce_max3A_119 = arith.constant dense<0xFF800000> : vector<1024xf32>
    %reduce_max3A_120 = vector.multi_reduction <maximumf>, %select_n3A_118, %reduce_max3A_119 [0] : vector<1256x1024xf32> to vector<1024xf32>
    %broadcast_in_dim3A_121 = vector.shape_cast %reduce_max3A_120 : vector<1024xf32> to vector<1x1024xf32>
    %get3A_122 = arith.index_cast %select_n3A_96 : i32 to index
    %get3A_123 = arith.constant 0 : index
    %get3A_124 = vector.load %arg5[%get3A_122, %get3A_123] : memref<8x1024xf32, #tpu.memory_space<vmem>>, vector<1x1024xf32>
    %max3A_125 = arith.maximumf %get3A_124, %broadcast_in_dim3A_121 : vector<1x1024xf32>
    %swap3A_126 = arith.index_cast %select_n3A_96 : i32 to index
    %swap3A_127 = arith.constant 0 : index
    %swap3A_128 = vector.load %arg5[%swap3A_126, %swap3A_127] : memref<8x1024xf32, #tpu.memory_space<vmem>>, vector<1x1024xf32>
    tpu.vector_store %arg5[%swap3A_126, %swap3A_127], %max3A_125 {strides = array<i32>} : memref<8x1024xf32, #tpu.memory_space<vmem>>, vector<1x1024xf32>,
    return
  }
  func.func @transform_0(%arg0: i32) -> (i32, i32) {
    %c0_i32 = arith.constant 0 : i32
    %c0_i32_0 = arith.constant 0 : i32
    return %arg0, %c0_i32 : i32, i32
  }
  func.func @transform_1(%arg0: i32) -> (i32, i32) {
    %c0_i32 = arith.constant 0 : i32
    %c0_i32_0 = arith.constant 0 : i32
    %c0_i32_1 = arith.constant 0 : i32
    return %c0_i32, %c0_i32_0 : i32, i32
  }
  func.func @transform_2(%arg0: i32) -> (i32, i32) {
    %c0_i32 = arith.constant 0 : i32
    %c0_i32_0 = arith.constant 0 : i32
    %c0_i32_1 = arith.constant 0 : i32
    return %c0_i32, %c0_i32_0 : i32, i32
  }
  func.func @transform_3(%arg0: i32) -> (i32, i32, i32) {
    %c0_i32 = arith.constant 0 : i32
    %c0_i32_0 = arith.constant 0 : i32
    %c0_i32_1 = arith.constant 0 : i32
    return %arg0, %c0_i32, %c0_i32_0 : i32, i32, i32
  }
  func.func @transform_4(%arg0: i32) -> (i32, i32) {
    %c0_i32 = arith.constant 0 : i32
    %c0_i32_0 = arith.constant 0 : i32
    %c0_i32_1 = arith.constant 0 : i32
    return %c0_i32, %c0_i32_0 : i32, i32
  }
}

module attributes {stable_mosaic.version = 14 : i64} {
  func.func @_head_body(%arg0: memref<8x1024xf32, #tpu.memory_space<vmem>>, %arg1: memref<8x896xf32, #tpu.memory_space<vmem>>, %arg2: memref<1024x256xf32, #tpu.memory_space<vmem>>, %arg3: memref<1x256xf32, #tpu.memory_space<vmem>>, %arg4: memref<896x256xf32, #tpu.memory_space<vmem>>, %arg5: memref<1x256xf32, #tpu.memory_space<vmem>>, %arg6: memref<256x128xf32, #tpu.memory_space<vmem>>, %arg7: memref<1x128xf32, #tpu.memory_space<vmem>>, %arg8: memref<128x64xf32, #tpu.memory_space<vmem>>, %arg9: memref<1x64xf32, #tpu.memory_space<vmem>>, %arg10: memref<64x15xf32, #tpu.memory_space<vmem>>, %arg11: memref<1x15xf32, #tpu.memory_space<vmem>>, %arg12: memref<8x256xf32, #tpu.memory_space<vmem>>, %arg13: memref<8x15xf32, #tpu.memory_space<vmem>>) attributes {dimension_semantics = [], scalar_prefetch = 0 : i64, scratch_operands = 0 : i64, tpu.core_type = #tpu.core_type<tc>} {
    %get3A = arith.constant 0 : index
    %get3A_0 = arith.constant 0 : index
    %get3A_1 = vector.load %arg0[%get3A, %get3A_0] : memref<8x1024xf32, #tpu.memory_space<vmem>>, vector<8x1024xf32>
    %get3A_2 = arith.constant 0 : index
    %get3A_3 = arith.constant 0 : index
    %get3A_4 = vector.load %arg2[%get3A_2, %get3A_3] : memref<1024x256xf32, #tpu.memory_space<vmem>>, vector<1024x256xf32>
    %dot_general3A = arith.constant dense<0.000000e+00> : vector<8x256xf32>
    %dot_general3A_5 = tpu.matmul %get3A_1, %get3A_4, %dot_general3A {dimension_numbers = #tpu.dot_dimension_numbers<[1], [0], [0], [1], [0, 0, 1, 1], [], []>, precision = #tpu.contract_precision<fp32>, transpose_lhs_hint = false} : vector<8x1024xf32>, vector<1024x256xf32>, vector<8x256xf32> -> vector<8x256xf32>
    %get3A_6 = arith.constant 0 : index
    %get3A_7 = arith.constant 0 : index
    %get3A_8 = vector.load %arg3[%get3A_6, %get3A_7] : memref<1x256xf32, #tpu.memory_space<vmem>>, vector<1x256xf32>
    %add3A = vector.broadcast %get3A_8 : vector<1x256xf32> to vector<8x256xf32>
    %add3A_9 = arith.addf %dot_general3A_5, %add3A : vector<8x256xf32>
    %swap3A = arith.constant 0 : index
    %swap3A_10 = arith.constant 0 : index
    %swap3A_11 = vector.load %arg12[%swap3A, %swap3A_10] : memref<8x256xf32, #tpu.memory_space<vmem>>, vector<8x256xf32>
    tpu.vector_store %arg12[%swap3A, %swap3A_10], %add3A_9 {strides = array<i32>} : memref<8x256xf32, #tpu.memory_space<vmem>>, vector<8x256xf32>,
    %get3A_12 = arith.constant 0 : index
    %get3A_13 = arith.constant 0 : index
    %get3A_14 = vector.load %arg1[%get3A_12, %get3A_13] : memref<8x896xf32, #tpu.memory_space<vmem>>, vector<8x896xf32>
    %get3A_15 = arith.constant 0 : index
    %get3A_16 = arith.constant 0 : index
    %get3A_17 = vector.load %arg4[%get3A_15, %get3A_16] : memref<896x256xf32, #tpu.memory_space<vmem>>, vector<896x256xf32>
    %dot_general3A_18 = arith.constant dense<0.000000e+00> : vector<8x256xf32>
    %dot_general3A_19 = tpu.matmul %get3A_14, %get3A_17, %dot_general3A_18 {dimension_numbers = #tpu.dot_dimension_numbers<[1], [0], [0], [1], [0, 0, 1, 1], [], []>, precision = #tpu.contract_precision<fp32>, transpose_lhs_hint = false} : vector<8x896xf32>, vector<896x256xf32>, vector<8x256xf32> -> vector<8x256xf32>
    %get3A_20 = arith.constant 0 : index
    %get3A_21 = arith.constant 0 : index
    %get3A_22 = vector.load %arg5[%get3A_20, %get3A_21] : memref<1x256xf32, #tpu.memory_space<vmem>>, vector<1x256xf32>
    %add3A_23 = vector.broadcast %get3A_22 : vector<1x256xf32> to vector<8x256xf32>
    %add3A_24 = arith.addf %dot_general3A_19, %add3A_23 : vector<8x256xf32>
    %max3A = arith.constant 0.000000e+00 : f32
    %max3A_25 = vector.broadcast %max3A : f32 to vector<8x256xf32>
    %max3A_26 = arith.maximumf %add3A_24, %max3A_25 : vector<8x256xf32>
    %reduce_sum3A = arith.constant dense<0.000000e+00> : vector<256xf32>
    %reduce_sum3A_27 = vector.multi_reduction <add>, %max3A_26, %reduce_sum3A [0] : vector<8x256xf32> to vector<256xf32>
    %broadcast_in_dim3A = vector.shape_cast %reduce_sum3A_27 : vector<256xf32> to vector<1x256xf32>
    %div3A = arith.constant 8.000000e+00 : f32
    %div3A_28 = vector.broadcast %div3A : f32 to vector<1x256xf32>
    %div3A_29 = arith.divf %broadcast_in_dim3A, %div3A_28 : vector<1x256xf32>
    %mul3A = arith.mulf %max3A_26, %max3A_26 : vector<8x256xf32>
    %reduce_sum3A_30 = arith.constant dense<0.000000e+00> : vector<256xf32>
    %reduce_sum3A_31 = vector.multi_reduction <add>, %mul3A, %reduce_sum3A_30 [0] : vector<8x256xf32> to vector<256xf32>
    %broadcast_in_dim3A_32 = vector.shape_cast %reduce_sum3A_31 : vector<256xf32> to vector<1x256xf32>
    %div3A_33 = arith.constant 8.000000e+00 : f32
    %div3A_34 = vector.broadcast %div3A_33 : f32 to vector<1x256xf32>
    %div3A_35 = arith.divf %broadcast_in_dim3A_32, %div3A_34 : vector<1x256xf32>
    %mul3A_36 = arith.mulf %div3A_29, %div3A_29 : vector<1x256xf32>
    %sub3A = arith.subf %div3A_35, %mul3A_36 : vector<1x256xf32>
    %sub3A_37 = vector.broadcast %div3A_29 : vector<1x256xf32> to vector<8x256xf32>
    %sub3A_38 = arith.subf %max3A_26, %sub3A_37 : vector<8x256xf32>
    %add3A_39 = arith.constant 9.99999974E-6 : f32
    %add3A_40 = vector.broadcast %add3A_39 : f32 to vector<1x256xf32>
    %add3A_41 = arith.addf %sub3A, %add3A_40 : vector<1x256xf32>
    %rsqrt3A = math.rsqrt %add3A_41 : vector<1x256xf32>
    %mul3A_42 = vector.broadcast %rsqrt3A : vector<1x256xf32> to vector<8x256xf32>
    %mul3A_43 = arith.mulf %sub3A_38, %mul3A_42 : vector<8x256xf32>
    %get3A_44 = arith.constant 0 : index
    %get3A_45 = arith.constant 0 : index
    %get3A_46 = vector.load %arg6[%get3A_44, %get3A_45] : memref<256x128xf32, #tpu.memory_space<vmem>>, vector<256x128xf32>
    %dot_general3A_47 = arith.constant dense<0.000000e+00> : vector<8x128xf32>
    %dot_general3A_48 = tpu.matmul %mul3A_43, %get3A_46, %dot_general3A_47 {dimension_numbers = #tpu.dot_dimension_numbers<[1], [0], [0], [1], [0, 0, 1, 1], [], []>, precision = #tpu.contract_precision<fp32>, transpose_lhs_hint = false} : vector<8x256xf32>, vector<256x128xf32>, vector<8x128xf32> -> vector<8x128xf32>
    %get3A_49 = arith.constant 0 : index
    %get3A_50 = arith.constant 0 : index
    %get3A_51 = vector.load %arg7[%get3A_49, %get3A_50] : memref<1x128xf32, #tpu.memory_space<vmem>>, vector<1x128xf32>
    %add3A_52 = vector.broadcast %get3A_51 : vector<1x128xf32> to vector<8x128xf32>
    %add3A_53 = arith.addf %dot_general3A_48, %add3A_52 : vector<8x128xf32>
    %max3A_54 = arith.constant 0.000000e+00 : f32
    %max3A_55 = vector.broadcast %max3A_54 : f32 to vector<8x128xf32>
    %max3A_56 = arith.maximumf %add3A_53, %max3A_55 : vector<8x128xf32>
    %reduce_sum3A_57 = arith.constant dense<0.000000e+00> : vector<128xf32>
    %reduce_sum3A_58 = vector.multi_reduction <add>, %max3A_56, %reduce_sum3A_57 [0] : vector<8x128xf32> to vector<128xf32>
    %broadcast_in_dim3A_59 = vector.shape_cast %reduce_sum3A_58 : vector<128xf32> to vector<1x128xf32>
    %div3A_60 = arith.constant 8.000000e+00 : f32
    %div3A_61 = vector.broadcast %div3A_60 : f32 to vector<1x128xf32>
    %div3A_62 = arith.divf %broadcast_in_dim3A_59, %div3A_61 : vector<1x128xf32>
    %mul3A_63 = arith.mulf %max3A_56, %max3A_56 : vector<8x128xf32>
    %reduce_sum3A_64 = arith.constant dense<0.000000e+00> : vector<128xf32>
    %reduce_sum3A_65 = vector.multi_reduction <add>, %mul3A_63, %reduce_sum3A_64 [0] : vector<8x128xf32> to vector<128xf32>
    %broadcast_in_dim3A_66 = vector.shape_cast %reduce_sum3A_65 : vector<128xf32> to vector<1x128xf32>
    %div3A_67 = arith.constant 8.000000e+00 : f32
    %div3A_68 = vector.broadcast %div3A_67 : f32 to vector<1x128xf32>
    %div3A_69 = arith.divf %broadcast_in_dim3A_66, %div3A_68 : vector<1x128xf32>
    %mul3A_70 = arith.mulf %div3A_62, %div3A_62 : vector<1x128xf32>
    %sub3A_71 = arith.subf %div3A_69, %mul3A_70 : vector<1x128xf32>
    %sub3A_72 = vector.broadcast %div3A_62 : vector<1x128xf32> to vector<8x128xf32>
    %sub3A_73 = arith.subf %max3A_56, %sub3A_72 : vector<8x128xf32>
    %add3A_74 = arith.constant 9.99999974E-6 : f32
    %add3A_75 = vector.broadcast %add3A_74 : f32 to vector<1x128xf32>
    %add3A_76 = arith.addf %sub3A_71, %add3A_75 : vector<1x128xf32>
    %rsqrt3A_77 = math.rsqrt %add3A_76 : vector<1x128xf32>
    %mul3A_78 = vector.broadcast %rsqrt3A_77 : vector<1x128xf32> to vector<8x128xf32>
    %mul3A_79 = arith.mulf %sub3A_73, %mul3A_78 : vector<8x128xf32>
    %get3A_80 = arith.constant 0 : index
    %get3A_81 = arith.constant 0 : index
    %get3A_82 = vector.load %arg8[%get3A_80, %get3A_81] : memref<128x64xf32, #tpu.memory_space<vmem>>, vector<128x64xf32>
    %dot_general3A_83 = arith.constant dense<0.000000e+00> : vector<8x64xf32>
    %dot_general3A_84 = tpu.matmul %mul3A_79, %get3A_82, %dot_general3A_83 {dimension_numbers = #tpu.dot_dimension_numbers<[1], [0], [0], [1], [0, 0, 1, 1], [], []>, precision = #tpu.contract_precision<fp32>, transpose_lhs_hint = false} : vector<8x128xf32>, vector<128x64xf32>, vector<8x64xf32> -> vector<8x64xf32>
    %get3A_85 = arith.constant 0 : index
    %get3A_86 = arith.constant 0 : index
    %get3A_87 = vector.load %arg9[%get3A_85, %get3A_86] : memref<1x64xf32, #tpu.memory_space<vmem>>, vector<1x64xf32>
    %add3A_88 = vector.broadcast %get3A_87 : vector<1x64xf32> to vector<8x64xf32>
    %add3A_89 = arith.addf %dot_general3A_84, %add3A_88 : vector<8x64xf32>
    %max3A_90 = arith.constant 0.000000e+00 : f32
    %max3A_91 = vector.broadcast %max3A_90 : f32 to vector<8x64xf32>
    %max3A_92 = arith.maximumf %add3A_89, %max3A_91 : vector<8x64xf32>
    %reduce_sum3A_93 = arith.constant dense<0.000000e+00> : vector<64xf32>
    %reduce_sum3A_94 = vector.multi_reduction <add>, %max3A_92, %reduce_sum3A_93 [0] : vector<8x64xf32> to vector<64xf32>
    %broadcast_in_dim3A_95 = vector.shape_cast %reduce_sum3A_94 : vector<64xf32> to vector<1x64xf32>
    %div3A_96 = arith.constant 8.000000e+00 : f32
    %div3A_97 = vector.broadcast %div3A_96 : f32 to vector<1x64xf32>
    %div3A_98 = arith.divf %broadcast_in_dim3A_95, %div3A_97 : vector<1x64xf32>
    %mul3A_99 = arith.mulf %max3A_92, %max3A_92 : vector<8x64xf32>
    %reduce_sum3A_100 = arith.constant dense<0.000000e+00> : vector<64xf32>
    %reduce_sum3A_101 = vector.multi_reduction <add>, %mul3A_99, %reduce_sum3A_100 [0] : vector<8x64xf32> to vector<64xf32>
    %broadcast_in_dim3A_102 = vector.shape_cast %reduce_sum3A_101 : vector<64xf32> to vector<1x64xf32>
    %div3A_103 = arith.constant 8.000000e+00 : f32
    %div3A_104 = vector.broadcast %div3A_103 : f32 to vector<1x64xf32>
    %div3A_105 = arith.divf %broadcast_in_dim3A_102, %div3A_104 : vector<1x64xf32>
    %mul3A_106 = arith.mulf %div3A_98, %div3A_98 : vector<1x64xf32>
    %sub3A_107 = arith.subf %div3A_105, %mul3A_106 : vector<1x64xf32>
    %sub3A_108 = vector.broadcast %div3A_98 : vector<1x64xf32> to vector<8x64xf32>
    %sub3A_109 = arith.subf %max3A_92, %sub3A_108 : vector<8x64xf32>
    %add3A_110 = arith.constant 9.99999974E-6 : f32
    %add3A_111 = vector.broadcast %add3A_110 : f32 to vector<1x64xf32>
    %add3A_112 = arith.addf %sub3A_107, %add3A_111 : vector<1x64xf32>
    %rsqrt3A_113 = math.rsqrt %add3A_112 : vector<1x64xf32>
    %mul3A_114 = vector.broadcast %rsqrt3A_113 : vector<1x64xf32> to vector<8x64xf32>
    %mul3A_115 = arith.mulf %sub3A_109, %mul3A_114 : vector<8x64xf32>
    %get3A_116 = arith.constant 0 : index
    %get3A_117 = arith.constant 0 : index
    %get3A_118 = vector.load %arg10[%get3A_116, %get3A_117] : memref<64x15xf32, #tpu.memory_space<vmem>>, vector<64x15xf32>
    %dot_general3A_119 = arith.constant dense<0.000000e+00> : vector<8x15xf32>
    %dot_general3A_120 = tpu.matmul %mul3A_115, %get3A_118, %dot_general3A_119 {dimension_numbers = #tpu.dot_dimension_numbers<[1], [0], [0], [1], [0, 0, 1, 1], [], []>, precision = #tpu.contract_precision<fp32>, transpose_lhs_hint = false} : vector<8x64xf32>, vector<64x15xf32>, vector<8x15xf32> -> vector<8x15xf32>
    %get3A_121 = arith.constant 0 : index
    %get3A_122 = arith.constant 0 : index
    %get3A_123 = vector.load %arg11[%get3A_121, %get3A_122] : memref<1x15xf32, #tpu.memory_space<vmem>>, vector<1x15xf32>
    %add3A_124 = vector.broadcast %get3A_123 : vector<1x15xf32> to vector<8x15xf32>
    %add3A_125 = arith.addf %dot_general3A_120, %add3A_124 : vector<8x15xf32>
    %swap3A_126 = arith.constant 0 : index
    %swap3A_127 = arith.constant 0 : index
    %swap3A_128 = vector.load %arg13[%swap3A_126, %swap3A_127] : memref<8x15xf32, #tpu.memory_space<vmem>>, vector<8x15xf32>
    tpu.vector_store %arg13[%swap3A_126, %swap3A_127], %add3A_125 {strides = array<i32>} : memref<8x15xf32, #tpu.memory_space<vmem>>, vector<8x15xf32>,
    return
  }
}

module attributes {stable_mosaic.version = 14 : i64} {
  func.func @_mlp1_body(%arg0: i32, %arg1: memref<1256x256xf32, #tpu.memory_space<vmem>>, %arg2: memref<1256x28xf32, #tpu.memory_space<vmem>>, %arg3: memref<256x256xf32, #tpu.memory_space<vmem>>, %arg4: memref<28x256xf32, #tpu.memory_space<vmem>>, %arg5: memref<8x256xf32, #tpu.memory_space<vmem>>, %arg6: memref<1256x256xf32, #tpu.memory_space<vmem>>, %arg7: memref<2x256xf32, #tpu.memory_space<vmem>>) attributes {dimension_semantics = [#tpu.dimension_semantics<arbitrary>], iteration_bounds = array<i64: 18>, scalar_prefetch = 0 : i64, scratch_operands = 0 : i64, tpu.core_type = #tpu.core_type<tc>, window_params = [{transform_indices = @transform_0, window_bounds = array<i64: 1256, 256>}, {transform_indices = @transform_1, window_bounds = array<i64: 1256, 28>}, {pipeline_mode = #tpu.pipeline_mode<synchronous>, transform_indices = @transform_2, window_bounds = array<i64: 256, 256>}, {pipeline_mode = #tpu.pipeline_mode<synchronous>, transform_indices = @transform_3, window_bounds = array<i64: 28, 256>}, {pipeline_mode = #tpu.pipeline_mode<synchronous>, transform_indices = @transform_4, window_bounds = array<i64: 8, 256>}, {transform_indices = @transform_5, window_bounds = array<i64: 1256, 256>}, {pipeline_mode = #tpu.pipeline_mode<synchronous>, transform_indices = @transform_6, window_bounds = array<i64: 2, 256>}]} {
    %eq3A = arith.constant 0 : i32
    %eq3A_0 = arith.cmpi eq, %arg0, %eq3A : i32
    %convert_element_type3A = arith.extui %eq3A_0 : i1 to i32
    %cond3A = arith.constant 0 : i32
    %cond3A_1 = arith.cmpi ne, %convert_element_type3A, %cond3A : i32
    scf.if %cond3A_1 {
      %broadcast_in_dim3A_147 = arith.constant 0.000000e+00 : f32
      %broadcast_in_dim3A_148 = vector.broadcast %broadcast_in_dim3A_147 : f32 to vector<2x256xf32>
      %swap3A_149 = arith.constant 0 : index
      %swap3A_150 = arith.constant 0 : index
      %swap3A_151 = vector.load %arg7[%swap3A_149, %swap3A_150] : memref<2x256xf32, #tpu.memory_space<vmem>>, vector<2x256xf32>
      tpu.vector_store %arg7[%swap3A_149, %swap3A_150], %broadcast_in_dim3A_148 {strides = array<i32>} : memref<2x256xf32, #tpu.memory_space<vmem>>, vector<2x256xf32>,
    } else {
    }
    %get3A = arith.constant 0 : index
    %get3A_2 = arith.constant 0 : index
    %get3A_3 = vector.load %arg1[%get3A, %get3A_2] : memref<1256x256xf32, #tpu.memory_space<vmem>>, vector<1256x256xf32>
    %get3A_4 = arith.constant 0 : index
    %get3A_5 = arith.constant 0 : index
    %get3A_6 = vector.load %arg3[%get3A_4, %get3A_5] : memref<256x256xf32, #tpu.memory_space<vmem>>, vector<256x256xf32>
    %dot_general3A = arith.constant dense<0.000000e+00> : vector<1256x256xf32>
    %dot_general3A_7 = tpu.matmul %get3A_3, %get3A_6, %dot_general3A {dimension_numbers = #tpu.dot_dimension_numbers<[1], [0], [0], [1], [0, 0, 1, 1], [], []>, precision = #tpu.contract_precision<fp32>, transpose_lhs_hint = false} : vector<1256x256xf32>, vector<256x256xf32>, vector<1256x256xf32> -> vector<1256x256xf32>
    %get3A_8 = arith.constant 0 : index
    %get3A_9 = arith.constant 0 : index
    %get3A_10 = vector.load %arg2[%get3A_8, %get3A_9] : memref<1256x28xf32, #tpu.memory_space<vmem>>, vector<1256x28xf32>
    %get3A_11 = arith.constant 0 : index
    %get3A_12 = arith.constant 0 : index
    %get3A_13 = vector.load %arg4[%get3A_11, %get3A_12] : memref<28x256xf32, #tpu.memory_space<vmem>>, vector<28x256xf32>
    %dot_general3A_14 = arith.constant dense<0.000000e+00> : vector<1256x256xf32>
    %dot_general3A_15 = tpu.matmul %get3A_10, %get3A_13, %dot_general3A_14 {dimension_numbers = #tpu.dot_dimension_numbers<[1], [0], [0], [1], [0, 0, 1, 1], [], []>, precision = #tpu.contract_precision<fp32>, transpose_lhs_hint = false} : vector<1256x28xf32>, vector<28x256xf32>, vector<1256x256xf32> -> vector<1256x256xf32>
    %add3A = arith.addf %dot_general3A_7, %dot_general3A_15 : vector<1256x256xf32>
    %mul3A = arith.constant 1256 : i32
    %mul3A_16 = arith.muli %arg0, %mul3A : i32
    %iota3A = tpu.iota {dimensions = array<i32: 0>} : vector<1256x1xi32>
    %add3A_17 = vector.broadcast %mul3A_16 : i32 to vector<1256x1xi32>
    %add3A_18 = arith.addi %iota3A, %add3A_17 : vector<1256x1xi32>
    %jit3A = arith.constant 2826 : i32
    %div3A = vector.broadcast %jit3A : i32 to vector<1256x1xi32>
    %div3A_19 = arith.divsi %add3A_18, %div3A : vector<1256x1xi32>
    %sign3A = arith.constant 0 : i32
    %sign3A_20 = vector.broadcast %sign3A : i32 to vector<1256x1xi32>
    %sign3A_21 = arith.cmpi sgt, %add3A_18, %sign3A_20 : vector<1256x1xi32>
    %sign3A_22 = arith.extui %sign3A_21 : vector<1256x1xi1> to vector<1256x1xi32>
    %sign3A_23 = arith.constant 0 : i32
    %sign3A_24 = vector.broadcast %sign3A_23 : i32 to vector<1256x1xi32>
    %sign3A_25 = arith.cmpi slt, %add3A_18, %sign3A_24 : vector<1256x1xi32>
    %sign3A_26 = arith.extui %sign3A_25 : vector<1256x1xi1> to vector<1256x1xi32>
    %sign3A_27 = arith.subi %sign3A_22, %sign3A_26 : vector<1256x1xi32>
    %sign3A_28 = arith.constant 0 : i32
    %sign3A_29 = arith.cmpi sgt, %jit3A, %sign3A_28 : i32
    %sign3A_30 = arith.extui %sign3A_29 : i1 to i32
    %sign3A_31 = arith.constant 0 : i32
    %sign3A_32 = arith.cmpi slt, %jit3A, %sign3A_31 : i32
    %sign3A_33 = arith.extui %sign3A_32 : i1 to i32
    %sign3A_34 = arith.subi %sign3A_30, %sign3A_33 : i32
    %ne3A = vector.broadcast %sign3A_34 : i32 to vector<1256x1xi32>
    %ne3A_35 = arith.cmpi ne, %sign3A_27, %ne3A : vector<1256x1xi32>
    %rem3A = vector.broadcast %jit3A : i32 to vector<1256x1xi32>
    %rem3A_36 = arith.remsi %add3A_18, %rem3A : vector<1256x1xi32>
    %ne3A_37 = arith.constant 0 : i32
    %ne3A_38 = vector.broadcast %ne3A_37 : i32 to vector<1256x1xi32>
    %ne3A_39 = arith.cmpi ne, %rem3A_36, %ne3A_38 : vector<1256x1xi32>
    %and3A = arith.andi %ne3A_35, %ne3A_39 : vector<1256x1xi1>
    %sub3A = arith.constant 1 : i32
    %sub3A_40 = vector.broadcast %sub3A : i32 to vector<1256x1xi32>
    %sub3A_41 = arith.subi %div3A_19, %sub3A_40 : vector<1256x1xi32>
    %select_n3A = arith.select %and3A, %sub3A_41, %div3A_19 : vector<1256x1xi1>, vector<1256x1xi32>
    %jit3A_42 = arith.constant 2826 : i32
    %div3A_43 = arith.divsi %mul3A_16, %jit3A_42 : i32
    %sign3A_44 = arith.constant 0 : i32
    %sign3A_45 = arith.cmpi sgt, %mul3A_16, %sign3A_44 : i32
    %sign3A_46 = arith.extui %sign3A_45 : i1 to i32
    %sign3A_47 = arith.constant 0 : i32
    %sign3A_48 = arith.cmpi slt, %mul3A_16, %sign3A_47 : i32
    %sign3A_49 = arith.extui %sign3A_48 : i1 to i32
    %sign3A_50 = arith.subi %sign3A_46, %sign3A_49 : i32
    %sign3A_51 = arith.constant 0 : i32
    %sign3A_52 = arith.cmpi sgt, %jit3A_42, %sign3A_51 : i32
    %sign3A_53 = arith.extui %sign3A_52 : i1 to i32
    %sign3A_54 = arith.constant 0 : i32
    %sign3A_55 = arith.cmpi slt, %jit3A_42, %sign3A_54 : i32
    %sign3A_56 = arith.extui %sign3A_55 : i1 to i32
    %sign3A_57 = arith.subi %sign3A_53, %sign3A_56 : i32
    %ne3A_58 = arith.cmpi ne, %sign3A_50, %sign3A_57 : i32
    %rem3A_59 = arith.remsi %mul3A_16, %jit3A_42 : i32
    %ne3A_60 = arith.constant 0 : i32
    %ne3A_61 = arith.cmpi ne, %rem3A_59, %ne3A_60 : i32
    %and3A_62 = arith.andi %ne3A_58, %ne3A_61 : i1
    %sub3A_63 = arith.constant 1 : i32
    %sub3A_64 = arith.subi %div3A_43, %sub3A_63 : i32
    %select_n3A_65 = arith.select %and3A_62, %sub3A_64, %div3A_43 : i32
    %add3A_66 = arith.constant 1256 : i32
    %add3A_67 = arith.addi %mul3A_16, %add3A_66 : i32
    %sub3A_68 = arith.constant 1 : i32
    %sub3A_69 = arith.subi %add3A_67, %sub3A_68 : i32
    %jit3A_70 = arith.constant 2826 : i32
    %div3A_71 = arith.divsi %sub3A_69, %jit3A_70 : i32
    %sign3A_72 = arith.constant 0 : i32
    %sign3A_73 = arith.cmpi sgt, %sub3A_69, %sign3A_72 : i32
    %sign3A_74 = arith.extui %sign3A_73 : i1 to i32
    %sign3A_75 = arith.constant 0 : i32
    %sign3A_76 = arith.cmpi slt, %sub3A_69, %sign3A_75 : i32
    %sign3A_77 = arith.extui %sign3A_76 : i1 to i32
    %sign3A_78 = arith.subi %sign3A_74, %sign3A_77 : i32
    %sign3A_79 = arith.constant 0 : i32
    %sign3A_80 = arith.cmpi sgt, %jit3A_70, %sign3A_79 : i32
    %sign3A_81 = arith.extui %sign3A_80 : i1 to i32
    %sign3A_82 = arith.constant 0 : i32
    %sign3A_83 = arith.cmpi slt, %jit3A_70, %sign3A_82 : i32
    %sign3A_84 = arith.extui %sign3A_83 : i1 to i32
    %sign3A_85 = arith.subi %sign3A_81, %sign3A_84 : i32
    %ne3A_86 = arith.cmpi ne, %sign3A_78, %sign3A_85 : i32
    %rem3A_87 = arith.remsi %sub3A_69, %jit3A_70 : i32
    %ne3A_88 = arith.constant 0 : i32
    %ne3A_89 = arith.cmpi ne, %rem3A_87, %ne3A_88 : i32
    %and3A_90 = arith.andi %ne3A_86, %ne3A_89 : i1
    %sub3A_91 = arith.constant 1 : i32
    %sub3A_92 = arith.subi %div3A_71, %sub3A_91 : i32
    %select_n3A_93 = arith.select %and3A_90, %sub3A_92, %div3A_71 : i32
    %get3A_94 = arith.index_cast %select_n3A_65 : i32 to index
    %get3A_95 = arith.constant 0 : index
    %get3A_96 = vector.load %arg5[%get3A_94, %get3A_95] : memref<8x256xf32, #tpu.memory_space<vmem>>, vector<1x256xf32>
    %eq3A_97 = vector.broadcast %select_n3A_65 : i32 to vector<1256x1xi32>
    %eq3A_98 = arith.cmpi eq, %select_n3A, %eq3A_97 : vector<1256x1xi32>
    %jit3A_99 = arith.constant 1.000000e+00 : f32
    %jit3A_100 = arith.constant 0.000000e+00 : f32
    %broadcast_in_dim3A = vector.broadcast %jit3A_99 : f32 to vector<1256x1xf32>
    %broadcast_in_dim3A_101 = vector.broadcast %jit3A_100 : f32 to vector<1256x1xf32>
    %select_n3A_102 = arith.select %eq3A_98, %broadcast_in_dim3A, %broadcast_in_dim3A_101 : vector<1256x1xi1>, vector<1256x1xf32>
    %mul3A_103 = vector.broadcast %select_n3A_102 : vector<1256x1xf32> to vector<1256x256xf32>
    %mul3A_104 = vector.broadcast %get3A_96 : vector<1x256xf32> to vector<1256x256xf32>
    %mul3A_105 = arith.mulf %mul3A_103, %mul3A_104 : vector<1256x256xf32>
    %add3A_106 = arith.addf %add3A, %mul3A_105 : vector<1256x256xf32>
    %get3A_107 = arith.index_cast %select_n3A_93 : i32 to index
    %get3A_108 = arith.constant 0 : index
    %get3A_109 = vector.load %arg5[%get3A_107, %get3A_108] : memref<8x256xf32, #tpu.memory_space<vmem>>, vector<1x256xf32>
    %eq3A_110 = vector.broadcast %select_n3A_93 : i32 to vector<1256x1xi32>
    %eq3A_111 = arith.cmpi eq, %select_n3A, %eq3A_110 : vector<1256x1xi32>
    %gt3A = arith.cmpi sgt, %select_n3A_93, %select_n3A_65 : i32
    %and3A_112 = vector.broadcast %gt3A : i1 to vector<1256x1xi1>
    %and3A_113 = arith.andi %eq3A_111, %and3A_112 : vector<1256x1xi1>
    %jit3A_114 = arith.constant 1.000000e+00 : f32
    %jit3A_115 = arith.constant 0.000000e+00 : f32
    %broadcast_in_dim3A_116 = vector.broadcast %jit3A_114 : f32 to vector<1256x1xf32>
    %broadcast_in_dim3A_117 = vector.broadcast %jit3A_115 : f32 to vector<1256x1xf32>
    %select_n3A_118 = arith.select %and3A_113, %broadcast_in_dim3A_116, %broadcast_in_dim3A_117 : vector<1256x1xi1>, vector<1256x1xf32>
    %mul3A_119 = vector.broadcast %select_n3A_118 : vector<1256x1xf32> to vector<1256x256xf32>
    %mul3A_120 = vector.broadcast %get3A_109 : vector<1x256xf32> to vector<1256x256xf32>
    %mul3A_121 = arith.mulf %mul3A_119, %mul3A_120 : vector<1256x256xf32>
    %add3A_122 = arith.addf %add3A_106, %mul3A_121 : vector<1256x256xf32>
    %max3A = arith.constant 0.000000e+00 : f32
    %max3A_123 = vector.broadcast %max3A : f32 to vector<1256x256xf32>
    %max3A_124 = arith.maximumf %add3A_122, %max3A_123 : vector<1256x256xf32>
    %swap3A = arith.constant 0 : index
    %swap3A_125 = arith.constant 0 : index
    %swap3A_126 = vector.load %arg6[%swap3A, %swap3A_125] : memref<1256x256xf32, #tpu.memory_space<vmem>>, vector<1256x256xf32>
    tpu.vector_store %arg6[%swap3A, %swap3A_125], %max3A_124 {strides = array<i32>} : memref<1256x256xf32, #tpu.memory_space<vmem>>, vector<1256x256xf32>,
    %get3A_127 = arith.constant 0 : index
    %get3A_128 = arith.constant 0 : index
    %get3A_129 = vector.load %arg7[%get3A_127, %get3A_128] : memref<2x256xf32, #tpu.memory_space<vmem>>, vector<1x256xf32>
    %reduce_sum3A = arith.constant dense<0.000000e+00> : vector<256xf32>
    %reduce_sum3A_130 = vector.multi_reduction <add>, %max3A_124, %reduce_sum3A [0] : vector<1256x256xf32> to vector<256xf32>
    %broadcast_in_dim3A_131 = vector.shape_cast %reduce_sum3A_130 : vector<256xf32> to vector<1x256xf32>
    %add3A_132 = arith.addf %get3A_129, %broadcast_in_dim3A_131 : vector<1x256xf32>
    %swap3A_133 = arith.constant 0 : index
    %swap3A_134 = arith.constant 0 : index
    %swap3A_135 = vector.load %arg7[%swap3A_133, %swap3A_134] : memref<2x256xf32, #tpu.memory_space<vmem>>, vector<1x256xf32>
    tpu.vector_store %arg7[%swap3A_133, %swap3A_134], %add3A_132 {strides = array<i32>} : memref<2x256xf32, #tpu.memory_space<vmem>>, vector<1x256xf32>,
    %get3A_136 = arith.constant 1 : index
    %get3A_137 = arith.constant 0 : index
    %get3A_138 = vector.load %arg7[%get3A_136, %get3A_137] : memref<2x256xf32, #tpu.memory_space<vmem>>, vector<1x256xf32>
    %mul3A_139 = arith.mulf %max3A_124, %max3A_124 : vector<1256x256xf32>
    %reduce_sum3A_140 = arith.constant dense<0.000000e+00> : vector<256xf32>
    %reduce_sum3A_141 = vector.multi_reduction <add>, %mul3A_139, %reduce_sum3A_140 [0] : vector<1256x256xf32> to vector<256xf32>
    %broadcast_in_dim3A_142 = vector.shape_cast %reduce_sum3A_141 : vector<256xf32> to vector<1x256xf32>
    %add3A_143 = arith.addf %get3A_138, %broadcast_in_dim3A_142 : vector<1x256xf32>
    %swap3A_144 = arith.constant 1 : index
    %swap3A_145 = arith.constant 0 : index
    %swap3A_146 = vector.load %arg7[%swap3A_144, %swap3A_145] : memref<2x256xf32, #tpu.memory_space<vmem>>, vector<1x256xf32>
    tpu.vector_store %arg7[%swap3A_144, %swap3A_145], %add3A_143 {strides = array<i32>} : memref<2x256xf32, #tpu.memory_space<vmem>>, vector<1x256xf32>,
    return
  }
  func.func @transform_0(%arg0: i32) -> (i32, i32) {
    %c0_i32 = arith.constant 0 : i32
    %c0_i32_0 = arith.constant 0 : i32
    return %arg0, %c0_i32 : i32, i32
  }
  func.func @transform_1(%arg0: i32) -> (i32, i32) {
    %c0_i32 = arith.constant 0 : i32
    %c0_i32_0 = arith.constant 0 : i32
    return %arg0, %c0_i32 : i32, i32
  }
  func.func @transform_2(%arg0: i32) -> (i32, i32) {
    %c0_i32 = arith.constant 0 : i32
    %c0_i32_0 = arith.constant 0 : i32
    %c0_i32_1 = arith.constant 0 : i32
    return %c0_i32, %c0_i32_0 : i32, i32
  }
  func.func @transform_3(%arg0: i32) -> (i32, i32) {
    %c0_i32 = arith.constant 0 : i32
    %c0_i32_0 = arith.constant 0 : i32
    %c0_i32_1 = arith.constant 0 : i32
    return %c0_i32, %c0_i32_0 : i32, i32
  }
  func.func @transform_4(%arg0: i32) -> (i32, i32) {
    %c0_i32 = arith.constant 0 : i32
    %c0_i32_0 = arith.constant 0 : i32
    %c0_i32_1 = arith.constant 0 : i32
    return %c0_i32, %c0_i32_0 : i32, i32
  }
  func.func @transform_5(%arg0: i32) -> (i32, i32) {
    %c0_i32 = arith.constant 0 : i32
    %c0_i32_0 = arith.constant 0 : i32
    return %arg0, %c0_i32 : i32, i32
  }
  func.func @transform_6(%arg0: i32) -> (i32, i32) {
    %c0_i32 = arith.constant 0 : i32
    %c0_i32_0 = arith.constant 0 : i32
    %c0_i32_1 = arith.constant 0 : i32
    return %c0_i32, %c0_i32_0 : i32, i32
  }
}

module attributes {stable_mosaic.version = 14 : i64} {
  func.func @_lin1p2_body(%arg0: i32, %arg1: memref<1256x256xf32, #tpu.memory_space<vmem>>, %arg2: memref<256x128xf32, #tpu.memory_space<vmem>>, %arg3: memref<1x128xf32, #tpu.memory_space<vmem>>, %arg4: memref<1256x128xf32, #tpu.memory_space<vmem>>, %arg5: memref<2x128xf32, #tpu.memory_space<vmem>>) attributes {dimension_semantics = [#tpu.dimension_semantics<arbitrary>], iteration_bounds = array<i64: 18>, scalar_prefetch = 0 : i64, scratch_operands = 0 : i64, tpu.core_type = #tpu.core_type<tc>, window_params = [{transform_indices = @transform_0, window_bounds = array<i64: 1256, 256>}, {pipeline_mode = #tpu.pipeline_mode<synchronous>, transform_indices = @transform_1, window_bounds = array<i64: 256, 128>}, {pipeline_mode = #tpu.pipeline_mode<synchronous>, transform_indices = @transform_2, window_bounds = array<i64: 1, 128>}, {transform_indices = @transform_3, window_bounds = array<i64: 1256, 128>}, {pipeline_mode = #tpu.pipeline_mode<synchronous>, transform_indices = @transform_4, window_bounds = array<i64: 2, 128>}]} {
    %eq3A = arith.constant 0 : i32
    %eq3A_0 = arith.cmpi eq, %arg0, %eq3A : i32
    %convert_element_type3A = arith.extui %eq3A_0 : i1 to i32
    %cond3A = arith.constant 0 : i32
    %cond3A_1 = arith.cmpi ne, %convert_element_type3A, %cond3A : i32
    scf.if %cond3A_1 {
      %broadcast_in_dim3A_34 = arith.constant 0.000000e+00 : f32
      %broadcast_in_dim3A_35 = vector.broadcast %broadcast_in_dim3A_34 : f32 to vector<2x128xf32>
      %swap3A_36 = arith.constant 0 : index
      %swap3A_37 = arith.constant 0 : index
      %swap3A_38 = vector.load %arg5[%swap3A_36, %swap3A_37] : memref<2x128xf32, #tpu.memory_space<vmem>>, vector<2x128xf32>
      tpu.vector_store %arg5[%swap3A_36, %swap3A_37], %broadcast_in_dim3A_35 {strides = array<i32>} : memref<2x128xf32, #tpu.memory_space<vmem>>, vector<2x128xf32>,
    } else {
    }
    %get3A = arith.constant 0 : index
    %get3A_2 = arith.constant 0 : index
    %get3A_3 = vector.load %arg1[%get3A, %get3A_2] : memref<1256x256xf32, #tpu.memory_space<vmem>>, vector<1256x256xf32>
    %get3A_4 = arith.constant 0 : index
    %get3A_5 = arith.constant 0 : index
    %get3A_6 = vector.load %arg2[%get3A_4, %get3A_5] : memref<256x128xf32, #tpu.memory_space<vmem>>, vector<256x128xf32>
    %dot_general3A = arith.constant dense<0.000000e+00> : vector<1256x128xf32>
    %dot_general3A_7 = tpu.matmul %get3A_3, %get3A_6, %dot_general3A {dimension_numbers = #tpu.dot_dimension_numbers<[1], [0], [0], [1], [0, 0, 1, 1], [], []>, precision = #tpu.contract_precision<fp32>, transpose_lhs_hint = false} : vector<1256x256xf32>, vector<256x128xf32>, vector<1256x128xf32> -> vector<1256x128xf32>
    %get3A_8 = arith.constant 0 : index
    %get3A_9 = arith.constant 0 : index
    %get3A_10 = vector.load %arg3[%get3A_8, %get3A_9] : memref<1x128xf32, #tpu.memory_space<vmem>>, vector<1x128xf32>
    %add3A = vector.broadcast %get3A_10 : vector<1x128xf32> to vector<1256x128xf32>
    %add3A_11 = arith.addf %dot_general3A_7, %add3A : vector<1256x128xf32>
    %max3A = arith.constant 0.000000e+00 : f32
    %max3A_12 = vector.broadcast %max3A : f32 to vector<1256x128xf32>
    %max3A_13 = arith.maximumf %add3A_11, %max3A_12 : vector<1256x128xf32>
    %swap3A = arith.constant 0 : index
    %swap3A_14 = arith.constant 0 : index
    %swap3A_15 = vector.load %arg4[%swap3A, %swap3A_14] : memref<1256x128xf32, #tpu.memory_space<vmem>>, vector<1256x128xf32>
    tpu.vector_store %arg4[%swap3A, %swap3A_14], %max3A_13 {strides = array<i32>} : memref<1256x128xf32, #tpu.memory_space<vmem>>, vector<1256x128xf32>,
    %get3A_16 = arith.constant 0 : index
    %get3A_17 = arith.constant 0 : index
    %get3A_18 = vector.load %arg5[%get3A_16, %get3A_17] : memref<2x128xf32, #tpu.memory_space<vmem>>, vector<1x128xf32>
    %reduce_sum3A = arith.constant dense<0.000000e+00> : vector<128xf32>
    %reduce_sum3A_19 = vector.multi_reduction <add>, %max3A_13, %reduce_sum3A [0] : vector<1256x128xf32> to vector<128xf32>
    %broadcast_in_dim3A = vector.shape_cast %reduce_sum3A_19 : vector<128xf32> to vector<1x128xf32>
    %add3A_20 = arith.addf %get3A_18, %broadcast_in_dim3A : vector<1x128xf32>
    %swap3A_21 = arith.constant 0 : index
    %swap3A_22 = arith.constant 0 : index
    %swap3A_23 = vector.load %arg5[%swap3A_21, %swap3A_22] : memref<2x128xf32, #tpu.memory_space<vmem>>, vector<1x128xf32>
    tpu.vector_store %arg5[%swap3A_21, %swap3A_22], %add3A_20 {strides = array<i32>} : memref<2x128xf32, #tpu.memory_space<vmem>>, vector<1x128xf32>,
    %get3A_24 = arith.constant 1 : index
    %get3A_25 = arith.constant 0 : index
    %get3A_26 = vector.load %arg5[%get3A_24, %get3A_25] : memref<2x128xf32, #tpu.memory_space<vmem>>, vector<1x128xf32>
    %mul3A = arith.mulf %max3A_13, %max3A_13 : vector<1256x128xf32>
    %reduce_sum3A_27 = arith.constant dense<0.000000e+00> : vector<128xf32>
    %reduce_sum3A_28 = vector.multi_reduction <add>, %mul3A, %reduce_sum3A_27 [0] : vector<1256x128xf32> to vector<128xf32>
    %broadcast_in_dim3A_29 = vector.shape_cast %reduce_sum3A_28 : vector<128xf32> to vector<1x128xf32>
    %add3A_30 = arith.addf %get3A_26, %broadcast_in_dim3A_29 : vector<1x128xf32>
    %swap3A_31 = arith.constant 1 : index
    %swap3A_32 = arith.constant 0 : index
    %swap3A_33 = vector.load %arg5[%swap3A_31, %swap3A_32] : memref<2x128xf32, #tpu.memory_space<vmem>>, vector<1x128xf32>
    tpu.vector_store %arg5[%swap3A_31, %swap3A_32], %add3A_30 {strides = array<i32>} : memref<2x128xf32, #tpu.memory_space<vmem>>, vector<1x128xf32>,
    return
  }
  func.func @transform_0(%arg0: i32) -> (i32, i32) {
    %c0_i32 = arith.constant 0 : i32
    %c0_i32_0 = arith.constant 0 : i32
    return %arg0, %c0_i32 : i32, i32
  }
  func.func @transform_1(%arg0: i32) -> (i32, i32) {
    %c0_i32 = arith.constant 0 : i32
    %c0_i32_0 = arith.constant 0 : i32
    %c0_i32_1 = arith.constant 0 : i32
    return %c0_i32, %c0_i32_0 : i32, i32
  }
  func.func @transform_2(%arg0: i32) -> (i32, i32) {
    %c0_i32 = arith.constant 0 : i32
    %c0_i32_0 = arith.constant 0 : i32
    %c0_i32_1 = arith.constant 0 : i32
    return %c0_i32, %c0_i32_0 : i32, i32
  }
  func.func @transform_3(%arg0: i32) -> (i32, i32) {
    %c0_i32 = arith.constant 0 : i32
    %c0_i32_0 = arith.constant 0 : i32
    return %arg0, %c0_i32 : i32, i32
  }
  func.func @transform_4(%arg0: i32) -> (i32, i32) {
    %c0_i32 = arith.constant 0 : i32
    %c0_i32_0 = arith.constant 0 : i32
    %c0_i32_1 = arith.constant 0 : i32
    return %c0_i32, %c0_i32_0 : i32, i32
  }
}

module attributes {stable_mosaic.version = 14 : i64} {
  func.func @_out_body(%arg0: i32, %arg1: memref<1256x128xf32, #tpu.memory_space<vmem>>, %arg2: memref<128x10xf32, #tpu.memory_space<vmem>>, %arg3: memref<1x10xf32, #tpu.memory_space<vmem>>, %arg4: memref<1256x10xf32, #tpu.memory_space<vmem>>) attributes {dimension_semantics = [#tpu.dimension_semantics<arbitrary>], iteration_bounds = array<i64: 18>, scalar_prefetch = 0 : i64, scratch_operands = 0 : i64, tpu.core_type = #tpu.core_type<tc>, window_params = [{transform_indices = @transform_0, window_bounds = array<i64: 1256, 128>}, {pipeline_mode = #tpu.pipeline_mode<synchronous>, transform_indices = @transform_1, window_bounds = array<i64: 128, 10>}, {pipeline_mode = #tpu.pipeline_mode<synchronous>, transform_indices = @transform_2, window_bounds = array<i64: 1, 10>}, {transform_indices = @transform_3, window_bounds = array<i64: 1256, 10>}]} {
    %get3A = arith.constant 0 : index
    %get3A_0 = arith.constant 0 : index
    %get3A_1 = vector.load %arg1[%get3A, %get3A_0] : memref<1256x128xf32, #tpu.memory_space<vmem>>, vector<1256x128xf32>
    %get3A_2 = arith.constant 0 : index
    %get3A_3 = arith.constant 0 : index
    %get3A_4 = vector.load %arg2[%get3A_2, %get3A_3] : memref<128x10xf32, #tpu.memory_space<vmem>>, vector<128x10xf32>
    %dot_general3A = arith.constant dense<0.000000e+00> : vector<1256x10xf32>
    %dot_general3A_5 = tpu.matmul %get3A_1, %get3A_4, %dot_general3A {dimension_numbers = #tpu.dot_dimension_numbers<[1], [0], [0], [1], [0, 0, 1, 1], [], []>, precision = #tpu.contract_precision<fp32>, transpose_lhs_hint = false} : vector<1256x128xf32>, vector<128x10xf32>, vector<1256x10xf32> -> vector<1256x10xf32>
    %get3A_6 = arith.constant 0 : index
    %get3A_7 = arith.constant 0 : index
    %get3A_8 = vector.load %arg3[%get3A_6, %get3A_7] : memref<1x10xf32, #tpu.memory_space<vmem>>, vector<1x10xf32>
    %add3A = vector.broadcast %get3A_8 : vector<1x10xf32> to vector<1256x10xf32>
    %add3A_9 = arith.addf %dot_general3A_5, %add3A : vector<1256x10xf32>
    %reduce_max3A = arith.constant dense<0xFF800000> : vector<1256xf32>
    %reduce_max3A_10 = vector.multi_reduction <maximumf>, %add3A_9, %reduce_max3A [1] : vector<1256x10xf32> to vector<1256xf32>
    %broadcast_in_dim3A = vector.shape_cast %reduce_max3A_10 : vector<1256xf32> to vector<1256x1xf32>
    %sub3A = vector.broadcast %broadcast_in_dim3A : vector<1256x1xf32> to vector<1256x10xf32>
    %sub3A_11 = arith.subf %add3A_9, %sub3A : vector<1256x10xf32>
    %exp3A = math.exp %sub3A_11 : vector<1256x10xf32>
    %reduce_sum3A = arith.constant dense<0.000000e+00> : vector<1256xf32>
    %reduce_sum3A_12 = vector.multi_reduction <add>, %exp3A, %reduce_sum3A [1] : vector<1256x10xf32> to vector<1256xf32>
    %broadcast_in_dim3A_13 = vector.shape_cast %reduce_sum3A_12 : vector<1256xf32> to vector<1256x1xf32>
    %log3A = math.log %broadcast_in_dim3A_13 : vector<1256x1xf32>
    %add3A_14 = arith.addf %broadcast_in_dim3A, %log3A : vector<1256x1xf32>
    %sub3A_15 = vector.broadcast %add3A_14 : vector<1256x1xf32> to vector<1256x10xf32>
    %sub3A_16 = arith.subf %add3A_9, %sub3A_15 : vector<1256x10xf32>
    %swap3A = arith.constant 0 : index
    %swap3A_17 = arith.constant 0 : index
    %swap3A_18 = vector.load %arg4[%swap3A, %swap3A_17] : memref<1256x10xf32, #tpu.memory_space<vmem>>, vector<1256x10xf32>
    tpu.vector_store %arg4[%swap3A, %swap3A_17], %sub3A_16 {strides = array<i32>} : memref<1256x10xf32, #tpu.memory_space<vmem>>, vector<1256x10xf32>,
    return
  }
  func.func @transform_0(%arg0: i32) -> (i32, i32) {
    %c0_i32 = arith.constant 0 : i32
    %c0_i32_0 = arith.constant 0 : i32
    return %arg0, %c0_i32 : i32, i32
  }
  func.func @transform_1(%arg0: i32) -> (i32, i32) {
    %c0_i32 = arith.constant 0 : i32
    %c0_i32_0 = arith.constant 0 : i32
    %c0_i32_1 = arith.constant 0 : i32
    return %c0_i32, %c0_i32_0 : i32, i32
  }
  func.func @transform_2(%arg0: i32) -> (i32, i32) {
    %c0_i32 = arith.constant 0 : i32
    %c0_i32_0 = arith.constant 0 : i32
    %c0_i32_1 = arith.constant 0 : i32
    return %c0_i32, %c0_i32_0 : i32, i32
  }
  func.func @transform_3(%arg0: i32) -> (i32, i32) {
    %c0_i32 = arith.constant 0 : i32
    %c0_i32_0 = arith.constant 0 : i32
    return %arg0, %c0_i32 : i32, i32
  }
}

</mosaic_0001>

<sc_bundles>
// kernel: kernel.14.cloned.1.call-start
scs
__scs_entry_jumppad:
0x0: {  	(pc) =	sbr.rel $0x88, $3  }
0x1: {  	(tag) =	ssettag $0x0;
	lr =	simm.s32 $0x1  }
0x2: {  	[smem:$0x3F64] =	sst lr;
	_ =	strace $0xD0000000  }
0x3: {  	_ = 	snop  }
0x4: {  	_ = 	snop  }
0x5: {  	_ = 	snop  }
0x6: {  	_ = 	snop  }
0x7: {  	_ = 	snop  }
__scs_overlays_trampoline_lowered:
0x8: {  	[smem:$0x3F73] =	sst s0  }
0x9: {  	[smem:$0x3F74] =	sst s1  }
0xa: {  	[smem:$0x3F75] =	sst s2  }
0xb: {  	[smem:$0x3F76] =	sst s3  }
0xc: {  	[smem:$0x3F77] =	sst s4  }
0xd: {  	[smem:$0x3F78] =	sst s5  }
0xe: {  	[smem:$0x3F79] =	sst s6  }
0xf: {  	[smem:$0x3F7A] =	sst s7  }
0x10: {  	[smem:$0x3F7B] =	sst s8  }
0x11: {  	[smem:$0x3F7C] =	sst s9;
	s0 =	simm.s32 @!p0 $0x0  }
0x12: {  	s1 =	sld [smem:$0x3F62];
	s0 =	simm.s32 @p0 $0x1  }
0x13: {  	[smem:$0x3F7D] =	sst s0;
	s0 =	simm.s32 @!p1 $0x0  }
0x14: {  	s2 =	sld [smem:$0x3F61];
	s0 =	simm.s32 @p1 $0x1  }
0x15: {  	[smem:$0x3F7E] =	sst s0;
	s0 =	simm.s32 @!p2 $0x0  }
0x16: {  	s3 =	sld [smem:$0x3FDB];
	s0 =	simm.s32 @p2 $0x1  }
0x17: {  	s4 =	simm.s32 $0x1BF5;
	[smem:$0x3F80] =	sst s0  }
0x18: {  	s0 =	sld [smem:$0x3F63];
	_ =	swait.ge [sflag:s4], $0x0  }
0x19: {  	s7 =	sld [smem:$0x3F64]  }
0x1a: {  	s8 =	sadd.s32 $0xFFFFE003, lr  }
0x1b: {  	s9 =	sadd.s32 $0xFFFFFEF7, lr;
	s5 =	simm.s32 $0xFFFFFFFF;
	p2 =	slt.u32 s8, $0xFFFFF086  }
0x1c: {  	p1 =	slt.u32 s9, $0xF7A;
	s5 =	simm.s32 @!p2 $0x0  }
0x1d: {  	s5 =	simm.s32 @p1 $0x1;
	p0 =	seq.s32 s7, s2  }
0x1e: {  	s7 =	smul.u32 @!p0 $0xF7A, s2;
	p2 =	seq.s32 @!p0 s5, $0x0  }
0x1f: {  	s9 =	smul.u32 $0xF7A, s1;
	s8 =	simm.s32 @!p0 $0x1BF5;
	p2 =	por !p2, p0  }
0x20: {  	[sflag:s8] =	ssyncset.s32 @!p0 $0xFFFFF086;
	s6 =	sadd.s32 @!p0 s3, s7;
	s7 =	simm.s32 @!p0 $0x108  }
0x21: {  	s3 =	sadd.s32 s3, s9;
	s6 =	sadd.s32 @!p0 $0x88, s6;
	s7 =	simm.s32 @p2 $0x1082  }
0x22: {  	[simem:s7], [sflag:s8] =	dma.local @!p0 [hbm:s6], $0xF7A  }
0x23: {  	s9 =	sor.u32 $0xD0000000, s2;
	s6 =	simm.s32 $0x108;
	_ =	swait.ge @!p0 [sflag:s8], $0x0  }
0x24: {  	s3 =	sadd.s32 $0x88, s3;
	s6 =	simm.s32 @!p1 $0x1082;
	[sflag:s4] =	ssyncset.s32 $0xFFFFF086  }
0x25: {  	[simem:s6], [sflag:s4] =	dma.local [hbm:s3], $0xF7A  }
0x26: {  	[smem:$0x3F64] =	sst s1;
	(tag) =	ssettag s2;
	_ =	strace s9  }
0x27: {  	s1 =	sld [smem:$0x3F74]  }
0x28: {  	s2 =	sld [smem:$0x3F75]  }
0x29: {  	s4 =	sld [smem:$0x3F77]  }
0x2a: {  	p0 =	seq.s32 s5, $0x0;
	s5 =	sld [smem:$0x3F78]  }
0x2b: {  	s6 =	sld [smem:$0x3F79]  }
0x2c: {  	s7 =	sld [smem:$0x3F7A]  }
0x2d: {  	s3 =	simm.s32 $0x108;
	s8 =	sld [smem:$0x3F7B]  }
0x2e: {  	s3 =	simm.s32 @!p0 $0x1082;
	s9 =	sld [smem:$0x3F7C]  }
0x2f: {  	lr =	sadd.s32 s0, s3;
	s0 =	sld [smem:$0x3F73]  }
0x30: {  	s3 =	sld [smem:$0x3F76]  }
0x31: {  	[smem:$0x3F7F] =	sst s10  }
0x32: {  	s10 =	sld [smem:$0x3F7D];
	_ =	sdelay $0x3  }
0x33: {  	p0 =	seq.s32 s10, $0x1;
	s10 =	sld [smem:$0x3F7F];
	_ =	sdelay $0x3  }
0x34: {  	[smem:$0x3F7F] =	sst s10  }
0x35: {  	s10 =	sld [smem:$0x3F7E];
	_ =	sdelay $0x3  }
0x36: {  	p1 =	seq.s32 s10, $0x1;
	s10 =	sld [smem:$0x3F7F];
	_ =	sdelay $0x3  }
0x37: {  	[smem:$0x3F7F] =	sst s10  }
0x38: {  	s10 =	sld [smem:$0x3F80]  }
0x39: {  	_ = 	snop;
	(pc) =	sbr.ind lr, $3  }
0x3a: {  	_ = 	snop  }
0x3b: {  	_ = 	snop  }
0x3c: {  	p2 =	seq.s32 s10, $0x1;
	s10 =	sld [smem:$0x3F7F]  }
0x3d: {  	_ =	shalt  }
0x3e: {  	_ =	shalt  }
0x3f: {  	_ =	shalt  }
0x40: {  	_ =	shalt  }
0x41: {  	_ =	shalt  }
0x42: {  	_ =	shalt  }
0x43: {  	_ =	shalt  }
0x44: {  	_ =	shalt  }
0x45: {  	_ =	shalt  }
0x46: {  	_ =	shalt  }
0x47: {  	_ =	shalt  }
0x48: {  	_ =	shalt  }
0x49: {  	_ =	shalt  }
0x4a: {  	_ =	shalt  }
0x4b: {  	_ =	shalt  }
0x4c: {  	_ =	shalt  }
0x4d: {  	_ =	shalt  }
0x4e: {  	_ =	shalt  }
0x4f: {  	_ =	shalt  }
0x50: {  	_ =	shalt  }
0x51: {  	_ =	shalt  }
0x52: {  	_ =	shalt  }
0x53: {  	_ =	shalt  }
0x54: {  	_ =	shalt  }
0x55: {  	_ =	shalt  }
0x56: {  	_ =	shalt  }
0x57: {  	_ =	shalt  }
0x58: {  	_ =	shalt  }
0x59: {  	_ =	shalt  }
0x5a: {  	_ =	shalt  }
0x5b: {  	_ =	shalt  }
0x5c: {  	_ =	shalt  }
0x5d: {  	_ =	shalt  }
0x5e: {  	_ =	shalt  }
0x5f: {  	_ =	shalt  }
0x60: {  	_ =	shalt  }
0x61: {  	_ =	shalt  }
0x62: {  	_ =	shalt  }
0x63: {  	_ =	shalt  }
0x64: {  	_ =	shalt  }
0x65: {  	_ =	shalt  }
0x66: {  	_ =	shalt  }
0x67: {  	_ =	shalt  }
0x68: {  	_ =	shalt  }
0x69: {  	_ =	shalt  }
0x6a: {  	_ =	shalt  }
0x6b: {  	_ =	shalt  }
0x6c: {  	_ =	shalt  }
0x6d: {  	_ =	shalt  }
0x6e: {  	_ =	shalt  }
0x6f: {  	_ =	shalt  }
0x70: {  	_ =	shalt  }
0x71: {  	_ =	shalt  }
0x72: {  	_ =	shalt  }
0x73: {  	_ =	shalt  }
0x74: {  	_ =	shalt  }
0x75: {  	_ =	shalt  }
0x76: {  	_ =	shalt  }
0x77: {  	_ =	shalt  }
0x78: {  	_ =	shalt  }
0x79: {  	_ =	shalt  }
0x7a: {  	_ =	shalt  }
0x7b: {  	_ =	shalt  }
0x7c: {  	_ =	shalt  }
0x7d: {  	_ =	shalt  }
0x7e: {  	_ =	shalt  }
0x7f: {  	_ =	shalt  }
0x80: {  	_ =	shalt  }
0x81: {  	_ =	shalt  }
0x82: {  	_ =	shalt  }
0x83: {  	_ =	shalt  }
0x84: {  	_ =	shalt  }
0x85: {  	_ =	shalt  }
0x86: {  	_ =	shalt  }
0x87: {  	_ =	shalt  }
.Lfunc_end0:
.L_simem_size_0:
called_computation_lowered:
.L_overlay_start_0:
0x88: {  	s2 =	sld [smem:$0x3FD9]  }
0x89: {  	s3 =	sld [smem:$0x3FFE];
	_ =	sdelay $0x1  }
0x8a: {  	s1 =	srdreg.scid  }
0x8b: {  	s0 =	sand.u32 $0x1, s1  }
0x8c: {  	s16 =	sshll.u32 s0, $0xA;
	s2 =	sadd.s32 s3, s2  }
0x8d: {  	s2 =	sadd.s32 s2, s16  }
0x8e: {  	[smem:$0x3F8B] =	sst s2  }
0x8f: {  	_ = 	snop  }
0x90: {  	(tm) =	ssettm $0x1  }
0x91: {  	s17 =	sld [smem:$0x3FFB];
	_ =	sdelay $0x3  }
0x92: {  	_ =	strace s17  }
0x93: {  	s2 =	sld [smem:$0x3FFC];
	_ =	sdelay $0x3  }
0x94: {  	_ =	strace s2  }
0x95: {  	s2 =	sld [smem:$0x3FFD];
	_ =	sdelay $0x3  }
0x96: {  	_ =	strace s2  }
0x97: {  	_ =	strace $0x8FFFFFFF  }
0x98: {  	s18 =	sld [smem:$0x3FDB];
	_ =	sdelay $0x1  }
0x99: {  	s19 =	simm.s32 $_scs_section_size  }
0x9a: {  	s4 =	simm.s32 $_size__tile_overlayer_lowered;
	s5 =	simm.s32 $_tile_overlayer_lowered  }
0x9b: {  	s22 =	simm.s32 $0x1BFF;
	s21 =	sshll.u32 s5, $0x1;
	s2 =	sadd.s32 s19, s18  }
0x9c: {  	s6 =	simm.s32 $0x0;
	s20 =	sshll.u32 s4, $0x1;
	s4 =	sadd.s32 s21, s2  }
0x9d: {  	[timem:s6], [sflag:s22] =	dma.local [hbm:s4], s20  }
0x9e: {  	_ =	swait.ge [sflag:s22], s20  }
0x9f: {  	s3 =	ssub.s32 $0x0, s20;
	[sflag:s22] =	ssyncset.done $0x0  }
0xa0: {  	[sflag:s22] =	ssyncadd.s32 s3;
	_ =	sdelay $0x1  }
0xa1: {  	s23 =	simm.s32 $0x1B8B  }
0xa2: {  	_ =	swait.ge [sflag:s23], $0x1  }
0xa3: {  	[sflag:s23] =	ssyncset.done $0x0  }
0xa4: {  	s25 =	simm.s32 $0x1B8E;
	s24 =	sld [smem:$0x3FFE];
	[sflag:s23] =	ssyncadd.s32 $0xFFFFFFFF  }
0xa5: {  	s26 =	simm.s32 $execute0_lowered;
	[smem:$0x3FD2] =	sst s25  }
0xa6: {  	s4 =	sshll.u32 s26, $0x1;
	_ =	strace $0x80000046;
	[dreg:$0x1] =	wrdreg $0xFFFFFFFF  }
0xa7: {  	s28 =	simm.s32 $_size_execute0_lowered;
	s2 =	sadd.s32 s2, s4;
	[dreg:$0x0] =	wrdreg $0x0  }
0xa8: {  	s4 =	sshll.u32 s28, $0x1;
	[dreg:$0x2] =	wrdreg s2  }
0xa9: {  	[dreg:$0x3] =	wrdreg s4  }
0xaa: {  	[dreg:$0x4] =	wrdreg $0xC0  }
0xab: {  	_ =	task [dreg:s6], $0x5FFFF  }
0xac: {  	[dreg:$0x1] =	wrdreg $0xFFFFFFFF  }
0xad: {  	[dreg:$0x0] =	wrdreg $0x60  }
0xae: {  	[dreg:$0x2] =	wrdreg s24  }
0xaf: {  	[dreg:$0x3] =	wrdreg $0x9  }
0xb0: {  	_ =	task.clear_ibuf [dreg:s6], $0x4FFFF;
	_ =	strace $0x90000046  }
0xb1: {  	s29 =	simm.s32 $0x9;
	_ =	strace $0x80000048  }
0xb2: {  	_ =	swait.ge [sflag:s29], $0x1  }
0xb3: {  	[sflag:s29] =	ssyncadd.s32 $0xFFFFFFFF  }
0xb4: {  	_ =	strace $0x90000048  }
0xb5: {  	_ =	sfence  }
0xb6: {  	s30 =	sld [smem:$0x0];
	_ =	sdelay $0x2  }
0xb7: {  	s31 =	sshll.u32 s1, $0xD;
	s1 =	sshrl.u32 s1, $0x2  }
0xb8: {  	s3 =	sand.u32 $0x4000, s31;
	s1 =	sadd.s32 s1, s30  }
0xb9: {  	s0 =	sor.u32 s3, s0;
	s1 =	sshll.u32 s1, $0x11  }
0xba: {  	s0 =	sor.u32 s1, s0  }
0xbb: {  	s0 =	sadd.s32 $0x8F2B, s0  }
0xbc: {  	[sflag:s0] =	ssyncadd.remote.s32 $0x1  }
0xbd: {  	_ =	sfence.sel $0xFFFF  }
0xbe: {  	[dreg:$0x0] =	wrdreg $0xFFFFFFFF;
	(pc) =	sbr.abs _section_cstart, $3  }
0xbf: {  	[dreg:$0x1] =	wrdreg $0xFFFFFFFF  }
0xc0: {  	_ =	task.clear_ibuf [dreg:s6], $0x2FFFF;
	_ =	strace $0x9FFFFFFF  }
0xc1: {  	(tm) =	ssettm $0x7FFFFFFF  }
tec
execute0_lowered:
.L_overlay_start_1:
0x0: {  	(tag) =	ssettag $0x1  }
0x1: {  	s1 =	srdreg.scid  }
0x2: {  	s0 =	stileid.u32;
	s5 =	rddreg [dreg:$0x0]  }
0x3: {  	s2 =	simm.s32 $0x0;
	s13 =	simm.s32 $0x3800;
	s14 =	simm.s32 $0x4800  }
0x4: {  	s15 =	simm.s32 $0x3C00;
	s16 =	simm.s32 $0x5800;
	s17 =	simm.s32 $0x4000  }
0x5: {  	s18 =	simm.s32 $0x6800;
	s19 =	simm.s32 $0x4400;
	s20 =	simm.s32 $0x7800  }
0x6: {  	s21 =	simm.s32 $0x1;
	s22 =	simm.s32 $0x2;
	s23 =	simm.s32 $0x0  }
0x7: {  	s6 =	sand.u32 $0x1, s1;
	s1 =	rddreg [dreg:$0x1];
	s8 =	smul.u32 $0x3800, s0  }
0x8: {  	s3 =	sshll.u32 s0, $0x1;
	[smem:$0x7FF] =	sst s2;
	s9 =	smul.u32 $0xE000, s0  }
0x9: {  	s4 =	sadd.s32 $0x6B200, s5;
	s3 =	sor.u32 s6, s3;
	s12 =	smul.u32 $0x1C00, s6  }
0xa: {  	_ =	strace $0x80000047;
	s10 =	ssub.s32 $0x2, s6;
	s31 =	smul.u32 $0x7000, s6  }
0xb: {  	s7 =	smul.u32 $0x1C00, s3;
	s3 =	sadd.s32 $0xD200, s5;
	s11 =	sshrl.u32 s10, $0x1  }
0xc: {  	s8 =	sadd.s32 s8, s5;
	s9 =	sadd.s32 s9, s5;
	s10 =	ssub.s32 s10, s11  }
0xd: {  	s8 =	sadd.s32 s12, s8;
	s9 =	sadd.s32 s31, s9;
	s7 =	sshrl.u32 s7, $0x3  }
0xe: {  	s11 =	simm.s32 $0x1C00;
	s12 =	simm.s32 $0x80;
	s7 =	sadd.s32 s7, s5  }
0xf: {  	s8 =	sadd.s32 $0x16F400, s8;
	s9 =	sadd.s32 $0x8F400, s9;
	s5 =	sadd.s32 $0x81400, s7  }
0x10: {  	s6 =	sadd.s32 $0x88400, s7;
	s7 =	smax.u32 s10, $0x1;
	s10 =	simm.s32 $0x3  }
.LBB2_1:
0x11: {  	[tilespmem:s2], [sflag:$0x3] =	stream.linear.gather [hbm4b:s5+s2], $0x1C00, $0x38;
	[tilespmem:$0x8800] =	vst v63  }
0x12: {  	_ =	swait.ge [sflag:s10], $0x1C00  }
0x13: {  	[sflag:s10] =	ssyncset.done $0x0  }
0x14: {  	[sflag:s10] =	ssyncadd.s32 $0xFFFFE400  }
0x15: {  	[tilespmem:s11], [sflag:$0x3] =	stream.linear.gather [hbm4b:s6+s2], $0x1C00, $0x38;
	[tilespmem:$0x8800] =	vst v63  }
0x16: {  	_ =	swait.ge [sflag:s10], $0x1C00  }
0x17: {  	[sflag:s10] =	ssyncset.done $0x0  }
0x18: {  	s24 =	simm.s32 $0x0;
	[sflag:s10] =	ssyncadd.s32 $0xFFFFE400  }
0x19: {  	[tilespmem:s13], [sflag:$0x1] =	stream.indirect.gather [hbm4b:s3+s12], $0x8, s24, s12, $0xb8;
	[tilespmem:$0x8800] =	vst v63  }
0x1a: {  	s28 =	simm.s32 $0x1C00  }
0x1b: {  	[tilespmem:s14], [sflag:$0x2] =	stream.indirect.gather [hbm4b:s4+s12], $0x20, s28, s12, $0xb8;
	[tilespmem:$0x8800] =	vst v63  }
0x1c: {  	s30 =	simm.s32 $0x80  }
0x1d: {  	[tilespmem:s15], [sflag:$0x1] =	stream.indirect.gather [hbm4b:s3+s12], $0x8, s30, s12, $0xb8;
	[tilespmem:$0x8800] =	vst v63  }
0x1e: {  	s31 =	simm.s32 $0x1C80  }
0x1f: {  	[tilespmem:s16], [sflag:$0x2] =	stream.indirect.gather [hbm4b:s4+s12], $0x20, s31, s12, $0xb8;
	[tilespmem:$0x8800] =	vst v63  }
0x20: {  	s25 =	simm.s32 $0x100  }
0x21: {  	[tilespmem:s17], [sflag:$0x1] =	stream.indirect.gather [hbm4b:s3+s12], $0x8, s25, s12, $0xb8;
	[tilespmem:$0x8800] =	vst v63  }
0x22: {  	s26 =	simm.s32 $0x1D00  }
0x23: {  	[tilespmem:s18], [sflag:$0x2] =	stream.indirect.gather [hbm4b:s4+s12], $0x20, s26, s12, $0xb8;
	[tilespmem:$0x8800] =	vst v63  }
0x24: {  	s28 =	simm.s32 $0x180  }
0x25: {  	[tilespmem:s19], [sflag:$0x1] =	stream.indirect.gather [hbm4b:s3+s12], $0x8, s28, s12, $0xb8;
	[tilespmem:$0x8800] =	vst v63  }
0x26: {  	s30 =	simm.s32 $0x1D80  }
0x27: {  	[tilespmem:s20], [sflag:$0x2] =	stream.indirect.gather [hbm4b:s4+s12], $0x20, s30, s12, $0xb8;
	[tilespmem:$0x8800] =	vst v63  }
0x28: {  	_ =	swait.ge [sflag:s21], $0x400  }
0x29: {  	[sflag:s21] =	ssyncset.done $0x0  }
0x2a: {  	[sflag:s21] =	ssyncadd.s32 $0xFFFFFC00  }
0x2b: {  	_ =	swait.ge [sflag:s22], $0x1000  }
0x2c: {  	[sflag:s22] =	ssyncset.done $0x0  }
0x2d: {  	[sflag:s22] =	ssyncadd.s32 $0xFFFFF000  }
0x2e: {  	_ =	swait.ge [sflag:s21], $0x400  }
0x2f: {  	[sflag:s21] =	ssyncset.done $0x0  }
0x30: {  	[sflag:s21] =	ssyncadd.s32 $0xFFFFFC00  }
0x31: {  	_ =	swait.ge [sflag:s22], $0x1000  }
0x32: {  	[sflag:s22] =	ssyncset.done $0x0  }
0x33: {  	[sflag:s22] =	ssyncadd.s32 $0xFFFFF000  }
0x34: {  	_ =	swait.ge [sflag:s21], $0x400  }
0x35: {  	[sflag:s21] =	ssyncset.done $0x0  }
0x36: {  	[sflag:s21] =	ssyncadd.s32 $0xFFFFFC00  }
0x37: {  	_ =	swait.ge [sflag:s22], $0x1000  }
0x38: {  	[sflag:s22] =	ssyncset.done $0x0  }
0x39: {  	[sflag:s22] =	ssyncadd.s32 $0xFFFFF000  }
0x3a: {  	_ =	swait.ge [sflag:s21], $0x400  }
0x3b: {  	[sflag:s21] =	ssyncset.done $0x0  }
0x3c: {  	[sflag:s21] =	ssyncadd.s32 $0xFFFFFC00  }
0x3d: {  	_ =	swait.ge [sflag:s22], $0x1000  }
0x3e: {  	[sflag:s22] =	ssyncset.done $0x0  }
0x3f: {  	[sflag:s22] =	ssyncadd.s32 $0xFFFFF000  }
0x40: {  	[hbm4b:s8+s2] =	stream.linear.scatter [tilespmem:s13], [sflag:$0x3], $0x1000, $0x38;
	[tilespmem:$0x8800] =	vst v63  }
0x41: {  	_ =	swait.ge [sflag:s10], $0x1000  }
0x42: {  	[sflag:s10] =	ssyncset.done $0x0  }
0x43: {  	s31 =	sadd.s32 $0x0, s9;
	[sflag:s10] =	ssyncadd.s32 $0xFFFFF000  }
0x44: {  	[hbm4b:s31+s2] =	stream.linear.scatter [tilespmem:s14], [sflag:$0x3], $0x4000, $0x38;
	[tilespmem:$0x8800] =	vst v63  }
0x45: {  	s29 =	simm.s32 $0x1000;
	_ =	swait.ge [sflag:s10], $0x4000  }
0x46: {  	s24 =	simm.s32 $0x800;
	s25 =	sadd.s32 $0x200, s8;
	[sflag:s10] =	ssyncset.done $0x0  }
.LBB2_2:
0x47: {  	s30 =	sshra.s32 s24, $0x2  }
0x48: {  	[sflag:s10] =	ssyncadd.s32 $0xFFFFC000;
	s28 =	smov.u32 s29;
	s26 =	sadd.s32 $0x800, s29  }
0x49: {  	[tilespmem:s13], [sflag:$0x1] =	stream.indirect.gather [hbm4b:s3+s12], $0x8, s30, s12, $0xb8;
	[tilespmem:$0x8800] =	vst v63  }
0x4a: {  	p0 =	sne.s32 s29, $0x6800;
	s29 =	sadd.s32 $0x1C00, s30  }
0x4b: {  	[tilespmem:s14], [sflag:$0x2] =	stream.indirect.gather [hbm4b:s4+s12], $0x20, s29, s12, $0xb8;
	[tilespmem:$0x8800] =	vst v63  }
0x4c: {  	s29 =	sadd.s32 $0x80, s30  }
0x4d: {  	[tilespmem:s15], [sflag:$0x1] =	stream.indirect.gather [hbm4b:s3+s12], $0x8, s29, s12, $0xb8;
	[tilespmem:$0x8800] =	vst v63  }
0x4e: {  	s29 =	sadd.s32 $0x1C80, s30  }
0x4f: {  	[tilespmem:s16], [sflag:$0x2] =	stream.indirect.gather [hbm4b:s4+s12], $0x20, s29, s12, $0xb8;
	[tilespmem:$0x8800] =	vst v63  }
0x50: {  	s29 =	sadd.s32 $0x100, s30  }
0x51: {  	[tilespmem:s17], [sflag:$0x1] =	stream.indirect.gather [hbm4b:s3+s12], $0x8, s29, s12, $0xb8;
	[tilespmem:$0x8800] =	vst v63  }
0x52: {  	s29 =	sadd.s32 $0x1D00, s30  }
0x53: {  	[tilespmem:s18], [sflag:$0x2] =	stream.indirect.gather [hbm4b:s4+s12], $0x20, s29, s12, $0xb8;
	[tilespmem:$0x8800] =	vst v63  }
0x54: {  	s29 =	sadd.s32 $0x180, s30  }
0x55: {  	[tilespmem:s19], [sflag:$0x1] =	stream.indirect.gather [hbm4b:s3+s12], $0x8, s29, s12, $0xb8;
	[tilespmem:$0x8800] =	vst v63  }
0x56: {  	s29 =	sadd.s32 $0x1D80, s30  }
0x57: {  	[tilespmem:s20], [sflag:$0x2] =	stream.indirect.gather [hbm4b:s4+s12], $0x20, s29, s12, $0xb8;
	[tilespmem:$0x8800] =	vst v63  }
0x58: {  	_ =	swait.ge [sflag:s21], $0x400  }
0x59: {  	[sflag:s21] =	ssyncset.done $0x0  }
0x5a: {  	[sflag:s21] =	ssyncadd.s32 $0xFFFFFC00  }
0x5b: {  	_ =	swait.ge [sflag:s22], $0x1000  }
0x5c: {  	[sflag:s22] =	ssyncset.done $0x0  }
0x5d: {  	[sflag:s22] =	ssyncadd.s32 $0xFFFFF000  }
0x5e: {  	_ =	swait.ge [sflag:s21], $0x400  }
0x5f: {  	[sflag:s21] =	ssyncset.done $0x0  }
0x60: {  	[sflag:s21] =	ssyncadd.s32 $0xFFFFFC00  }
0x61: {  	_ =	swait.ge [sflag:s22], $0x1000  }
0x62: {  	[sflag:s22] =	ssyncset.done $0x0  }
0x63: {  	[sflag:s22] =	ssyncadd.s32 $0xFFFFF000  }
0x64: {  	_ =	swait.ge [sflag:s21], $0x400  }
0x65: {  	[sflag:s21] =	ssyncset.done $0x0  }
0x66: {  	[sflag:s21] =	ssyncadd.s32 $0xFFFFFC00  }
0x67: {  	_ =	swait.ge [sflag:s22], $0x1000  }
0x68: {  	[sflag:s22] =	ssyncset.done $0x0  }
0x69: {  	[sflag:s22] =	ssyncadd.s32 $0xFFFFF000  }
0x6a: {  	_ =	swait.ge [sflag:s21], $0x400  }
0x6b: {  	[sflag:s21] =	ssyncset.done $0x0  }
0x6c: {  	[sflag:s21] =	ssyncadd.s32 $0xFFFFFC00  }
0x6d: {  	_ =	swait.ge [sflag:s22], $0x1000  }
0x6e: {  	[sflag:s22] =	ssyncset.done $0x0  }
0x6f: {  	[sflag:s22] =	ssyncadd.s32 $0xFFFFF000  }
0x70: {  	[hbm4b:s25+s2] =	stream.linear.scatter [tilespmem:s13], [sflag:$0x3], $0x1000, $0x38;
	[tilespmem:$0x8800] =	vst v63  }
0x71: {  	_ =	swait.ge [sflag:s10], $0x1000  }
.Ltmp0:
0x72: {  	[sflag:s10] =	ssyncset.done $0x0;
	(pc) =	sbr.rel @p0 .LBB2_2-.Ltmp0, $4  }
0x73: {  	s29 =	sadd.s32 s24, s9;
	s24 =	smov.u32 s28;
	[sflag:s10] =	ssyncadd.s32 $0xFFFFF000  }
0x74: {  	[hbm4b:s29+s2] =	stream.linear.scatter [tilespmem:s14], [sflag:$0x3], $0x4000, $0x38;
	[tilespmem:$0x8800] =	vst v63  }
0x75: {  	_ =	swait.ge [sflag:s10], $0x4000  }
0x76: {  	s25 =	sadd.s32 $0x200, s25;
	s29 =	smov.u32 s26;
	[sflag:s10] =	ssyncset.done $0x0  }
0x77: {  	s26 =	sshra.s32 s24, $0x2;
	[sflag:s10] =	ssyncadd.s32 $0xFFFFC000  }
0x78: {  	[tilespmem:s13], [sflag:$0x1] =	stream.indirect.gather [hbm4b:s3+s12], $0x8, s26, s12, $0xb8;
	[tilespmem:$0x8800] =	vst v63  }
0x79: {  	s28 =	sadd.s32 $0x1C00, s26  }
0x7a: {  	[tilespmem:s14], [sflag:$0x2] =	stream.indirect.gather [hbm4b:s4+s12], $0x20, s28, s12, $0xb8;
	[tilespmem:$0x8800] =	vst v63  }
0x7b: {  	s29 =	sadd.s32 $0x80, s26  }
0x7c: {  	[tilespmem:s15], [sflag:$0x1] =	stream.indirect.gather [hbm4b:s3+s12], $0x8, s29, s12, $0xb8;
	[tilespmem:$0x8800] =	vst v63  }
0x7d: {  	s30 =	sadd.s32 $0x1C80, s26  }
0x7e: {  	[tilespmem:s16], [sflag:$0x2] =	stream.indirect.gather [hbm4b:s4+s12], $0x20, s30, s12, $0xb8;
	[tilespmem:$0x8800] =	vst v63  }
0x7f: {  	s31 =	sadd.s32 $0x100, s26  }
0x80: {  	[tilespmem:s17], [sflag:$0x1] =	stream.indirect.gather [hbm4b:s3+s12], $0x8, s31, s12, $0xb8;
	[tilespmem:$0x8800] =	vst v63  }
0x81: {  	s29 =	sadd.s32 $0x1D00, s26  }
0x82: {  	[tilespmem:s18], [sflag:$0x2] =	stream.indirect.gather [hbm4b:s4+s12], $0x20, s29, s12, $0xb8;
	[tilespmem:$0x8800] =	vst v63  }
0x83: {  	s30 =	sadd.s32 $0x180, s26  }
0x84: {  	[tilespmem:s19], [sflag:$0x1] =	stream.indirect.gather [hbm4b:s3+s12], $0x8, s30, s12, $0xb8;
	[tilespmem:$0x8800] =	vst v63  }
0x85: {  	s26 =	sadd.s32 $0x1D80, s26  }
0x86: {  	[tilespmem:s20], [sflag:$0x2] =	stream.indirect.gather [hbm4b:s4+s12], $0x20, s26, s12, $0xb8;
	[tilespmem:$0x8800] =	vst v63  }
0x87: {  	_ =	swait.ge [sflag:s21], $0x400  }
0x88: {  	[sflag:s21] =	ssyncset.done $0x0  }
0x89: {  	[sflag:s21] =	ssyncadd.s32 $0xFFFFFC00  }
0x8a: {  	_ =	swait.ge [sflag:s22], $0x1000  }
0x8b: {  	[sflag:s22] =	ssyncset.done $0x0  }
0x8c: {  	[sflag:s22] =	ssyncadd.s32 $0xFFFFF000  }
0x8d: {  	_ =	swait.ge [sflag:s21], $0x400  }
0x8e: {  	[sflag:s21] =	ssyncset.done $0x0  }
0x8f: {  	[sflag:s21] =	ssyncadd.s32 $0xFFFFFC00  }
0x90: {  	_ =	swait.ge [sflag:s22], $0x1000  }
0x91: {  	[sflag:s22] =	ssyncset.done $0x0  }
0x92: {  	[sflag:s22] =	ssyncadd.s32 $0xFFFFF000  }
0x93: {  	_ =	swait.ge [sflag:s21], $0x400  }
0x94: {  	[sflag:s21] =	ssyncset.done $0x0  }
0x95: {  	[sflag:s21] =	ssyncadd.s32 $0xFFFFFC00  }
0x96: {  	_ =	swait.ge [sflag:s22], $0x1000  }
0x97: {  	[sflag:s22] =	ssyncset.done $0x0  }
0x98: {  	[sflag:s22] =	ssyncadd.s32 $0xFFFFF000  }
0x99: {  	_ =	swait.ge [sflag:s21], $0x400  }
0x9a: {  	[sflag:s21] =	ssyncset.done $0x0  }
0x9b: {  	[sflag:s21] =	ssyncadd.s32 $0xFFFFFC00  }
0x9c: {  	_ =	swait.ge [sflag:s22], $0x1000  }
0x9d: {  	[sflag:s22] =	ssyncset.done $0x0  }
0x9e: {  	[sflag:s22] =	ssyncadd.s32 $0xFFFFF000  }
0x9f: {  	[hbm4b:s25+s2] =	stream.linear.scatter [tilespmem:s13], [sflag:$0x3], $0x1000, $0x38;
	[tilespmem:$0x8800] =	vst v63  }
0xa0: {  	s23 =	sadd.s32 $0x1, s23;
	_ =	swait.ge [sflag:s10], $0x1000  }
0xa1: {  	p0 =	sne.s32 s23, s7;
	[sflag:s10] =	ssyncset.done $0x0  }
.Ltmp1:
0xa2: {  	s31 =	sadd.s32 s24, s9;
	[sflag:s10] =	ssyncadd.s32 $0xFFFFF000;
	(pc) =	sbr.rel @p0 .LBB2_1-.Ltmp1, $4  }
0xa3: {  	[hbm4b:s31+s2] =	stream.linear.scatter [tilespmem:s14], [sflag:$0x3], $0x4000, $0x38;
	[tilespmem:$0x8800] =	vst v63  }
0xa4: {  	_ =	swait.ge [sflag:s10], $0x4000  }
0xa5: {  	[sflag:s10] =	ssyncset.done $0x0  }
0xa6: {  	[sflag:s10] =	ssyncadd.s32 $0xFFFFC000  }
0xa7: {  	_ =	sfence.sel $0x180000  }
0xa8: {  	[bflag:$0x0] =	sbarrier.arrive $0xFFFF  }
0xa9: {  	p0 =	sne.s32 s0, $0x0;
	_ =	strace $0x90000047  }
0xaa: {  	s0 =	sadd.s32 @!p0 $0x100000, s1;
	[bflag:$0x2] =	sbarrier.arrive $0xFFFF  }
0xab: {  	[sflag:s0] =	ssyncadd.tile.s32 @!p0 $0x1;
	_ =	shalt  }
.Lfunc_end2:
_tile_overlayer_lowered:
.L_overlay_start_2:
0xac: {  	(tag) =	ssettag $0x2  }
0xad: {  	s0 =	rddreg [dreg:$0x0];
	s2 =	stileid.u32  }
0xae: {  	s1 =	rddreg [dreg:$0x1];
	p0 =	sne.s32 s2, $0x0  }
0xaf: {  	s3 =	rddreg [dreg:$0x2];
	[bflag:$0x3] =	sbarrier.arrive $0xFFFF;
	s2 =	simm.s32 @!p0 $0x1C03  }
0xb0: {  	[timem:s3], [sflag:s2] =	dma.local @!p0 [hbm:s0], s1  }
0xb1: {  	s0 =	simm.s32 @!p0 $0x3  }
0xb2: {  	_ =	swait.ge @!p0 [sflag:s0], s1  }
0xb3: {  	s1 =	ssub.s32 @!p0 $0x0, s1;
	[sflag:s0] =	ssyncset.done @!p0 $0x0  }
0xb4: {  	[sflag:s0] =	ssyncadd.s32 @!p0 s1  }
0xb5: {  	[bflag:$0x3] =	sbarrier.arrive $0xFFFF  }
0xb6: {  	_ =	shalt  }

</sc_bundles>
